<compile_context>
chip_gen: v7x
topology: tpu7x:2x2x1
jax: 0.10.2.dev20260603
libtpu: 0.0.44.dev20260713+nightly
codegen_flags: <defaults>
</compile_context>

<pallas_src>
import functools

import jax
import jax.numpy as jnp
from jax import lax
from jax.experimental import pallas as pl
from jax.experimental.pallas import tpu as pltpu
from jax.experimental.pallas import tpu_sc as plsc

_D = 64
_S = 200
_B = 4096
_EPS = 1e-6
_N = _B * _S
_NW = 32
_BW = _B // _NW
_PER_W = _N // _NW
_CB = 16
_CS = 8
_CHUNK = _CB * _CS
_NSB = _S // _CS
_NCH = (_BW // _CB) * _NSB
_NBUF = 2
_L = 16


def _rsqrt(a):
    i = lax.bitcast_convert_type(a, jnp.int32)
    i = jnp.int32(0x5F3759DF) - lax.shift_right_logical(i, 1)
    y = lax.bitcast_convert_type(i, jnp.float32)
    ah = a * jnp.float32(0.5)
    y = y * (jnp.float32(1.5) - ah * y * y)
    y = y * (jnp.float32(1.5) - ah * y * y)
    return y


_mesh = plsc.VectorSubcoreMesh(core_axis_name="c", subcore_axis_name="s")


@functools.partial(
    pl.kernel,
    out_type=jax.ShapeDtypeStruct((_B, _S, _D), jnp.float32),
    mesh=_mesh,
    scratch_types=[
        pltpu.VMEM((_PER_W,), jnp.int32),
        pltpu.VMEM((104, 2 * _D), jnp.float32),
        pltpu.VMEM((2, _D), jnp.float32),
        pltpu.VMEM((_CHUNK,), jnp.int32),
        pltpu.VMEM((_CHUNK,), jnp.int32),
        pltpu.VMEM((_CHUNK, 2 * _D), jnp.float32),
        pltpu.VMEM((_CHUNK, 2 * _D), jnp.float32),
        pltpu.VMEM((_CB, _CS, _D), jnp.float32),
        pltpu.VMEM((_CB, _CS, _D), jnp.float32),
        pltpu.SemaphoreType.DMA,
        pltpu.SemaphoreType.DMA,
        pltpu.SemaphoreType.DMA,
        pltpu.SemaphoreType.DMA,
    ],
    compiler_params=pltpu.CompilerParams(needs_layout_passes=False),
)
def _emb(ids_hbm, tok_hbm, pos_hbm, scale_hbm, bias_hbm, out_hbm,
         ids_v, pos_v, sb_v, ix0, ix1, in0, in1,
         ot0, ot1, sg0, sg1, so0, so1):
    wid = lax.axis_index("s") * 2 + lax.axis_index("c")
    ix = (ix0, ix1)
    in_bufs = (in0, in1)
    out_bufs = (ot0, ot1)
    sem_g = (sg0, sg1)
    sem_o = (so0, so1)

    pltpu.sync_copy(ids_hbm.at[pl.ds(wid * _PER_W, _PER_W)], ids_v)
    pltpu.sync_copy(pos_hbm.at[pl.ds(0, 104)], pos_v)
    pltpu.sync_copy(scale_hbm, sb_v.at[0])
    pltpu.sync_copy(bias_hbm, sb_v.at[1])

    scale_r = [sb_v[0, pl.ds(_L * j, _L)] for j in range(_D // _L)]
    bias_r = [sb_v[1, pl.ds(_L * j, _L)] for j in range(_D // _L)]
    iota = lax.iota(jnp.int32, _L)
    pat = (iota // 8) * jnp.int32(_S) + (iota % 8)

    def start_gather(g, b):
        bb = g // _NSB
        sc = g % _NSB
        c0 = bb * (_CB * _S) + sc * _CS
        for k in range(_CHUNK // _L):
            toks = plsc.load_gather(ids_v, [pat + (c0 + 400 * k)])
            ix[b][pl.ds(k * _L, _L)] = toks
        pltpu.async_copy(tok_hbm.at[ix[b]], in_bufs[b], sem_g[b])

    def compute(b, sc):
        buf_in = in_bufs[b]
        buf_out = out_bufs[b]
        s0 = sc * _CS

        @plsc.parallel_loop(0, _CHUNK, unroll=4)
        def _row(r):
            b_ = r // _CS
            s_ = r % _CS
            s = s0 + s_
            prow = s // 2
            poff = (s % 2) * _D
            x = [buf_in[r, pl.ds(_L * j, _L)]
                 + pos_v[prow, pl.ds(poff + _L * j, _L)]
                 for j in range(_D // _L)]
            ssum = (x[0] + x[1]) + (x[2] + x[3])
            mean = jnp.broadcast_to(
                jnp.sum(ssum) * jnp.float32(1.0 / _D), (_L,))
            d = [xj - mean for xj in x]
            vsum = (d[0] * d[0] + d[1] * d[1]) + (d[2] * d[2] + d[3] * d[3])
            var = jnp.broadcast_to(
                jnp.sum(vsum) * jnp.float32(1.0 / _D), (_L,))
            rs = _rsqrt(var + jnp.float32(_EPS))
            for j in range(_D // _L):
                buf_out[b_, s_, pl.ds(_L * j, _L)] = (
                    d[j] * (rs * scale_r[j]) + bias_r[j])

    for b in range(_NBUF):
        start_gather(jnp.int32(b), b)

    def outer(m, carry):
        base = m * _NBUF
        for b in range(_NBUF):
            g = base + b
            pltpu.make_async_copy(tok_hbm.at[pl.ds(0, _CHUNK)], in_bufs[b],
                                  sem_g[b]).wait()

            @pl.when(g >= _NBUF)
            def _():
                pltpu.make_async_copy(
                    out_bufs[b],
                    out_hbm.at[pl.ds(0, _CB), pl.ds(0, _CS), :],
                    sem_o[b]).wait()

            bb = g // _NSB
            sc = g % _NSB
            compute(b, sc)
            b0 = wid * _BW + bb * _CB
            pltpu.async_copy(
                out_bufs[b],
                out_hbm.at[pl.ds(b0, _CB), pl.ds(sc * _CS, _CS), :],
                sem_o[b])

            @pl.when(g + _NBUF < _NCH)
            def _():
                start_gather(g + _NBUF, b)

        return carry

    lax.fori_loop(0, _NCH // _NBUF, outer, jnp.int32(0))

    for b in range(_NBUF):
        pltpu.make_async_copy(out_bufs[b],
                              out_hbm.at[pl.ds(0, _CB), pl.ds(0, _CS), :],
                              sem_o[b]).wait()


def kernel(input_ids, token_emb_w, pos_emb_w, ln_scale, ln_bias):
    ids = input_ids.reshape(_N)
    tok2 = jnp.pad(token_emb_w, ((0, 0), (0, _D)))
    pos2 = pos_emb_w.reshape(256, 2 * _D)
    return _emb(ids, tok2, pos2, ln_scale, ln_bias)

# --- scband reference (transcript-rebuilt; emitter-appended) ---
"""Pipeline reference for scband-transformer-embeddings-70901320123146 (READ-ONLY COPY).

The authoritative reference and input builder live on the scoring server;
editing this copy changes nothing except your own understanding.
"""

import jax, jax.numpy as jnp
import numpy as np

VOCAB = 1000000
D = 64
MAX_POS = 512
B = 4096
S = 200
EPS = 1e-6


def setup_inputs(seed: int = 0) -> dict:
    key = jax.random.key(seed)
    k1, k2, k3 = jax.random.split(key, 3)
    input_ids = jax.random.randint(k1, (B, S), 0, VOCAB, dtype=jnp.int32)
    token_emb_w = jax.random.normal(k2, (VOCAB, D), dtype=jnp.float32) * 0.02
    pos_emb_w = jax.random.normal(k3, (MAX_POS, D), dtype=jnp.float32) * 0.02
    ln_scale = jnp.ones((D,), dtype=jnp.float32)
    ln_bias = jnp.zeros((D,), dtype=jnp.float32)
    return {
        "input_ids": input_ids,
        "token_emb_w": token_emb_w,
        "pos_emb_w": pos_emb_w,
        "ln_scale": ln_scale,
        "ln_bias": ln_bias,
    }


def _layernorm(x, scale, bias):
    mean = jnp.mean(x, axis=-1, keepdims=True)
    var = jnp.mean(jnp.square(x - mean), axis=-1, keepdims=True)
    x = (x - mean) * jax.lax.rsqrt(var + EPS)
    return x * scale + bias


def reference(input_ids, token_emb_w, pos_emb_w, ln_scale, ln_bias):
    # token embedding lookup (gather)
    x = jnp.take(token_emb_w, input_ids, axis=0)
    # positional embedding: default positions = arange(seq_len)
    positions = jnp.arange(input_ids.shape[1], dtype=jnp.int32)
    x = x + jnp.take(pos_emb_w, positions, axis=0)[None, :, :]
    # layernorm
    x = _layernorm(x, ln_scale, ln_bias)
    return x

if __name__ == "__main__":
    import jax
    _d = setup_inputs()
    print(jax.jit(kernel)(*tuple(_d.values())))

</pallas_src>

<mosaic_0001>
#map = affine_map<(d0, d1) -> (0)>
#map1 = affine_map<(d0, d1) -> (0, 0)>
#map2 = affine_map<(d0, d1) -> (0, 0, 0)>
module attributes {stable_mosaic.version = 14 : i64} {
  func.func @_emb(%arg0: i32, %arg1: i32, %arg2: memref<819200xi32, #tpu.memory_space<hbm>>, %arg3: memref<1000000x128xf32, #tpu.memory_space<hbm>>, %arg4: memref<256x128xf32, #tpu.memory_space<hbm>>, %arg5: memref<64xf32, #tpu.memory_space<hbm>>, %arg6: memref<64xf32, #tpu.memory_space<hbm>>, %arg7: memref<4096x200x64xf32, #tpu.memory_space<hbm>>, %arg8: memref<25600xi32, #tpu.memory_space<vmem>>, %arg9: memref<104x128xf32, #tpu.memory_space<vmem>>, %arg10: memref<2x64xf32, #tpu.memory_space<vmem>>, %arg11: memref<128xi32, #tpu.memory_space<vmem>>, %arg12: memref<128xi32, #tpu.memory_space<vmem>>, %arg13: memref<128x128xf32, #tpu.memory_space<vmem>>, %arg14: memref<128x128xf32, #tpu.memory_space<vmem>>, %arg15: memref<16x8x64xf32, #tpu.memory_space<vmem>>, %arg16: memref<16x8x64xf32, #tpu.memory_space<vmem>>, %arg17: memref<!tpu.dma_semaphore, #tpu.memory_space<semaphore_mem>>, %arg18: memref<!tpu.dma_semaphore, #tpu.memory_space<semaphore_mem>>, %arg19: memref<!tpu.dma_semaphore, #tpu.memory_space<semaphore_mem>>, %arg20: memref<!tpu.dma_semaphore, #tpu.memory_space<semaphore_mem>>) attributes {dimension_semantics = [#tpu.dimension_semantics<core_parallel>, #tpu.dimension_semantics<subcore_parallel>], iteration_bounds = array<i64: 2, 16>, scalar_prefetch = 0 : i64, scratch_operands = 13 : i64, tpu.core_type = #tpu.core_type<sc_vector_subcore>, window_params = [{transform_indices = #map}, {transform_indices = #map1}, {transform_indices = #map1}, {transform_indices = #map}, {transform_indices = #map}, {transform_indices = #map2}]} {
    %mul3A = arith.constant 2 : i32
    %mul3A_0 = arith.muli %arg1, %mul3A : i32
    %add3A = arith.addi %mul3A_0, %arg0 : i32
    %mul3A_1 = arith.constant 25600 : i32
    %mul3A_2 = arith.muli %add3A, %mul3A_1 : i32
    "tpu.region"() ({
      %run_scoped3A_311 = tpu.sem_alloc : memref<!tpu.dma_semaphore, #tpu.memory_space<semaphore_mem>>
      %dma_start3A_312 = tpu.memref_slice %arg2[%mul3A_2] : memref<819200xi32, #tpu.memory_space<hbm>> -> memref<25600xi32, #tpu.memory_space<hbm>>
      %dma_start3A_313 = tpu.memref_slice %arg2[%mul3A_2] : memref<819200xi32, #tpu.memory_space<hbm>> -> memref<25600xi32, #tpu.memory_space<hbm>>
      tpu.enqueue_dma source(%dma_start3A_313 : memref<25600xi32, #tpu.memory_space<hbm>>) target(%arg8 : memref<25600xi32, #tpu.memory_space<vmem>>) target_semaphore(%run_scoped3A_311 : memref<!tpu.dma_semaphore, #tpu.memory_space<semaphore_mem>>)
      %dma_wait3A_314 = tpu.memref_slice %arg2[%mul3A_2] : memref<819200xi32, #tpu.memory_space<hbm>> -> memref<25600xi32, #tpu.memory_space<hbm>>
      %dma_wait3A_315 = tpu.memref_slice %arg2[%mul3A_2] : memref<819200xi32, #tpu.memory_space<hbm>> -> memref<25600xi32, #tpu.memory_space<hbm>>
      tpu.wait_dma2 semaphore(%run_scoped3A_311 : memref<!tpu.dma_semaphore, #tpu.memory_space<semaphore_mem>>) src(%dma_wait3A_315 : memref<25600xi32, #tpu.memory_space<hbm>>) dst(%arg8 : memref<25600xi32, #tpu.memory_space<vmem>>)
      tpu.yield
    }) : () -> ()
    "tpu.region"() ({
      %run_scoped3A_311 = tpu.sem_alloc : memref<!tpu.dma_semaphore, #tpu.memory_space<semaphore_mem>>
      %dma_start3A_312 = arith.constant 0 : i32
      %dma_start3A_313 = arith.constant 0 : i32
      %dma_start3A_314 = tpu.memref_slice %arg4[%dma_start3A_312, %dma_start3A_313] : memref<256x128xf32, #tpu.memory_space<hbm>> -> memref<104x128xf32, #tpu.memory_space<hbm>>
      %dma_start3A_315 = arith.constant 0 : i32
      %dma_start3A_316 = arith.constant 0 : i32
      %dma_start3A_317 = tpu.memref_slice %arg4[%dma_start3A_315, %dma_start3A_316] : memref<256x128xf32, #tpu.memory_space<hbm>> -> memref<104x128xf32, #tpu.memory_space<hbm>>
      tpu.enqueue_dma source(%dma_start3A_317 : memref<104x128xf32, #tpu.memory_space<hbm>>) target(%arg9 : memref<104x128xf32, #tpu.memory_space<vmem>>) target_semaphore(%run_scoped3A_311 : memref<!tpu.dma_semaphore, #tpu.memory_space<semaphore_mem>>)
      %dma_wait3A_318 = arith.constant 0 : i32
      %dma_wait3A_319 = arith.constant 0 : i32
      %dma_wait3A_320 = tpu.memref_slice %arg4[%dma_wait3A_318, %dma_wait3A_319] : memref<256x128xf32, #tpu.memory_space<hbm>> -> memref<104x128xf32, #tpu.memory_space<hbm>>
      %dma_wait3A_321 = arith.constant 0 : i32
      %dma_wait3A_322 = arith.constant 0 : i32
      %dma_wait3A_323 = tpu.memref_slice %arg4[%dma_wait3A_321, %dma_wait3A_322] : memref<256x128xf32, #tpu.memory_space<hbm>> -> memref<104x128xf32, #tpu.memory_space<hbm>>
      tpu.wait_dma2 semaphore(%run_scoped3A_311 : memref<!tpu.dma_semaphore, #tpu.memory_space<semaphore_mem>>) src(%dma_wait3A_323 : memref<104x128xf32, #tpu.memory_space<hbm>>) dst(%arg9 : memref<104x128xf32, #tpu.memory_space<vmem>>)
      tpu.yield
    }) : () -> ()
    %run_scoped3A = arith.constant 0 : i32
    "tpu.region"() ({
      %run_scoped3A_311 = tpu.sem_alloc : memref<!tpu.dma_semaphore, #tpu.memory_space<semaphore_mem>>
      %dma_start3A_312 = arith.constant 0 : i32
      %dma_start3A_313 = tpu.memref_slice %arg10[%run_scoped3A, %dma_start3A_312] : memref<2x64xf32, #tpu.memory_space<vmem>> -> memref<1x64xf32, #tpu.memory_space<vmem>>
      %dma_start3A_314 = tpu.memref_squeeze %dma_start3A_313 : memref<1x64xf32, #tpu.memory_space<vmem>> -> memref<64xf32, #tpu.memory_space<vmem>>
      %dma_start3A_315 = arith.constant 0 : i32
      %dma_start3A_316 = tpu.memref_slice %arg10[%run_scoped3A, %dma_start3A_315] : memref<2x64xf32, #tpu.memory_space<vmem>> -> memref<1x64xf32, #tpu.memory_space<vmem>>
      %dma_start3A_317 = tpu.memref_squeeze %dma_start3A_316 : memref<1x64xf32, #tpu.memory_space<vmem>> -> memref<64xf32, #tpu.memory_space<vmem>>
      tpu.enqueue_dma source(%arg5 : memref<64xf32, #tpu.memory_space<hbm>>) target(%dma_start3A_317 : memref<64xf32, #tpu.memory_space<vmem>>) target_semaphore(%run_scoped3A_311 : memref<!tpu.dma_semaphore, #tpu.memory_space<semaphore_mem>>)
      %dma_wait3A_318 = arith.constant 0 : i32
      %dma_wait3A_319 = tpu.memref_slice %arg10[%run_scoped3A, %dma_wait3A_318] : memref<2x64xf32, #tpu.memory_space<vmem>> -> memref<1x64xf32, #tpu.memory_space<vmem>>
      %dma_wait3A_320 = tpu.memref_squeeze %dma_wait3A_319 : memref<1x64xf32, #tpu.memory_space<vmem>> -> memref<64xf32, #tpu.memory_space<vmem>>
      %dma_wait3A_321 = arith.constant 0 : i32
      %dma_wait3A_322 = tpu.memref_slice %arg10[%run_scoped3A, %dma_wait3A_321] : memref<2x64xf32, #tpu.memory_space<vmem>> -> memref<1x64xf32, #tpu.memory_space<vmem>>
      %dma_wait3A_323 = tpu.memref_squeeze %dma_wait3A_322 : memref<1x64xf32, #tpu.memory_space<vmem>> -> memref<64xf32, #tpu.memory_space<vmem>>
      tpu.wait_dma2 semaphore(%run_scoped3A_311 : memref<!tpu.dma_semaphore, #tpu.memory_space<semaphore_mem>>) src(%arg5 : memref<64xf32, #tpu.memory_space<hbm>>) dst(%dma_wait3A_323 : memref<64xf32, #tpu.memory_space<vmem>>)
      tpu.yield
    }) : () -> ()
    %run_scoped3A_3 = arith.constant 1 : i32
    "tpu.region"() ({
      %run_scoped3A_311 = tpu.sem_alloc : memref<!tpu.dma_semaphore, #tpu.memory_space<semaphore_mem>>
      %dma_start3A_312 = arith.constant 0 : i32
      %dma_start3A_313 = tpu.memref_slice %arg10[%run_scoped3A_3, %dma_start3A_312] : memref<2x64xf32, #tpu.memory_space<vmem>> -> memref<1x64xf32, #tpu.memory_space<vmem>>
      %dma_start3A_314 = tpu.memref_squeeze %dma_start3A_313 : memref<1x64xf32, #tpu.memory_space<vmem>> -> memref<64xf32, #tpu.memory_space<vmem>>
      %dma_start3A_315 = arith.constant 0 : i32
      %dma_start3A_316 = tpu.memref_slice %arg10[%run_scoped3A_3, %dma_start3A_315] : memref<2x64xf32, #tpu.memory_space<vmem>> -> memref<1x64xf32, #tpu.memory_space<vmem>>
      %dma_start3A_317 = tpu.memref_squeeze %dma_start3A_316 : memref<1x64xf32, #tpu.memory_space<vmem>> -> memref<64xf32, #tpu.memory_space<vmem>>
      tpu.enqueue_dma source(%arg6 : memref<64xf32, #tpu.memory_space<hbm>>) target(%dma_start3A_317 : memref<64xf32, #tpu.memory_space<vmem>>) target_semaphore(%run_scoped3A_311 : memref<!tpu.dma_semaphore, #tpu.memory_space<semaphore_mem>>)
      %dma_wait3A_318 = arith.constant 0 : i32
      %dma_wait3A_319 = tpu.memref_slice %arg10[%run_scoped3A_3, %dma_wait3A_318] : memref<2x64xf32, #tpu.memory_space<vmem>> -> memref<1x64xf32, #tpu.memory_space<vmem>>
      %dma_wait3A_320 = tpu.memref_squeeze %dma_wait3A_319 : memref<1x64xf32, #tpu.memory_space<vmem>> -> memref<64xf32, #tpu.memory_space<vmem>>
      %dma_wait3A_321 = arith.constant 0 : i32
      %dma_wait3A_322 = tpu.memref_slice %arg10[%run_scoped3A_3, %dma_wait3A_321] : memref<2x64xf32, #tpu.memory_space<vmem>> -> memref<1x64xf32, #tpu.memory_space<vmem>>
      %dma_wait3A_323 = tpu.memref_squeeze %dma_wait3A_322 : memref<1x64xf32, #tpu.memory_space<vmem>> -> memref<64xf32, #tpu.memory_space<vmem>>
      tpu.wait_dma2 semaphore(%run_scoped3A_311 : memref<!tpu.dma_semaphore, #tpu.memory_space<semaphore_mem>>) src(%arg6 : memref<64xf32, #tpu.memory_space<hbm>>) dst(%dma_wait3A_323 : memref<64xf32, #tpu.memory_space<vmem>>)
      tpu.yield
    }) : () -> ()
    %get3A = arith.constant 0 : i32
    %get3A_4 = arith.index_cast %get3A : i32 to index
    %get3A_5 = arith.constant 0 : index
    %get3A_6 = tpu.vector_load %arg10[%get3A_4, %get3A_5] {strides = array<i32>} : memref<2x64xf32, #tpu.memory_space<vmem>>, vector<16xf32>,
    %get3A_7 = arith.constant 0 : i32
    %get3A_8 = arith.index_cast %get3A_7 : i32 to index
    %get3A_9 = arith.constant 16 : index
    %get3A_10 = tpu.vector_load %arg10[%get3A_8, %get3A_9] {strides = array<i32>} : memref<2x64xf32, #tpu.memory_space<vmem>>, vector<16xf32>,
    %get3A_11 = arith.constant 0 : i32
    %get3A_12 = arith.index_cast %get3A_11 : i32 to index
    %get3A_13 = arith.constant 32 : index
    %get3A_14 = tpu.vector_load %arg10[%get3A_12, %get3A_13] {strides = array<i32>} : memref<2x64xf32, #tpu.memory_space<vmem>>, vector<16xf32>,
    %get3A_15 = arith.constant 0 : i32
    %get3A_16 = arith.index_cast %get3A_15 : i32 to index
    %get3A_17 = arith.constant 48 : index
    %get3A_18 = tpu.vector_load %arg10[%get3A_16, %get3A_17] {strides = array<i32>} : memref<2x64xf32, #tpu.memory_space<vmem>>, vector<16xf32>,
    %get3A_19 = arith.constant 1 : i32
    %get3A_20 = arith.index_cast %get3A_19 : i32 to index
    %get3A_21 = arith.constant 0 : index
    %get3A_22 = tpu.vector_load %arg10[%get3A_20, %get3A_21] {strides = array<i32>} : memref<2x64xf32, #tpu.memory_space<vmem>>, vector<16xf32>,
    %get3A_23 = arith.constant 1 : i32
    %get3A_24 = arith.index_cast %get3A_23 : i32 to index
    %get3A_25 = arith.constant 16 : index
    %get3A_26 = tpu.vector_load %arg10[%get3A_24, %get3A_25] {strides = array<i32>} : memref<2x64xf32, #tpu.memory_space<vmem>>, vector<16xf32>,
    %get3A_27 = arith.constant 1 : i32
    %get3A_28 = arith.index_cast %get3A_27 : i32 to index
    %get3A_29 = arith.constant 32 : index
    %get3A_30 = tpu.vector_load %arg10[%get3A_28, %get3A_29] {strides = array<i32>} : memref<2x64xf32, #tpu.memory_space<vmem>>, vector<16xf32>,
    %get3A_31 = arith.constant 1 : i32
    %get3A_32 = arith.index_cast %get3A_31 : i32 to index
    %get3A_33 = arith.constant 48 : index
    %get3A_34 = tpu.vector_load %arg10[%get3A_32, %get3A_33] {strides = array<i32>} : memref<2x64xf32, #tpu.memory_space<vmem>>, vector<16xf32>,
    %iota3A = tpu.iota {dimensions = array<i32: 0>} : vector<16xi32>
    %jit3A = arith.constant 8 : i32
    %div3A = vector.broadcast %jit3A : i32 to vector<16xi32>
    %div3A_35 = arith.divsi %iota3A, %div3A : vector<16xi32>
    %sign3A = arith.constant 0 : i32
    %sign3A_36 = vector.broadcast %sign3A : i32 to vector<16xi32>
    %sign3A_37 = arith.cmpi sgt, %iota3A, %sign3A_36 : vector<16xi32>
    %sign3A_38 = arith.extui %sign3A_37 : vector<16xi1> to vector<16xi32>
    %sign3A_39 = arith.constant 0 : i32
    %sign3A_40 = vector.broadcast %sign3A_39 : i32 to vector<16xi32>
    %sign3A_41 = arith.cmpi slt, %iota3A, %sign3A_40 : vector<16xi32>
    %sign3A_42 = arith.extui %sign3A_41 : vector<16xi1> to vector<16xi32>
    %sign3A_43 = arith.subi %sign3A_38, %sign3A_42 : vector<16xi32>
    %sign3A_44 = arith.constant 0 : i32
    %sign3A_45 = arith.cmpi sgt, %jit3A, %sign3A_44 : i32
    %sign3A_46 = arith.extui %sign3A_45 : i1 to i32
    %sign3A_47 = arith.constant 0 : i32
    %sign3A_48 = arith.cmpi slt, %jit3A, %sign3A_47 : i32
    %sign3A_49 = arith.extui %sign3A_48 : i1 to i32
    %sign3A_50 = arith.subi %sign3A_46, %sign3A_49 : i32
    %ne3A = vector.broadcast %sign3A_50 : i32 to vector<16xi32>
    %ne3A_51 = arith.cmpi ne, %sign3A_43, %ne3A : vector<16xi32>
    %rem3A = vector.broadcast %jit3A : i32 to vector<16xi32>
    %rem3A_52 = arith.remsi %iota3A, %rem3A : vector<16xi32>
    %ne3A_53 = arith.constant 0 : i32
    %ne3A_54 = vector.broadcast %ne3A_53 : i32 to vector<16xi32>
    %ne3A_55 = arith.cmpi ne, %rem3A_52, %ne3A_54 : vector<16xi32>
    %and3A = arith.andi %ne3A_51, %ne3A_55 : vector<16xi1>
    %sub3A = arith.constant 1 : i32
    %sub3A_56 = vector.broadcast %sub3A : i32 to vector<16xi32>
    %sub3A_57 = arith.subi %div3A_35, %sub3A_56 : vector<16xi32>
    %select_n3A = arith.select %and3A, %sub3A_57, %div3A_35 : vector<16xi1>, vector<16xi32>
    %mul3A_58 = arith.constant 200 : i32
    %mul3A_59 = vector.broadcast %mul3A_58 : i32 to vector<16xi32>
    %mul3A_60 = arith.muli %select_n3A, %mul3A_59 : vector<16xi32>
    %jit3A_61 = arith.constant 8 : i32
    %eq3A = arith.constant 0 : i32
    %eq3A_62 = arith.cmpi eq, %jit3A_61, %eq3A : i32
    %jit3A_63 = arith.constant 1 : i32
    %select_n3A_64 = arith.select %eq3A_62, %jit3A_63, %jit3A_61 : i32
    %rem3A_65 = vector.broadcast %select_n3A_64 : i32 to vector<16xi32>
    %rem3A_66 = arith.remsi %iota3A, %rem3A_65 : vector<16xi32>
    %ne3A_67 = arith.constant 0 : i32
    %ne3A_68 = vector.broadcast %ne3A_67 : i32 to vector<16xi32>
    %ne3A_69 = arith.cmpi ne, %rem3A_66, %ne3A_68 : vector<16xi32>
    %lt3A = arith.constant 0 : i32
    %lt3A_70 = vector.broadcast %lt3A : i32 to vector<16xi32>
    %lt3A_71 = arith.cmpi slt, %rem3A_66, %lt3A_70 : vector<16xi32>
    %lt3A_72 = arith.constant 0 : i32
    %lt3A_73 = arith.cmpi slt, %select_n3A_64, %lt3A_72 : i32
    %ne3A_74 = vector.broadcast %lt3A_73 : i1 to vector<16xi1>
    %ne3A_75 = vector.broadcast %ne3A_74 : vector<16xi1> to vector<16xi1>
    %ne3A_76 = arith.xori %lt3A_71, %ne3A_75 : vector<16xi1>
    %and3A_77 = arith.andi %ne3A_76, %ne3A_69 : vector<16xi1>
    %add3A_78 = vector.broadcast %select_n3A_64 : i32 to vector<16xi32>
    %add3A_79 = arith.addi %rem3A_66, %add3A_78 : vector<16xi32>
    %select_n3A_80 = arith.select %and3A_77, %add3A_79, %rem3A_66 : vector<16xi1>, vector<16xi32>
    %add3A_81 = arith.addi %mul3A_60, %select_n3A_80 : vector<16xi32>
    %jit3A_82 = arith.constant 0 : i32
    %jit3A_83 = arith.constant 25 : i32
    %div3A_84 = arith.divsi %jit3A_82, %jit3A_83 : i32
    %sign3A_85 = arith.constant 0 : i32
    %sign3A_86 = arith.cmpi sgt, %jit3A_82, %sign3A_85 : i32
    %sign3A_87 = arith.extui %sign3A_86 : i1 to i32
    %sign3A_88 = arith.constant 0 : i32
    %sign3A_89 = arith.cmpi slt, %jit3A_82, %sign3A_88 : i32
    %sign3A_90 = arith.extui %sign3A_89 : i1 to i32
    %sign3A_91 = arith.subi %sign3A_87, %sign3A_90 : i32
    %sign3A_92 = arith.constant 0 : i32
    %sign3A_93 = arith.cmpi sgt, %jit3A_83, %sign3A_92 : i32
    %sign3A_94 = arith.extui %sign3A_93 : i1 to i32
    %sign3A_95 = arith.constant 0 : i32
    %sign3A_96 = arith.cmpi slt, %jit3A_83, %sign3A_95 : i32
    %sign3A_97 = arith.extui %sign3A_96 : i1 to i32
    %sign3A_98 = arith.subi %sign3A_94, %sign3A_97 : i32
    %ne3A_99 = arith.cmpi ne, %sign3A_91, %sign3A_98 : i32
    %rem3A_100 = arith.remsi %jit3A_82, %jit3A_83 : i32
    %ne3A_101 = arith.constant 0 : i32
    %ne3A_102 = arith.cmpi ne, %rem3A_100, %ne3A_101 : i32
    %and3A_103 = arith.andi %ne3A_99, %ne3A_102 : i1
    %sub3A_104 = arith.constant 1 : i32
    %sub3A_105 = arith.subi %div3A_84, %sub3A_104 : i32
    %select_n3A_106 = arith.select %and3A_103, %sub3A_105, %div3A_84 : i32
    %jit3A_107 = arith.constant 0 : i32
    %jit3A_108 = arith.constant 25 : i32
    %eq3A_109 = arith.constant 0 : i32
    %eq3A_110 = arith.cmpi eq, %jit3A_108, %eq3A_109 : i32
    %jit3A_111 = arith.constant 1 : i32
    %select_n3A_112 = arith.select %eq3A_110, %jit3A_111, %jit3A_108 : i32
    %rem3A_113 = arith.remsi %jit3A_107, %select_n3A_112 : i32
    %ne3A_114 = arith.constant 0 : i32
    %ne3A_115 = arith.cmpi ne, %rem3A_113, %ne3A_114 : i32
    %lt3A_116 = arith.constant 0 : i32
    %lt3A_117 = arith.cmpi slt, %rem3A_113, %lt3A_116 : i32
    %lt3A_118 = arith.constant 0 : i32
    %lt3A_119 = arith.cmpi slt, %select_n3A_112, %lt3A_118 : i32
    %ne3A_120 = arith.xori %lt3A_117, %lt3A_119 : i1
    %and3A_121 = arith.andi %ne3A_120, %ne3A_115 : i1
    %add3A_122 = arith.addi %rem3A_113, %select_n3A_112 : i32
    %select_n3A_123 = arith.select %and3A_121, %add3A_122, %rem3A_113 : i32
    %mul3A_124 = arith.constant 3200 : i32
    %mul3A_125 = arith.muli %select_n3A_106, %mul3A_124 : i32
    %mul3A_126 = arith.constant 8 : i32
    %mul3A_127 = arith.muli %select_n3A_123, %mul3A_126 : i32
    %add3A_128 = arith.addi %mul3A_125, %mul3A_127 : i32
    %add3A_129 = arith.constant 0 : i32
    %add3A_130 = arith.addi %add3A_128, %add3A_129 : i32
    %add3A_131 = vector.broadcast %add3A_130 : i32 to vector<16xi32>
    %add3A_132 = arith.addi %add3A_81, %add3A_131 : vector<16xi32>
    %gather3A = tpu.vector_load_idx %arg8[%add3A_132] : memref<25600xi32, #tpu.memory_space<vmem>>[vector<16xi32>], vector<16xi32>,
    %swap3A = arith.constant 0 : index
    %swap3A_133 = tpu.vector_load %arg11[%swap3A] {strides = array<i32>} : memref<128xi32, #tpu.memory_space<vmem>>, vector<16xi32>,
    tpu.vector_store %arg11[%swap3A], %gather3A {strides = array<i32>} : memref<128xi32, #tpu.memory_space<vmem>>, vector<16xi32>,
    %add3A_134 = arith.constant 400 : i32
    %add3A_135 = arith.addi %add3A_128, %add3A_134 : i32
    %add3A_136 = vector.broadcast %add3A_135 : i32 to vector<16xi32>
    %add3A_137 = arith.addi %add3A_81, %add3A_136 : vector<16xi32>
    %gather3A_138 = tpu.vector_load_idx %arg8[%add3A_137] : memref<25600xi32, #tpu.memory_space<vmem>>[vector<16xi32>], vector<16xi32>,
    %swap3A_139 = arith.constant 16 : index
    %swap3A_140 = tpu.vector_load %arg11[%swap3A_139] {strides = array<i32>} : memref<128xi32, #tpu.memory_space<vmem>>, vector<16xi32>,
    tpu.vector_store %arg11[%swap3A_139], %gather3A_138 {strides = array<i32>} : memref<128xi32, #tpu.memory_space<vmem>>, vector<16xi32>,
    %add3A_141 = arith.constant 800 : i32
    %add3A_142 = arith.addi %add3A_128, %add3A_141 : i32
    %add3A_143 = vector.broadcast %add3A_142 : i32 to vector<16xi32>
    %add3A_144 = arith.addi %add3A_81, %add3A_143 : vector<16xi32>
    %gather3A_145 = tpu.vector_load_idx %arg8[%add3A_144] : memref<25600xi32, #tpu.memory_space<vmem>>[vector<16xi32>], vector<16xi32>,
    %swap3A_146 = arith.constant 32 : index
    %swap3A_147 = tpu.vector_load %arg11[%swap3A_146] {strides = array<i32>} : memref<128xi32, #tpu.memory_space<vmem>>, vector<16xi32>,
    tpu.vector_store %arg11[%swap3A_146], %gather3A_145 {strides = array<i32>} : memref<128xi32, #tpu.memory_space<vmem>>, vector<16xi32>,
    %add3A_148 = arith.constant 1200 : i32
    %add3A_149 = arith.addi %add3A_128, %add3A_148 : i32
    %add3A_150 = vector.broadcast %add3A_149 : i32 to vector<16xi32>
    %add3A_151 = arith.addi %add3A_81, %add3A_150 : vector<16xi32>
    %gather3A_152 = tpu.vector_load_idx %arg8[%add3A_151] : memref<25600xi32, #tpu.memory_space<vmem>>[vector<16xi32>], vector<16xi32>,
    %swap3A_153 = arith.constant 48 : index
    %swap3A_154 = tpu.vector_load %arg11[%swap3A_153] {strides = array<i32>} : memref<128xi32, #tpu.memory_space<vmem>>, vector<16xi32>,
    tpu.vector_store %arg11[%swap3A_153], %gather3A_152 {strides = array<i32>} : memref<128xi32, #tpu.memory_space<vmem>>, vector<16xi32>,
    %add3A_155 = arith.constant 1600 : i32
    %add3A_156 = arith.addi %add3A_128, %add3A_155 : i32
    %add3A_157 = vector.broadcast %add3A_156 : i32 to vector<16xi32>
    %add3A_158 = arith.addi %add3A_81, %add3A_157 : vector<16xi32>
    %gather3A_159 = tpu.vector_load_idx %arg8[%add3A_158] : memref<25600xi32, #tpu.memory_space<vmem>>[vector<16xi32>], vector<16xi32>,
    %swap3A_160 = arith.constant 64 : index
    %swap3A_161 = tpu.vector_load %arg11[%swap3A_160] {strides = array<i32>} : memref<128xi32, #tpu.memory_space<vmem>>, vector<16xi32>,
    tpu.vector_store %arg11[%swap3A_160], %gather3A_159 {strides = array<i32>} : memref<128xi32, #tpu.memory_space<vmem>>, vector<16xi32>,
    %add3A_162 = arith.constant 2000 : i32
    %add3A_163 = arith.addi %add3A_128, %add3A_162 : i32
    %add3A_164 = vector.broadcast %add3A_163 : i32 to vector<16xi32>
    %add3A_165 = arith.addi %add3A_81, %add3A_164 : vector<16xi32>
    %gather3A_166 = tpu.vector_load_idx %arg8[%add3A_165] : memref<25600xi32, #tpu.memory_space<vmem>>[vector<16xi32>], vector<16xi32>,
    %swap3A_167 = arith.constant 80 : index
    %swap3A_168 = tpu.vector_load %arg11[%swap3A_167] {strides = array<i32>} : memref<128xi32, #tpu.memory_space<vmem>>, vector<16xi32>,
    tpu.vector_store %arg11[%swap3A_167], %gather3A_166 {strides = array<i32>} : memref<128xi32, #tpu.memory_space<vmem>>, vector<16xi32>,
    %add3A_169 = arith.constant 2400 : i32
    %add3A_170 = arith.addi %add3A_128, %add3A_169 : i32
    %add3A_171 = vector.broadcast %add3A_170 : i32 to vector<16xi32>
    %add3A_172 = arith.addi %add3A_81, %add3A_171 : vector<16xi32>
    %gather3A_173 = tpu.vector_load_idx %arg8[%add3A_172] : memref<25600xi32, #tpu.memory_space<vmem>>[vector<16xi32>], vector<16xi32>,
    %swap3A_174 = arith.constant 96 : index
    %swap3A_175 = tpu.vector_load %arg11[%swap3A_174] {strides = array<i32>} : memref<128xi32, #tpu.memory_space<vmem>>, vector<16xi32>,
    tpu.vector_store %arg11[%swap3A_174], %gather3A_173 {strides = array<i32>} : memref<128xi32, #tpu.memory_space<vmem>>, vector<16xi32>,
    %add3A_176 = arith.constant 2800 : i32
    %add3A_177 = arith.addi %add3A_128, %add3A_176 : i32
    %add3A_178 = vector.broadcast %add3A_177 : i32 to vector<16xi32>
    %add3A_179 = arith.addi %add3A_81, %add3A_178 : vector<16xi32>
    %gather3A_180 = tpu.vector_load_idx %arg8[%add3A_179] : memref<25600xi32, #tpu.memory_space<vmem>>[vector<16xi32>], vector<16xi32>,
    %swap3A_181 = arith.constant 112 : index
    %swap3A_182 = tpu.vector_load %arg11[%swap3A_181] {strides = array<i32>} : memref<128xi32, #tpu.memory_space<vmem>>, vector<16xi32>,
    tpu.vector_store %arg11[%swap3A_181], %gather3A_180 {strides = array<i32>} : memref<128xi32, #tpu.memory_space<vmem>>, vector<16xi32>,
    %dma_start3A = arith.constant 0 : i32
    %dma_start3A_183 = arith.constant 0 : i32
    %dma_start3A_184 = tpu.memref_slice %arg3[%dma_start3A, %dma_start3A_183] : memref<1000000x128xf32, #tpu.memory_space<hbm>> -> memref<1000000x128xf32, #tpu.memory_space<hbm>>
    tpu.enqueue_indirect_dma source(%dma_start3A_184 : memref<1000000x128xf32, #tpu.memory_space<hbm>>) target(%arg13 : memref<128x128xf32, #tpu.memory_space<vmem>>) offsets(%arg11 : memref<128xi32, #tpu.memory_space<vmem>>) semaphore(%arg17 : memref<!tpu.dma_semaphore, #tpu.memory_space<semaphore_mem>>)
    %jit3A_185 = arith.constant 1 : i32
    %jit3A_186 = arith.constant 25 : i32
    %div3A_187 = arith.divsi %jit3A_185, %jit3A_186 : i32
    %sign3A_188 = arith.constant 0 : i32
    %sign3A_189 = arith.cmpi sgt, %jit3A_185, %sign3A_188 : i32
    %sign3A_190 = arith.extui %sign3A_189 : i1 to i32
    %sign3A_191 = arith.constant 0 : i32
    %sign3A_192 = arith.cmpi slt, %jit3A_185, %sign3A_191 : i32
    %sign3A_193 = arith.extui %sign3A_192 : i1 to i32
    %sign3A_194 = arith.subi %sign3A_190, %sign3A_193 : i32
    %sign3A_195 = arith.constant 0 : i32
    %sign3A_196 = arith.cmpi sgt, %jit3A_186, %sign3A_195 : i32
    %sign3A_197 = arith.extui %sign3A_196 : i1 to i32
    %sign3A_198 = arith.constant 0 : i32
    %sign3A_199 = arith.cmpi slt, %jit3A_186, %sign3A_198 : i32
    %sign3A_200 = arith.extui %sign3A_199 : i1 to i32
    %sign3A_201 = arith.subi %sign3A_197, %sign3A_200 : i32
    %ne3A_202 = arith.cmpi ne, %sign3A_194, %sign3A_201 : i32
    %rem3A_203 = arith.remsi %jit3A_185, %jit3A_186 : i32
    %ne3A_204 = arith.constant 0 : i32
    %ne3A_205 = arith.cmpi ne, %rem3A_203, %ne3A_204 : i32
    %and3A_206 = arith.andi %ne3A_202, %ne3A_205 : i1
    %sub3A_207 = arith.constant 1 : i32
    %sub3A_208 = arith.subi %div3A_187, %sub3A_207 : i32
    %select_n3A_209 = arith.select %and3A_206, %sub3A_208, %div3A_187 : i32
    %jit3A_210 = arith.constant 1 : i32
    %jit3A_211 = arith.constant 25 : i32
    %eq3A_212 = arith.constant 0 : i32
    %eq3A_213 = arith.cmpi eq, %jit3A_211, %eq3A_212 : i32
    %jit3A_214 = arith.constant 1 : i32
    %select_n3A_215 = arith.select %eq3A_213, %jit3A_214, %jit3A_211 : i32
    %rem3A_216 = arith.remsi %jit3A_210, %select_n3A_215 : i32
    %ne3A_217 = arith.constant 0 : i32
    %ne3A_218 = arith.cmpi ne, %rem3A_216, %ne3A_217 : i32
    %lt3A_219 = arith.constant 0 : i32
    %lt3A_220 = arith.cmpi slt, %rem3A_216, %lt3A_219 : i32
    %lt3A_221 = arith.constant 0 : i32
    %lt3A_222 = arith.cmpi slt, %select_n3A_215, %lt3A_221 : i32
    %ne3A_223 = arith.xori %lt3A_220, %lt3A_222 : i1
    %and3A_224 = arith.andi %ne3A_223, %ne3A_218 : i1
    %add3A_225 = arith.addi %rem3A_216, %select_n3A_215 : i32
    %select_n3A_226 = arith.select %and3A_224, %add3A_225, %rem3A_216 : i32
    %mul3A_227 = arith.constant 3200 : i32
    %mul3A_228 = arith.muli %select_n3A_209, %mul3A_227 : i32
    %mul3A_229 = arith.constant 8 : i32
    %mul3A_230 = arith.muli %select_n3A_226, %mul3A_229 : i32
    %add3A_231 = arith.addi %mul3A_228, %mul3A_230 : i32
    %add3A_232 = arith.constant 0 : i32
    %add3A_233 = arith.addi %add3A_231, %add3A_232 : i32
    %add3A_234 = vector.broadcast %add3A_233 : i32 to vector<16xi32>
    %add3A_235 = arith.addi %add3A_81, %add3A_234 : vector<16xi32>
    %gather3A_236 = tpu.vector_load_idx %arg8[%add3A_235] : memref<25600xi32, #tpu.memory_space<vmem>>[vector<16xi32>], vector<16xi32>,
    %swap3A_237 = arith.constant 0 : index
    %swap3A_238 = tpu.vector_load %arg12[%swap3A_237] {strides = array<i32>} : memref<128xi32, #tpu.memory_space<vmem>>, vector<16xi32>,
    tpu.vector_store %arg12[%swap3A_237], %gather3A_236 {strides = array<i32>} : memref<128xi32, #tpu.memory_space<vmem>>, vector<16xi32>,
    %add3A_239 = arith.constant 400 : i32
    %add3A_240 = arith.addi %add3A_231, %add3A_239 : i32
    %add3A_241 = vector.broadcast %add3A_240 : i32 to vector<16xi32>
    %add3A_242 = arith.addi %add3A_81, %add3A_241 : vector<16xi32>
    %gather3A_243 = tpu.vector_load_idx %arg8[%add3A_242] : memref<25600xi32, #tpu.memory_space<vmem>>[vector<16xi32>], vector<16xi32>,
    %swap3A_244 = arith.constant 16 : index
    %swap3A_245 = tpu.vector_load %arg12[%swap3A_244] {strides = array<i32>} : memref<128xi32, #tpu.memory_space<vmem>>, vector<16xi32>,
    tpu.vector_store %arg12[%swap3A_244], %gather3A_243 {strides = array<i32>} : memref<128xi32, #tpu.memory_space<vmem>>, vector<16xi32>,
    %add3A_246 = arith.constant 800 : i32
    %add3A_247 = arith.addi %add3A_231, %add3A_246 : i32
    %add3A_248 = vector.broadcast %add3A_247 : i32 to vector<16xi32>
    %add3A_249 = arith.addi %add3A_81, %add3A_248 : vector<16xi32>
    %gather3A_250 = tpu.vector_load_idx %arg8[%add3A_249] : memref<25600xi32, #tpu.memory_space<vmem>>[vector<16xi32>], vector<16xi32>,
    %swap3A_251 = arith.constant 32 : index
    %swap3A_252 = tpu.vector_load %arg12[%swap3A_251] {strides = array<i32>} : memref<128xi32, #tpu.memory_space<vmem>>, vector<16xi32>,
    tpu.vector_store %arg12[%swap3A_251], %gather3A_250 {strides = array<i32>} : memref<128xi32, #tpu.memory_space<vmem>>, vector<16xi32>,
    %add3A_253 = arith.constant 1200 : i32
    %add3A_254 = arith.addi %add3A_231, %add3A_253 : i32
    %add3A_255 = vector.broadcast %add3A_254 : i32 to vector<16xi32>
    %add3A_256 = arith.addi %add3A_81, %add3A_255 : vector<16xi32>
    %gather3A_257 = tpu.vector_load_idx %arg8[%add3A_256] : memref<25600xi32, #tpu.memory_space<vmem>>[vector<16xi32>], vector<16xi32>,
    %swap3A_258 = arith.constant 48 : index
    %swap3A_259 = tpu.vector_load %arg12[%swap3A_258] {strides = array<i32>} : memref<128xi32, #tpu.memory_space<vmem>>, vector<16xi32>,
    tpu.vector_store %arg12[%swap3A_258], %gather3A_257 {strides = array<i32>} : memref<128xi32, #tpu.memory_space<vmem>>, vector<16xi32>,
    %add3A_260 = arith.constant 1600 : i32
    %add3A_261 = arith.addi %add3A_231, %add3A_260 : i32
    %add3A_262 = vector.broadcast %add3A_261 : i32 to vector<16xi32>
    %add3A_263 = arith.addi %add3A_81, %add3A_262 : vector<16xi32>
    %gather3A_264 = tpu.vector_load_idx %arg8[%add3A_263] : memref<25600xi32, #tpu.memory_space<vmem>>[vector<16xi32>], vector<16xi32>,
    %swap3A_265 = arith.constant 64 : index
    %swap3A_266 = tpu.vector_load %arg12[%swap3A_265] {strides = array<i32>} : memref<128xi32, #tpu.memory_space<vmem>>, vector<16xi32>,
    tpu.vector_store %arg12[%swap3A_265], %gather3A_264 {strides = array<i32>} : memref<128xi32, #tpu.memory_space<vmem>>, vector<16xi32>,
    %add3A_267 = arith.constant 2000 : i32
    %add3A_268 = arith.addi %add3A_231, %add3A_267 : i32
    %add3A_269 = vector.broadcast %add3A_268 : i32 to vector<16xi32>
    %add3A_270 = arith.addi %add3A_81, %add3A_269 : vector<16xi32>
    %gather3A_271 = tpu.vector_load_idx %arg8[%add3A_270] : memref<25600xi32, #tpu.memory_space<vmem>>[vector<16xi32>], vector<16xi32>,
    %swap3A_272 = arith.constant 80 : index
    %swap3A_273 = tpu.vector_load %arg12[%swap3A_272] {strides = array<i32>} : memref<128xi32, #tpu.memory_space<vmem>>, vector<16xi32>,
    tpu.vector_store %arg12[%swap3A_272], %gather3A_271 {strides = array<i32>} : memref<128xi32, #tpu.memory_space<vmem>>, vector<16xi32>,
    %add3A_274 = arith.constant 2400 : i32
    %add3A_275 = arith.addi %add3A_231, %add3A_274 : i32
    %add3A_276 = vector.broadcast %add3A_275 : i32 to vector<16xi32>
    %add3A_277 = arith.addi %add3A_81, %add3A_276 : vector<16xi32>
    %gather3A_278 = tpu.vector_load_idx %arg8[%add3A_277] : memref<25600xi32, #tpu.memory_space<vmem>>[vector<16xi32>], vector<16xi32>,
    %swap3A_279 = arith.constant 96 : index
    %swap3A_280 = tpu.vector_load %arg12[%swap3A_279] {strides = array<i32>} : memref<128xi32, #tpu.memory_space<vmem>>, vector<16xi32>,
    tpu.vector_store %arg12[%swap3A_279], %gather3A_278 {strides = array<i32>} : memref<128xi32, #tpu.memory_space<vmem>>, vector<16xi32>,
    %add3A_281 = arith.constant 2800 : i32
    %add3A_282 = arith.addi %add3A_231, %add3A_281 : i32
    %add3A_283 = vector.broadcast %add3A_282 : i32 to vector<16xi32>
    %add3A_284 = arith.addi %add3A_81, %add3A_283 : vector<16xi32>
    %gather3A_285 = tpu.vector_load_idx %arg8[%add3A_284] : memref<25600xi32, #tpu.memory_space<vmem>>[vector<16xi32>], vector<16xi32>,
    %swap3A_286 = arith.constant 112 : index
    %swap3A_287 = tpu.vector_load %arg12[%swap3A_286] {strides = array<i32>} : memref<128xi32, #tpu.memory_space<vmem>>, vector<16xi32>,
    tpu.vector_store %arg12[%swap3A_286], %gather3A_285 {strides = array<i32>} : memref<128xi32, #tpu.memory_space<vmem>>, vector<16xi32>,
    %dma_start3A_288 = arith.constant 0 : i32
    %dma_start3A_289 = arith.constant 0 : i32
    %dma_start3A_290 = tpu.memref_slice %arg3[%dma_start3A_288, %dma_start3A_289] : memref<1000000x128xf32, #tpu.memory_space<hbm>> -> memref<1000000x128xf32, #tpu.memory_space<hbm>>
    tpu.enqueue_indirect_dma source(%dma_start3A_290 : memref<1000000x128xf32, #tpu.memory_space<hbm>>) target(%arg14 : memref<128x128xf32, #tpu.memory_space<vmem>>) offsets(%arg12 : memref<128xi32, #tpu.memory_space<vmem>>) semaphore(%arg18 : memref<!tpu.dma_semaphore, #tpu.memory_space<semaphore_mem>>)
    %scan3A = arith.constant 0 : i32
    %scan3A_291 = arith.constant 0 : i32
    %scan3A_292 = arith.constant 100 : i32
    %scan3A_293 = arith.addi %scan3A_291, %scan3A_292 : i32
    %scan3A_294 = arith.constant 1 : i32
    scf.for %scan3A_311 = %scan3A_291 to %scan3A_293 step %scan3A_294  : i32 {
      %mul3A_312 = arith.constant 2 : i32
      %mul3A_313 = arith.muli %scan3A_311, %mul3A_312 : i32
      %add3A_314 = arith.constant 0 : i32
      %add3A_315 = arith.addi %mul3A_313, %add3A_314 : i32
      %dma_wait3A_316 = arith.constant 0 : i32
      %dma_wait3A_317 = arith.constant 0 : i32
      %dma_wait3A_318 = tpu.memref_slice %arg3[%dma_wait3A_316, %dma_wait3A_317] : memref<1000000x128xf32, #tpu.memory_space<hbm>> -> memref<128x128xf32, #tpu.memory_space<hbm>>
      %dma_wait3A_319 = arith.constant 0 : i32
      %dma_wait3A_320 = arith.constant 0 : i32
      %dma_wait3A_321 = tpu.memref_slice %arg3[%dma_wait3A_319, %dma_wait3A_320] : memref<1000000x128xf32, #tpu.memory_space<hbm>> -> memref<128x128xf32, #tpu.memory_space<hbm>>
      tpu.wait_dma2 semaphore(%arg17 : memref<!tpu.dma_semaphore, #tpu.memory_space<semaphore_mem>>) src(%dma_wait3A_321 : memref<128x128xf32, #tpu.memory_space<hbm>>) dst(%arg13 : memref<128x128xf32, #tpu.memory_space<vmem>>)
      %ge3A = arith.constant 2 : i32
      %ge3A_322 = arith.cmpi sge, %add3A_315, %ge3A : i32
      %convert_element_type3A = arith.extui %ge3A_322 : i1 to i32
      %cond3A = arith.constant 0 : i32
      %cond3A_323 = arith.cmpi ne, %convert_element_type3A, %cond3A : i32
      scf.if %cond3A_323 {
        %dma_wait3A_462 = arith.constant 0 : i32
        %dma_wait3A_463 = arith.constant 0 : i32
        %dma_wait3A_464 = arith.constant 0 : i32
        %dma_wait3A_465 = tpu.memref_slice %arg7[%dma_wait3A_462, %dma_wait3A_463, %dma_wait3A_464] : memref<4096x200x64xf32, #tpu.memory_space<hbm>> -> memref<16x8x64xf32, #tpu.memory_space<hbm>>
        %dma_wait3A_466 = arith.constant 0 : i32
        %dma_wait3A_467 = arith.constant 0 : i32
        %dma_wait3A_468 = arith.constant 0 : i32
        %dma_wait3A_469 = tpu.memref_slice %arg7[%dma_wait3A_466, %dma_wait3A_467, %dma_wait3A_468] : memref<4096x200x64xf32, #tpu.memory_space<hbm>> -> memref<16x8x64xf32, #tpu.memory_space<hbm>>
        tpu.wait_dma2 semaphore(%arg19 : memref<!tpu.dma_semaphore, #tpu.memory_space<semaphore_mem>>) src(%arg15 : memref<16x8x64xf32, #tpu.memory_space<vmem>>) dst(%dma_wait3A_469 : memref<16x8x64xf32, #tpu.memory_space<hbm>>)
      } else {
      }
      %jit3A_324 = arith.constant 25 : i32
      %div3A_325 = arith.divsi %add3A_315, %jit3A_324 : i32
      %sign3A_326 = arith.constant 0 : i32
      %sign3A_327 = arith.cmpi sgt, %add3A_315, %sign3A_326 : i32
      %sign3A_328 = arith.extui %sign3A_327 : i1 to i32
      %sign3A_329 = arith.constant 0 : i32
      %sign3A_330 = arith.cmpi slt, %add3A_315, %sign3A_329 : i32
      %sign3A_331 = arith.extui %sign3A_330 : i1 to i32
      %sign3A_332 = arith.subi %sign3A_328, %sign3A_331 : i32
      %sign3A_333 = arith.constant 0 : i32
      %sign3A_334 = arith.cmpi sgt, %jit3A_324, %sign3A_333 : i32
      %sign3A_335 = arith.extui %sign3A_334 : i1 to i32
      %sign3A_336 = arith.constant 0 : i32
      %sign3A_337 = arith.cmpi slt, %jit3A_324, %sign3A_336 : i32
      %sign3A_338 = arith.extui %sign3A_337 : i1 to i32
      %sign3A_339 = arith.subi %sign3A_335, %sign3A_338 : i32
      %ne3A_340 = arith.cmpi ne, %sign3A_332, %sign3A_339 : i32
      %rem3A_341 = arith.remsi %add3A_315, %jit3A_324 : i32
      %ne3A_342 = arith.constant 0 : i32
      %ne3A_343 = arith.cmpi ne, %rem3A_341, %ne3A_342 : i32
      %and3A_344 = arith.andi %ne3A_340, %ne3A_343 : i1
      %sub3A_345 = arith.constant 1 : i32
      %sub3A_346 = arith.subi %div3A_325, %sub3A_345 : i32
      %select_n3A_347 = arith.select %and3A_344, %sub3A_346, %div3A_325 : i32
      %jit3A_348 = arith.constant 25 : i32
      %eq3A_349 = arith.constant 0 : i32
      %eq3A_350 = arith.cmpi eq, %jit3A_348, %eq3A_349 : i32
      %jit3A_351 = arith.constant 1 : i32
      %select_n3A_352 = arith.select %eq3A_350, %jit3A_351, %jit3A_348 : i32
      %rem3A_353 = arith.remsi %add3A_315, %select_n3A_352 : i32
      %ne3A_354 = arith.constant 0 : i32
      %ne3A_355 = arith.cmpi ne, %rem3A_353, %ne3A_354 : i32
      %lt3A_356 = arith.constant 0 : i32
      %lt3A_357 = arith.cmpi slt, %rem3A_353, %lt3A_356 : i32
      %lt3A_358 = arith.constant 0 : i32
      %lt3A_359 = arith.cmpi slt, %select_n3A_352, %lt3A_358 : i32
      %ne3A_360 = arith.xori %lt3A_357, %lt3A_359 : i1
      %and3A_361 = arith.andi %ne3A_360, %ne3A_355 : i1
      %add3A_362 = arith.addi %rem3A_353, %select_n3A_352 : i32
      %select_n3A_363 = arith.select %and3A_361, %add3A_362, %rem3A_353 : i32
      %mul3A_364 = arith.constant 8 : i32
      %mul3A_365 = arith.muli %select_n3A_363, %mul3A_364 : i32
      %parallel_loop3A = arith.constant 0 : i32
      %parallel_loop3A_366 = arith.constant 128 : i32
      %parallel_loop3A_367 = arith.constant 1 : i32
      scf.for %parallel_loop3A_462 = %parallel_loop3A to %parallel_loop3A_366 step %parallel_loop3A_367  : i32 {
        %parallel_loop3A_463 = arith.constant 8 : i32
        %parallel_loop3A_464 = arith.divsi %parallel_loop3A_462, %parallel_loop3A_463 : i32
        %parallel_loop3A_465 = arith.constant 0 : i32
        %parallel_loop3A_466 = arith.cmpi sgt, %parallel_loop3A_462, %parallel_loop3A_465 : i32
        %parallel_loop3A_467 = arith.extui %parallel_loop3A_466 : i1 to i32
        %parallel_loop3A_468 = arith.constant 0 : i32
        %parallel_loop3A_469 = arith.cmpi slt, %parallel_loop3A_462, %parallel_loop3A_468 : i32
        %parallel_loop3A_470 = arith.extui %parallel_loop3A_469 : i1 to i32
        %parallel_loop3A_471 = arith.subi %parallel_loop3A_467, %parallel_loop3A_470 : i32
        %parallel_loop3A_472 = arith.constant 0 : i32
        %parallel_loop3A_473 = arith.cmpi sgt, %parallel_loop3A_463, %parallel_loop3A_472 : i32
        %parallel_loop3A_474 = arith.extui %parallel_loop3A_473 : i1 to i32
        %parallel_loop3A_475 = arith.constant 0 : i32
        %parallel_loop3A_476 = arith.cmpi slt, %parallel_loop3A_463, %parallel_loop3A_475 : i32
        %parallel_loop3A_477 = arith.extui %parallel_loop3A_476 : i1 to i32
        %parallel_loop3A_478 = arith.subi %parallel_loop3A_474, %parallel_loop3A_477 : i32
        %parallel_loop3A_479 = arith.cmpi ne, %parallel_loop3A_471, %parallel_loop3A_478 : i32
        %parallel_loop3A_480 = arith.remsi %parallel_loop3A_462, %parallel_loop3A_463 : i32
        %parallel_loop3A_481 = arith.constant 0 : i32
        %parallel_loop3A_482 = arith.cmpi ne, %parallel_loop3A_480, %parallel_loop3A_481 : i32
        %parallel_loop3A_483 = arith.andi %parallel_loop3A_479, %parallel_loop3A_482 : i1
        %parallel_loop3A_484 = arith.constant 1 : i32
        %parallel_loop3A_485 = arith.subi %parallel_loop3A_464, %parallel_loop3A_484 : i32
        %parallel_loop3A_486 = arith.select %parallel_loop3A_483, %parallel_loop3A_485, %parallel_loop3A_464 : i32
        %parallel_loop3A_487 = arith.constant 8 : i32
        %parallel_loop3A_488 = arith.constant 0 : i32
        %parallel_loop3A_489 = arith.cmpi eq, %parallel_loop3A_487, %parallel_loop3A_488 : i32
        %parallel_loop3A_490 = arith.constant 1 : i32
        %parallel_loop3A_491 = arith.select %parallel_loop3A_489, %parallel_loop3A_490, %parallel_loop3A_487 : i32
        %parallel_loop3A_492 = arith.remsi %parallel_loop3A_462, %parallel_loop3A_491 : i32
        %parallel_loop3A_493 = arith.constant 0 : i32
        %parallel_loop3A_494 = arith.cmpi ne, %parallel_loop3A_492, %parallel_loop3A_493 : i32
        %parallel_loop3A_495 = arith.constant 0 : i32
        %parallel_loop3A_496 = arith.cmpi slt, %parallel_loop3A_492, %parallel_loop3A_495 : i32
        %parallel_loop3A_497 = arith.constant 0 : i32
        %parallel_loop3A_498 = arith.cmpi slt, %parallel_loop3A_491, %parallel_loop3A_497 : i32
        %parallel_loop3A_499 = arith.xori %parallel_loop3A_496, %parallel_loop3A_498 : i1
        %parallel_loop3A_500 = arith.andi %parallel_loop3A_499, %parallel_loop3A_494 : i1
        %parallel_loop3A_501 = arith.addi %parallel_loop3A_492, %parallel_loop3A_491 : i32
        %parallel_loop3A_502 = arith.select %parallel_loop3A_500, %parallel_loop3A_501, %parallel_loop3A_492 : i32
        %parallel_loop3A_503 = arith.addi %mul3A_365, %parallel_loop3A_502 : i32
        %parallel_loop3A_504 = arith.constant 2 : i32
        %parallel_loop3A_505 = arith.divsi %parallel_loop3A_503, %parallel_loop3A_504 : i32
        %parallel_loop3A_506 = arith.constant 0 : i32
        %parallel_loop3A_507 = arith.cmpi sgt, %parallel_loop3A_503, %parallel_loop3A_506 : i32
        %parallel_loop3A_508 = arith.extui %parallel_loop3A_507 : i1 to i32
        %parallel_loop3A_509 = arith.constant 0 : i32
        %parallel_loop3A_510 = arith.cmpi slt, %parallel_loop3A_503, %parallel_loop3A_509 : i32
        %parallel_loop3A_511 = arith.extui %parallel_loop3A_510 : i1 to i32
        %parallel_loop3A_512 = arith.subi %parallel_loop3A_508, %parallel_loop3A_511 : i32
        %parallel_loop3A_513 = arith.constant 0 : i32
        %parallel_loop3A_514 = arith.cmpi sgt, %parallel_loop3A_504, %parallel_loop3A_513 : i32
        %parallel_loop3A_515 = arith.extui %parallel_loop3A_514 : i1 to i32
        %parallel_loop3A_516 = arith.constant 0 : i32
        %parallel_loop3A_517 = arith.cmpi slt, %parallel_loop3A_504, %parallel_loop3A_516 : i32
        %parallel_loop3A_518 = arith.extui %parallel_loop3A_517 : i1 to i32
        %parallel_loop3A_519 = arith.subi %parallel_loop3A_515, %parallel_loop3A_518 : i32
        %parallel_loop3A_520 = arith.cmpi ne, %parallel_loop3A_512, %parallel_loop3A_519 : i32
        %parallel_loop3A_521 = arith.remsi %parallel_loop3A_503, %parallel_loop3A_504 : i32
        %parallel_loop3A_522 = arith.constant 0 : i32
        %parallel_loop3A_523 = arith.cmpi ne, %parallel_loop3A_521, %parallel_loop3A_522 : i32
        %parallel_loop3A_524 = arith.andi %parallel_loop3A_520, %parallel_loop3A_523 : i1
        %parallel_loop3A_525 = arith.constant 1 : i32
        %parallel_loop3A_526 = arith.subi %parallel_loop3A_505, %parallel_loop3A_525 : i32
        %parallel_loop3A_527 = arith.select %parallel_loop3A_524, %parallel_loop3A_526, %parallel_loop3A_505 : i32
        %parallel_loop3A_528 = arith.constant 2 : i32
        %parallel_loop3A_529 = arith.constant 0 : i32
        %parallel_loop3A_530 = arith.cmpi eq, %parallel_loop3A_528, %parallel_loop3A_529 : i32
        %parallel_loop3A_531 = arith.constant 1 : i32
        %parallel_loop3A_532 = arith.select %parallel_loop3A_530, %parallel_loop3A_531, %parallel_loop3A_528 : i32
        %parallel_loop3A_533 = arith.remsi %parallel_loop3A_503, %parallel_loop3A_532 : i32
        %parallel_loop3A_534 = arith.constant 0 : i32
        %parallel_loop3A_535 = arith.cmpi ne, %parallel_loop3A_533, %parallel_loop3A_534 : i32
        %parallel_loop3A_536 = arith.constant 0 : i32
        %parallel_loop3A_537 = arith.cmpi slt, %parallel_loop3A_533, %parallel_loop3A_536 : i32
        %parallel_loop3A_538 = arith.constant 0 : i32
        %parallel_loop3A_539 = arith.cmpi slt, %parallel_loop3A_532, %parallel_loop3A_538 : i32
        %parallel_loop3A_540 = arith.xori %parallel_loop3A_537, %parallel_loop3A_539 : i1
        %parallel_loop3A_541 = arith.andi %parallel_loop3A_540, %parallel_loop3A_535 : i1
        %parallel_loop3A_542 = arith.addi %parallel_loop3A_533, %parallel_loop3A_532 : i32
        %parallel_loop3A_543 = arith.select %parallel_loop3A_541, %parallel_loop3A_542, %parallel_loop3A_533 : i32
        %parallel_loop3A_544 = arith.constant 64 : i32
        %parallel_loop3A_545 = arith.muli %parallel_loop3A_543, %parallel_loop3A_544 : i32
        %parallel_loop3A_546 = arith.index_cast %parallel_loop3A_462 : i32 to index
        %parallel_loop3A_547 = arith.constant 0 : index
        %parallel_loop3A_548 = tpu.vector_load %arg13[%parallel_loop3A_546, %parallel_loop3A_547] {strides = array<i32>} : memref<128x128xf32, #tpu.memory_space<vmem>>, vector<16xf32>,
        %parallel_loop3A_549 = arith.constant 0 : i32
        %parallel_loop3A_550 = arith.addi %parallel_loop3A_545, %parallel_loop3A_549 : i32
        %parallel_loop3A_551 = arith.index_cast %parallel_loop3A_527 : i32 to index
        %parallel_loop3A_552 = arith.index_cast %parallel_loop3A_550 : i32 to index
        %parallel_loop3A_553 = tpu.vector_load %arg9[%parallel_loop3A_551, %parallel_loop3A_552] {strides = array<i32>} : memref<104x128xf32, #tpu.memory_space<vmem>>, vector<16xf32>,
        %parallel_loop3A_554 = arith.addf %parallel_loop3A_548, %parallel_loop3A_553 : vector<16xf32>
        %parallel_loop3A_555 = arith.index_cast %parallel_loop3A_462 : i32 to index
        %parallel_loop3A_556 = arith.constant 16 : index
        %parallel_loop3A_557 = tpu.vector_load %arg13[%parallel_loop3A_555, %parallel_loop3A_556] {strides = array<i32>} : memref<128x128xf32, #tpu.memory_space<vmem>>, vector<16xf32>,
        %parallel_loop3A_558 = arith.constant 16 : i32
        %parallel_loop3A_559 = arith.addi %parallel_loop3A_545, %parallel_loop3A_558 : i32
        %parallel_loop3A_560 = arith.index_cast %parallel_loop3A_527 : i32 to index
        %parallel_loop3A_561 = arith.index_cast %parallel_loop3A_559 : i32 to index
        %parallel_loop3A_562 = tpu.vector_load %arg9[%parallel_loop3A_560, %parallel_loop3A_561] {strides = array<i32>} : memref<104x128xf32, #tpu.memory_space<vmem>>, vector<16xf32>,
        %parallel_loop3A_563 = arith.addf %parallel_loop3A_557, %parallel_loop3A_562 : vector<16xf32>
        %parallel_loop3A_564 = arith.index_cast %parallel_loop3A_462 : i32 to index
        %parallel_loop3A_565 = arith.constant 32 : index
        %parallel_loop3A_566 = tpu.vector_load %arg13[%parallel_loop3A_564, %parallel_loop3A_565] {strides = array<i32>} : memref<128x128xf32, #tpu.memory_space<vmem>>, vector<16xf32>,
        %parallel_loop3A_567 = arith.constant 32 : i32
        %parallel_loop3A_568 = arith.addi %parallel_loop3A_545, %parallel_loop3A_567 : i32
        %parallel_loop3A_569 = arith.index_cast %parallel_loop3A_527 : i32 to index
        %parallel_loop3A_570 = arith.index_cast %parallel_loop3A_568 : i32 to index
        %parallel_loop3A_571 = tpu.vector_load %arg9[%parallel_loop3A_569, %parallel_loop3A_570] {strides = array<i32>} : memref<104x128xf32, #tpu.memory_space<vmem>>, vector<16xf32>,
        %parallel_loop3A_572 = arith.addf %parallel_loop3A_566, %parallel_loop3A_571 : vector<16xf32>
        %parallel_loop3A_573 = arith.index_cast %parallel_loop3A_462 : i32 to index
        %parallel_loop3A_574 = arith.constant 48 : index
        %parallel_loop3A_575 = tpu.vector_load %arg13[%parallel_loop3A_573, %parallel_loop3A_574] {strides = array<i32>} : memref<128x128xf32, #tpu.memory_space<vmem>>, vector<16xf32>,
        %parallel_loop3A_576 = arith.constant 48 : i32
        %parallel_loop3A_577 = arith.addi %parallel_loop3A_545, %parallel_loop3A_576 : i32
        %parallel_loop3A_578 = arith.index_cast %parallel_loop3A_527 : i32 to index
        %parallel_loop3A_579 = arith.index_cast %parallel_loop3A_577 : i32 to index
        %parallel_loop3A_580 = tpu.vector_load %arg9[%parallel_loop3A_578, %parallel_loop3A_579] {strides = array<i32>} : memref<104x128xf32, #tpu.memory_space<vmem>>, vector<16xf32>,
        %parallel_loop3A_581 = arith.addf %parallel_loop3A_575, %parallel_loop3A_580 : vector<16xf32>
        %parallel_loop3A_582 = arith.addf %parallel_loop3A_554, %parallel_loop3A_563 : vector<16xf32>
        %parallel_loop3A_583 = arith.addf %parallel_loop3A_572, %parallel_loop3A_581 : vector<16xf32>
        %parallel_loop3A_584 = arith.addf %parallel_loop3A_582, %parallel_loop3A_583 : vector<16xf32>
        %parallel_loop3A_585 = arith.constant true
        %parallel_loop3A_586 = vector.broadcast %parallel_loop3A_585 : i1 to vector<16xi1>
        %parallel_loop3A_587 = tpu.scan <sum>, %parallel_loop3A_584 masked %parallel_loop3A_586 : vector<16xf32>, vector<16xi1> -> vector<16xf32>
        %parallel_loop3A_588 = vector.extract %parallel_loop3A_587[15] : f32 from vector<16xf32>
        %parallel_loop3A_589 = arith.constant 1.562500e-02 : f32
        %parallel_loop3A_590 = arith.mulf %parallel_loop3A_588, %parallel_loop3A_589 : f32
        %parallel_loop3A_591 = vector.broadcast %parallel_loop3A_590 : f32 to vector<16xf32>
        %parallel_loop3A_592 = arith.subf %parallel_loop3A_554, %parallel_loop3A_591 : vector<16xf32>
        %parallel_loop3A_593 = arith.subf %parallel_loop3A_563, %parallel_loop3A_591 : vector<16xf32>
        %parallel_loop3A_594 = arith.subf %parallel_loop3A_572, %parallel_loop3A_591 : vector<16xf32>
        %parallel_loop3A_595 = arith.subf %parallel_loop3A_581, %parallel_loop3A_591 : vector<16xf32>
        %parallel_loop3A_596 = arith.mulf %parallel_loop3A_592, %parallel_loop3A_592 : vector<16xf32>
        %parallel_loop3A_597 = arith.mulf %parallel_loop3A_593, %parallel_loop3A_593 : vector<16xf32>
        %parallel_loop3A_598 = arith.addf %parallel_loop3A_596, %parallel_loop3A_597 : vector<16xf32>
        %parallel_loop3A_599 = arith.mulf %parallel_loop3A_594, %parallel_loop3A_594 : vector<16xf32>
        %parallel_loop3A_600 = arith.mulf %parallel_loop3A_595, %parallel_loop3A_595 : vector<16xf32>
        %parallel_loop3A_601 = arith.addf %parallel_loop3A_599, %parallel_loop3A_600 : vector<16xf32>
        %parallel_loop3A_602 = arith.addf %parallel_loop3A_598, %parallel_loop3A_601 : vector<16xf32>
        %parallel_loop3A_603 = arith.constant true
        %parallel_loop3A_604 = vector.broadcast %parallel_loop3A_603 : i1 to vector<16xi1>
        %parallel_loop3A_605 = tpu.scan <sum>, %parallel_loop3A_602 masked %parallel_loop3A_604 : vector<16xf32>, vector<16xi1> -> vector<16xf32>
        %parallel_loop3A_606 = vector.extract %parallel_loop3A_605[15] : f32 from vector<16xf32>
        %parallel_loop3A_607 = arith.constant 1.562500e-02 : f32
        %parallel_loop3A_608 = arith.mulf %parallel_loop3A_606, %parallel_loop3A_607 : f32
        %parallel_loop3A_609 = vector.broadcast %parallel_loop3A_608 : f32 to vector<16xf32>
        %parallel_loop3A_610 = arith.constant 9.99999997E-7 : f32
        %parallel_loop3A_611 = vector.broadcast %parallel_loop3A_610 : f32 to vector<16xf32>
        %parallel_loop3A_612 = arith.addf %parallel_loop3A_609, %parallel_loop3A_611 : vector<16xf32>
        %parallel_loop3A_613 = tpu.bitcast %parallel_loop3A_612 : vector<16xf32> -> vector<16xi32>
        %parallel_loop3A_614 = arith.constant 1 : i32
        %parallel_loop3A_615 = vector.broadcast %parallel_loop3A_614 : i32 to vector<16xi32>
        %parallel_loop3A_616 = arith.shrui %parallel_loop3A_613, %parallel_loop3A_615 : vector<16xi32>
        %parallel_loop3A_617 = arith.constant 1597463007 : i32
        %parallel_loop3A_618 = vector.broadcast %parallel_loop3A_617 : i32 to vector<16xi32>
        %parallel_loop3A_619 = arith.subi %parallel_loop3A_618, %parallel_loop3A_616 : vector<16xi32>
        %parallel_loop3A_620 = tpu.bitcast %parallel_loop3A_619 : vector<16xi32> -> vector<16xf32>
        %parallel_loop3A_621 = arith.constant 5.000000e-01 : f32
        %parallel_loop3A_622 = vector.broadcast %parallel_loop3A_621 : f32 to vector<16xf32>
        %parallel_loop3A_623 = arith.mulf %parallel_loop3A_612, %parallel_loop3A_622 : vector<16xf32>
        %parallel_loop3A_624 = arith.mulf %parallel_loop3A_623, %parallel_loop3A_620 : vector<16xf32>
        %parallel_loop3A_625 = arith.mulf %parallel_loop3A_624, %parallel_loop3A_620 : vector<16xf32>
        %parallel_loop3A_626 = arith.constant 1.500000e+00 : f32
        %parallel_loop3A_627 = vector.broadcast %parallel_loop3A_626 : f32 to vector<16xf32>
        %parallel_loop3A_628 = arith.subf %parallel_loop3A_627, %parallel_loop3A_625 : vector<16xf32>
        %parallel_loop3A_629 = arith.mulf %parallel_loop3A_620, %parallel_loop3A_628 : vector<16xf32>
        %parallel_loop3A_630 = arith.mulf %parallel_loop3A_623, %parallel_loop3A_629 : vector<16xf32>
        %parallel_loop3A_631 = arith.mulf %parallel_loop3A_630, %parallel_loop3A_629 : vector<16xf32>
        %parallel_loop3A_632 = arith.constant 1.500000e+00 : f32
        %parallel_loop3A_633 = vector.broadcast %parallel_loop3A_632 : f32 to vector<16xf32>
        %parallel_loop3A_634 = arith.subf %parallel_loop3A_633, %parallel_loop3A_631 : vector<16xf32>
        %parallel_loop3A_635 = arith.mulf %parallel_loop3A_629, %parallel_loop3A_634 : vector<16xf32>
        %parallel_loop3A_636 = arith.mulf %parallel_loop3A_635, %get3A_6 : vector<16xf32>
        %parallel_loop3A_637 = arith.mulf %parallel_loop3A_592, %parallel_loop3A_636 : vector<16xf32>
        %parallel_loop3A_638 = arith.addf %parallel_loop3A_637, %get3A_22 : vector<16xf32>
        %parallel_loop3A_639 = arith.index_cast %parallel_loop3A_486 : i32 to index
        %parallel_loop3A_640 = arith.index_cast %parallel_loop3A_502 : i32 to index
        %parallel_loop3A_641 = arith.constant 0 : index
        %parallel_loop3A_642 = tpu.vector_load %arg15[%parallel_loop3A_639, %parallel_loop3A_640, %parallel_loop3A_641] {strides = array<i32>} : memref<16x8x64xf32, #tpu.memory_space<vmem>>, vector<16xf32>,
        tpu.vector_store %arg15[%parallel_loop3A_639, %parallel_loop3A_640, %parallel_loop3A_641], %parallel_loop3A_638 {strides = array<i32>} : memref<16x8x64xf32, #tpu.memory_space<vmem>>, vector<16xf32>,
        %parallel_loop3A_643 = arith.mulf %parallel_loop3A_635, %get3A_10 : vector<16xf32>
        %parallel_loop3A_644 = arith.mulf %parallel_loop3A_593, %parallel_loop3A_643 : vector<16xf32>
        %parallel_loop3A_645 = arith.addf %parallel_loop3A_644, %get3A_26 : vector<16xf32>
        %parallel_loop3A_646 = arith.index_cast %parallel_loop3A_486 : i32 to index
        %parallel_loop3A_647 = arith.index_cast %parallel_loop3A_502 : i32 to index
        %parallel_loop3A_648 = arith.constant 16 : index
        %parallel_loop3A_649 = tpu.vector_load %arg15[%parallel_loop3A_646, %parallel_loop3A_647, %parallel_loop3A_648] {strides = array<i32>} : memref<16x8x64xf32, #tpu.memory_space<vmem>>, vector<16xf32>,
        tpu.vector_store %arg15[%parallel_loop3A_646, %parallel_loop3A_647, %parallel_loop3A_648], %parallel_loop3A_645 {strides = array<i32>} : memref<16x8x64xf32, #tpu.memory_space<vmem>>, vector<16xf32>,
        %parallel_loop3A_650 = arith.mulf %parallel_loop3A_635, %get3A_14 : vector<16xf32>
        %parallel_loop3A_651 = arith.mulf %parallel_loop3A_594, %parallel_loop3A_650 : vector<16xf32>
        %parallel_loop3A_652 = arith.addf %parallel_loop3A_651, %get3A_30 : vector<16xf32>
        %parallel_loop3A_653 = arith.index_cast %parallel_loop3A_486 : i32 to index
        %parallel_loop3A_654 = arith.index_cast %parallel_loop3A_502 : i32 to index
        %parallel_loop3A_655 = arith.constant 32 : index
        %parallel_loop3A_656 = tpu.vector_load %arg15[%parallel_loop3A_653, %parallel_loop3A_654, %parallel_loop3A_655] {strides = array<i32>} : memref<16x8x64xf32, #tpu.memory_space<vmem>>, vector<16xf32>,
        tpu.vector_store %arg15[%parallel_loop3A_653, %parallel_loop3A_654, %parallel_loop3A_655], %parallel_loop3A_652 {strides = array<i32>} : memref<16x8x64xf32, #tpu.memory_space<vmem>>, vector<16xf32>,
        %parallel_loop3A_657 = arith.mulf %parallel_loop3A_635, %get3A_18 : vector<16xf32>
        %parallel_loop3A_658 = arith.mulf %parallel_loop3A_595, %parallel_loop3A_657 : vector<16xf32>
        %parallel_loop3A_659 = arith.addf %parallel_loop3A_658, %get3A_34 : vector<16xf32>
        %parallel_loop3A_660 = arith.index_cast %parallel_loop3A_486 : i32 to index
        %parallel_loop3A_661 = arith.index_cast %parallel_loop3A_502 : i32 to index
        %parallel_loop3A_662 = arith.constant 48 : index
        %parallel_loop3A_663 = tpu.vector_load %arg15[%parallel_loop3A_660, %parallel_loop3A_661, %parallel_loop3A_662] {strides = array<i32>} : memref<16x8x64xf32, #tpu.memory_space<vmem>>, vector<16xf32>,
        tpu.vector_store %arg15[%parallel_loop3A_660, %parallel_loop3A_661, %parallel_loop3A_662], %parallel_loop3A_659 {strides = array<i32>} : memref<16x8x64xf32, #tpu.memory_space<vmem>>, vector<16xf32>,
      } {sc.loop_unroll_factor = 4 : i64, sc.parallel_access}
      %mul3A_368 = arith.constant 128 : i32
      %mul3A_369 = arith.muli %add3A, %mul3A_368 : i32
      %mul3A_370 = arith.constant 16 : i32
      %mul3A_371 = arith.muli %select_n3A_347, %mul3A_370 : i32
      %add3A_372 = arith.addi %mul3A_369, %mul3A_371 : i32
      %mul3A_373 = arith.constant 8 : i32
      %mul3A_374 = arith.muli %select_n3A_363, %mul3A_373 : i32
      %dma_start3A_375 = arith.constant 0 : i32
      %dma_start3A_376 = tpu.memref_slice %arg7[%add3A_372, %mul3A_374, %dma_start3A_375] : memref<4096x200x64xf32, #tpu.memory_space<hbm>> -> memref<16x8x64xf32, #tpu.memory_space<hbm>>
      %dma_start3A_377 = arith.constant 0 : i32
      %dma_start3A_378 = tpu.memref_slice %arg7[%add3A_372, %mul3A_374, %dma_start3A_377] : memref<4096x200x64xf32, #tpu.memory_space<hbm>> -> memref<16x8x64xf32, #tpu.memory_space<hbm>>
      tpu.enqueue_dma source(%arg15 : memref<16x8x64xf32, #tpu.memory_space<vmem>>) target(%dma_start3A_378 : memref<16x8x64xf32, #tpu.memory_space<hbm>>) target_semaphore(%arg19 : memref<!tpu.dma_semaphore, #tpu.memory_space<semaphore_mem>>)
      %add3A_379 = arith.constant 2 : i32
      %add3A_380 = arith.addi %add3A_315, %add3A_379 : i32
      %lt3A_381 = arith.constant 200 : i32
      %lt3A_382 = arith.cmpi slt, %add3A_380, %lt3A_381 : i32
      %convert_element_type3A_383 = arith.extui %lt3A_382 : i1 to i32
      %cond3A_384 = arith.constant 0 : i32
      %cond3A_385 = arith.cmpi ne, %convert_element_type3A_383, %cond3A_384 : i32
      scf.if %cond3A_385 {
        %add3A_462 = arith.constant 2 : i32
        %add3A_463 = arith.addi %add3A_315, %add3A_462 : i32
        %jit3A_464 = arith.constant 25 : i32
        %div3A_465 = arith.divsi %add3A_463, %jit3A_464 : i32
        %sign3A_466 = arith.constant 0 : i32
        %sign3A_467 = arith.cmpi sgt, %add3A_463, %sign3A_466 : i32
        %sign3A_468 = arith.extui %sign3A_467 : i1 to i32
        %sign3A_469 = arith.constant 0 : i32
        %sign3A_470 = arith.cmpi slt, %add3A_463, %sign3A_469 : i32
        %sign3A_471 = arith.extui %sign3A_470 : i1 to i32
        %sign3A_472 = arith.subi %sign3A_468, %sign3A_471 : i32
        %sign3A_473 = arith.constant 0 : i32
        %sign3A_474 = arith.cmpi sgt, %jit3A_464, %sign3A_473 : i32
        %sign3A_475 = arith.extui %sign3A_474 : i1 to i32
        %sign3A_476 = arith.constant 0 : i32
        %sign3A_477 = arith.cmpi slt, %jit3A_464, %sign3A_476 : i32
        %sign3A_478 = arith.extui %sign3A_477 : i1 to i32
        %sign3A_479 = arith.subi %sign3A_475, %sign3A_478 : i32
        %ne3A_480 = arith.cmpi ne, %sign3A_472, %sign3A_479 : i32
        %rem3A_481 = arith.remsi %add3A_463, %jit3A_464 : i32
        %ne3A_482 = arith.constant 0 : i32
        %ne3A_483 = arith.cmpi ne, %rem3A_481, %ne3A_482 : i32
        %and3A_484 = arith.andi %ne3A_480, %ne3A_483 : i1
        %sub3A_485 = arith.constant 1 : i32
        %sub3A_486 = arith.subi %div3A_465, %sub3A_485 : i32
        %select_n3A_487 = arith.select %and3A_484, %sub3A_486, %div3A_465 : i32
        %jit3A_488 = arith.constant 25 : i32
        %eq3A_489 = arith.constant 0 : i32
        %eq3A_490 = arith.cmpi eq, %jit3A_488, %eq3A_489 : i32
        %jit3A_491 = arith.constant 1 : i32
        %select_n3A_492 = arith.select %eq3A_490, %jit3A_491, %jit3A_488 : i32
        %rem3A_493 = arith.remsi %add3A_463, %select_n3A_492 : i32
        %ne3A_494 = arith.constant 0 : i32
        %ne3A_495 = arith.cmpi ne, %rem3A_493, %ne3A_494 : i32
        %lt3A_496 = arith.constant 0 : i32
        %lt3A_497 = arith.cmpi slt, %rem3A_493, %lt3A_496 : i32
        %lt3A_498 = arith.constant 0 : i32
        %lt3A_499 = arith.cmpi slt, %select_n3A_492, %lt3A_498 : i32
        %ne3A_500 = arith.xori %lt3A_497, %lt3A_499 : i1
        %and3A_501 = arith.andi %ne3A_500, %ne3A_495 : i1
        %add3A_502 = arith.addi %rem3A_493, %select_n3A_492 : i32
        %select_n3A_503 = arith.select %and3A_501, %add3A_502, %rem3A_493 : i32
        %mul3A_504 = arith.constant 3200 : i32
        %mul3A_505 = arith.muli %select_n3A_487, %mul3A_504 : i32
        %mul3A_506 = arith.constant 8 : i32
        %mul3A_507 = arith.muli %select_n3A_503, %mul3A_506 : i32
        %add3A_508 = arith.addi %mul3A_505, %mul3A_507 : i32
        %add3A_509 = arith.constant 0 : i32
        %add3A_510 = arith.addi %add3A_508, %add3A_509 : i32
        %add3A_511 = vector.broadcast %add3A_510 : i32 to vector<16xi32>
        %add3A_512 = arith.addi %add3A_81, %add3A_511 : vector<16xi32>
        %gather3A_513 = tpu.vector_load_idx %arg8[%add3A_512] : memref<25600xi32, #tpu.memory_space<vmem>>[vector<16xi32>], vector<16xi32>,
        %swap3A_514 = arith.constant 0 : index
        %swap3A_515 = tpu.vector_load %arg11[%swap3A_514] {strides = array<i32>} : memref<128xi32, #tpu.memory_space<vmem>>, vector<16xi32>,
        tpu.vector_store %arg11[%swap3A_514], %gather3A_513 {strides = array<i32>} : memref<128xi32, #tpu.memory_space<vmem>>, vector<16xi32>,
        %add3A_516 = arith.constant 400 : i32
        %add3A_517 = arith.addi %add3A_508, %add3A_516 : i32
        %add3A_518 = vector.broadcast %add3A_517 : i32 to vector<16xi32>
        %add3A_519 = arith.addi %add3A_81, %add3A_518 : vector<16xi32>
        %gather3A_520 = tpu.vector_load_idx %arg8[%add3A_519] : memref<25600xi32, #tpu.memory_space<vmem>>[vector<16xi32>], vector<16xi32>,
        %swap3A_521 = arith.constant 16 : index
        %swap3A_522 = tpu.vector_load %arg11[%swap3A_521] {strides = array<i32>} : memref<128xi32, #tpu.memory_space<vmem>>, vector<16xi32>,
        tpu.vector_store %arg11[%swap3A_521], %gather3A_520 {strides = array<i32>} : memref<128xi32, #tpu.memory_space<vmem>>, vector<16xi32>,
        %add3A_523 = arith.constant 800 : i32
        %add3A_524 = arith.addi %add3A_508, %add3A_523 : i32
        %add3A_525 = vector.broadcast %add3A_524 : i32 to vector<16xi32>
        %add3A_526 = arith.addi %add3A_81, %add3A_525 : vector<16xi32>
        %gather3A_527 = tpu.vector_load_idx %arg8[%add3A_526] : memref<25600xi32, #tpu.memory_space<vmem>>[vector<16xi32>], vector<16xi32>,
        %swap3A_528 = arith.constant 32 : index
        %swap3A_529 = tpu.vector_load %arg11[%swap3A_528] {strides = array<i32>} : memref<128xi32, #tpu.memory_space<vmem>>, vector<16xi32>,
        tpu.vector_store %arg11[%swap3A_528], %gather3A_527 {strides = array<i32>} : memref<128xi32, #tpu.memory_space<vmem>>, vector<16xi32>,
        %add3A_530 = arith.constant 1200 : i32
        %add3A_531 = arith.addi %add3A_508, %add3A_530 : i32
        %add3A_532 = vector.broadcast %add3A_531 : i32 to vector<16xi32>
        %add3A_533 = arith.addi %add3A_81, %add3A_532 : vector<16xi32>
        %gather3A_534 = tpu.vector_load_idx %arg8[%add3A_533] : memref<25600xi32, #tpu.memory_space<vmem>>[vector<16xi32>], vector<16xi32>,
        %swap3A_535 = arith.constant 48 : index
        %swap3A_536 = tpu.vector_load %arg11[%swap3A_535] {strides = array<i32>} : memref<128xi32, #tpu.memory_space<vmem>>, vector<16xi32>,
        tpu.vector_store %arg11[%swap3A_535], %gather3A_534 {strides = array<i32>} : memref<128xi32, #tpu.memory_space<vmem>>, vector<16xi32>,
        %add3A_537 = arith.constant 1600 : i32
        %add3A_538 = arith.addi %add3A_508, %add3A_537 : i32
        %add3A_539 = vector.broadcast %add3A_538 : i32 to vector<16xi32>
        %add3A_540 = arith.addi %add3A_81, %add3A_539 : vector<16xi32>
        %gather3A_541 = tpu.vector_load_idx %arg8[%add3A_540] : memref<25600xi32, #tpu.memory_space<vmem>>[vector<16xi32>], vector<16xi32>,
        %swap3A_542 = arith.constant 64 : index
        %swap3A_543 = tpu.vector_load %arg11[%swap3A_542] {strides = array<i32>} : memref<128xi32, #tpu.memory_space<vmem>>, vector<16xi32>,
        tpu.vector_store %arg11[%swap3A_542], %gather3A_541 {strides = array<i32>} : memref<128xi32, #tpu.memory_space<vmem>>, vector<16xi32>,
        %add3A_544 = arith.constant 2000 : i32
        %add3A_545 = arith.addi %add3A_508, %add3A_544 : i32
        %add3A_546 = vector.broadcast %add3A_545 : i32 to vector<16xi32>
        %add3A_547 = arith.addi %add3A_81, %add3A_546 : vector<16xi32>
        %gather3A_548 = tpu.vector_load_idx %arg8[%add3A_547] : memref<25600xi32, #tpu.memory_space<vmem>>[vector<16xi32>], vector<16xi32>,
        %swap3A_549 = arith.constant 80 : index
        %swap3A_550 = tpu.vector_load %arg11[%swap3A_549] {strides = array<i32>} : memref<128xi32, #tpu.memory_space<vmem>>, vector<16xi32>,
        tpu.vector_store %arg11[%swap3A_549], %gather3A_548 {strides = array<i32>} : memref<128xi32, #tpu.memory_space<vmem>>, vector<16xi32>,
        %add3A_551 = arith.constant 2400 : i32
        %add3A_552 = arith.addi %add3A_508, %add3A_551 : i32
        %add3A_553 = vector.broadcast %add3A_552 : i32 to vector<16xi32>
        %add3A_554 = arith.addi %add3A_81, %add3A_553 : vector<16xi32>
        %gather3A_555 = tpu.vector_load_idx %arg8[%add3A_554] : memref<25600xi32, #tpu.memory_space<vmem>>[vector<16xi32>], vector<16xi32>,
        %swap3A_556 = arith.constant 96 : index
        %swap3A_557 = tpu.vector_load %arg11[%swap3A_556] {strides = array<i32>} : memref<128xi32, #tpu.memory_space<vmem>>, vector<16xi32>,
        tpu.vector_store %arg11[%swap3A_556], %gather3A_555 {strides = array<i32>} : memref<128xi32, #tpu.memory_space<vmem>>, vector<16xi32>,
        %add3A_558 = arith.constant 2800 : i32
        %add3A_559 = arith.addi %add3A_508, %add3A_558 : i32
        %add3A_560 = vector.broadcast %add3A_559 : i32 to vector<16xi32>
        %add3A_561 = arith.addi %add3A_81, %add3A_560 : vector<16xi32>
        %gather3A_562 = tpu.vector_load_idx %arg8[%add3A_561] : memref<25600xi32, #tpu.memory_space<vmem>>[vector<16xi32>], vector<16xi32>,
        %swap3A_563 = arith.constant 112 : index
        %swap3A_564 = tpu.vector_load %arg11[%swap3A_563] {strides = array<i32>} : memref<128xi32, #tpu.memory_space<vmem>>, vector<16xi32>,
        tpu.vector_store %arg11[%swap3A_563], %gather3A_562 {strides = array<i32>} : memref<128xi32, #tpu.memory_space<vmem>>, vector<16xi32>,
        %dma_start3A_565 = arith.constant 0 : i32
        %dma_start3A_566 = arith.constant 0 : i32
        %dma_start3A_567 = tpu.memref_slice %arg3[%dma_start3A_565, %dma_start3A_566] : memref<1000000x128xf32, #tpu.memory_space<hbm>> -> memref<1000000x128xf32, #tpu.memory_space<hbm>>
        tpu.enqueue_indirect_dma source(%dma_start3A_567 : memref<1000000x128xf32, #tpu.memory_space<hbm>>) target(%arg13 : memref<128x128xf32, #tpu.memory_space<vmem>>) offsets(%arg11 : memref<128xi32, #tpu.memory_space<vmem>>) semaphore(%arg17 : memref<!tpu.dma_semaphore, #tpu.memory_space<semaphore_mem>>)
      } else {
      }
      %add3A_386 = arith.constant 1 : i32
      %add3A_387 = arith.addi %mul3A_313, %add3A_386 : i32
      %dma_wait3A_388 = arith.constant 0 : i32
      %dma_wait3A_389 = arith.constant 0 : i32
      %dma_wait3A_390 = tpu.memref_slice %arg3[%dma_wait3A_388, %dma_wait3A_389] : memref<1000000x128xf32, #tpu.memory_space<hbm>> -> memref<128x128xf32, #tpu.memory_space<hbm>>
      %dma_wait3A_391 = arith.constant 0 : i32
      %dma_wait3A_392 = arith.constant 0 : i32
      %dma_wait3A_393 = tpu.memref_slice %arg3[%dma_wait3A_391, %dma_wait3A_392] : memref<1000000x128xf32, #tpu.memory_space<hbm>> -> memref<128x128xf32, #tpu.memory_space<hbm>>
      tpu.wait_dma2 semaphore(%arg18 : memref<!tpu.dma_semaphore, #tpu.memory_space<semaphore_mem>>) src(%dma_wait3A_393 : memref<128x128xf32, #tpu.memory_space<hbm>>) dst(%arg14 : memref<128x128xf32, #tpu.memory_space<vmem>>)
      %ge3A_394 = arith.constant 2 : i32
      %ge3A_395 = arith.cmpi sge, %add3A_387, %ge3A_394 : i32
      %convert_element_type3A_396 = arith.extui %ge3A_395 : i1 to i32
      %cond3A_397 = arith.constant 0 : i32
      %cond3A_398 = arith.cmpi ne, %convert_element_type3A_396, %cond3A_397 : i32
      scf.if %cond3A_398 {
        %dma_wait3A_462 = arith.constant 0 : i32
        %dma_wait3A_463 = arith.constant 0 : i32
        %dma_wait3A_464 = arith.constant 0 : i32
        %dma_wait3A_465 = tpu.memref_slice %arg7[%dma_wait3A_462, %dma_wait3A_463, %dma_wait3A_464] : memref<4096x200x64xf32, #tpu.memory_space<hbm>> -> memref<16x8x64xf32, #tpu.memory_space<hbm>>
        %dma_wait3A_466 = arith.constant 0 : i32
        %dma_wait3A_467 = arith.constant 0 : i32
        %dma_wait3A_468 = arith.constant 0 : i32
        %dma_wait3A_469 = tpu.memref_slice %arg7[%dma_wait3A_466, %dma_wait3A_467, %dma_wait3A_468] : memref<4096x200x64xf32, #tpu.memory_space<hbm>> -> memref<16x8x64xf32, #tpu.memory_space<hbm>>
        tpu.wait_dma2 semaphore(%arg20 : memref<!tpu.dma_semaphore, #tpu.memory_space<semaphore_mem>>) src(%arg16 : memref<16x8x64xf32, #tpu.memory_space<vmem>>) dst(%dma_wait3A_469 : memref<16x8x64xf32, #tpu.memory_space<hbm>>)
      } else {
      }
      %jit3A_399 = arith.constant 25 : i32
      %div3A_400 = arith.divsi %add3A_387, %jit3A_399 : i32
      %sign3A_401 = arith.constant 0 : i32
      %sign3A_402 = arith.cmpi sgt, %add3A_387, %sign3A_401 : i32
      %sign3A_403 = arith.extui %sign3A_402 : i1 to i32
      %sign3A_404 = arith.constant 0 : i32
      %sign3A_405 = arith.cmpi slt, %add3A_387, %sign3A_404 : i32
      %sign3A_406 = arith.extui %sign3A_405 : i1 to i32
      %sign3A_407 = arith.subi %sign3A_403, %sign3A_406 : i32
      %sign3A_408 = arith.constant 0 : i32
      %sign3A_409 = arith.cmpi sgt, %jit3A_399, %sign3A_408 : i32
      %sign3A_410 = arith.extui %sign3A_409 : i1 to i32
      %sign3A_411 = arith.constant 0 : i32
      %sign3A_412 = arith.cmpi slt, %jit3A_399, %sign3A_411 : i32
      %sign3A_413 = arith.extui %sign3A_412 : i1 to i32
      %sign3A_414 = arith.subi %sign3A_410, %sign3A_413 : i32
      %ne3A_415 = arith.cmpi ne, %sign3A_407, %sign3A_414 : i32
      %rem3A_416 = arith.remsi %add3A_387, %jit3A_399 : i32
      %ne3A_417 = arith.constant 0 : i32
      %ne3A_418 = arith.cmpi ne, %rem3A_416, %ne3A_417 : i32
      %and3A_419 = arith.andi %ne3A_415, %ne3A_418 : i1
      %sub3A_420 = arith.constant 1 : i32
      %sub3A_421 = arith.subi %div3A_400, %sub3A_420 : i32
      %select_n3A_422 = arith.select %and3A_419, %sub3A_421, %div3A_400 : i32
      %jit3A_423 = arith.constant 25 : i32
      %eq3A_424 = arith.constant 0 : i32
      %eq3A_425 = arith.cmpi eq, %jit3A_423, %eq3A_424 : i32
      %jit3A_426 = arith.constant 1 : i32
      %select_n3A_427 = arith.select %eq3A_425, %jit3A_426, %jit3A_423 : i32
      %rem3A_428 = arith.remsi %add3A_387, %select_n3A_427 : i32
      %ne3A_429 = arith.constant 0 : i32
      %ne3A_430 = arith.cmpi ne, %rem3A_428, %ne3A_429 : i32
      %lt3A_431 = arith.constant 0 : i32
      %lt3A_432 = arith.cmpi slt, %rem3A_428, %lt3A_431 : i32
      %lt3A_433 = arith.constant 0 : i32
      %lt3A_434 = arith.cmpi slt, %select_n3A_427, %lt3A_433 : i32
      %ne3A_435 = arith.xori %lt3A_432, %lt3A_434 : i1
      %and3A_436 = arith.andi %ne3A_435, %ne3A_430 : i1
      %add3A_437 = arith.addi %rem3A_428, %select_n3A_427 : i32
      %select_n3A_438 = arith.select %and3A_436, %add3A_437, %rem3A_428 : i32
      %mul3A_439 = arith.constant 8 : i32
      %mul3A_440 = arith.muli %select_n3A_438, %mul3A_439 : i32
      %parallel_loop3A_441 = arith.constant 0 : i32
      %parallel_loop3A_442 = arith.constant 128 : i32
      %parallel_loop3A_443 = arith.constant 1 : i32
      scf.for %parallel_loop3A_462 = %parallel_loop3A_441 to %parallel_loop3A_442 step %parallel_loop3A_443  : i32 {
        %parallel_loop3A_463 = arith.constant 8 : i32
        %parallel_loop3A_464 = arith.divsi %parallel_loop3A_462, %parallel_loop3A_463 : i32
        %parallel_loop3A_465 = arith.constant 0 : i32
        %parallel_loop3A_466 = arith.cmpi sgt, %parallel_loop3A_462, %parallel_loop3A_465 : i32
        %parallel_loop3A_467 = arith.extui %parallel_loop3A_466 : i1 to i32
        %parallel_loop3A_468 = arith.constant 0 : i32
        %parallel_loop3A_469 = arith.cmpi slt, %parallel_loop3A_462, %parallel_loop3A_468 : i32
        %parallel_loop3A_470 = arith.extui %parallel_loop3A_469 : i1 to i32
        %parallel_loop3A_471 = arith.subi %parallel_loop3A_467, %parallel_loop3A_470 : i32
        %parallel_loop3A_472 = arith.constant 0 : i32
        %parallel_loop3A_473 = arith.cmpi sgt, %parallel_loop3A_463, %parallel_loop3A_472 : i32
        %parallel_loop3A_474 = arith.extui %parallel_loop3A_473 : i1 to i32
        %parallel_loop3A_475 = arith.constant 0 : i32
        %parallel_loop3A_476 = arith.cmpi slt, %parallel_loop3A_463, %parallel_loop3A_475 : i32
        %parallel_loop3A_477 = arith.extui %parallel_loop3A_476 : i1 to i32
        %parallel_loop3A_478 = arith.subi %parallel_loop3A_474, %parallel_loop3A_477 : i32
        %parallel_loop3A_479 = arith.cmpi ne, %parallel_loop3A_471, %parallel_loop3A_478 : i32
        %parallel_loop3A_480 = arith.remsi %parallel_loop3A_462, %parallel_loop3A_463 : i32
        %parallel_loop3A_481 = arith.constant 0 : i32
        %parallel_loop3A_482 = arith.cmpi ne, %parallel_loop3A_480, %parallel_loop3A_481 : i32
        %parallel_loop3A_483 = arith.andi %parallel_loop3A_479, %parallel_loop3A_482 : i1
        %parallel_loop3A_484 = arith.constant 1 : i32
        %parallel_loop3A_485 = arith.subi %parallel_loop3A_464, %parallel_loop3A_484 : i32
        %parallel_loop3A_486 = arith.select %parallel_loop3A_483, %parallel_loop3A_485, %parallel_loop3A_464 : i32
        %parallel_loop3A_487 = arith.constant 8 : i32
        %parallel_loop3A_488 = arith.constant 0 : i32
        %parallel_loop3A_489 = arith.cmpi eq, %parallel_loop3A_487, %parallel_loop3A_488 : i32
        %parallel_loop3A_490 = arith.constant 1 : i32
        %parallel_loop3A_491 = arith.select %parallel_loop3A_489, %parallel_loop3A_490, %parallel_loop3A_487 : i32
        %parallel_loop3A_492 = arith.remsi %parallel_loop3A_462, %parallel_loop3A_491 : i32
        %parallel_loop3A_493 = arith.constant 0 : i32
        %parallel_loop3A_494 = arith.cmpi ne, %parallel_loop3A_492, %parallel_loop3A_493 : i32
        %parallel_loop3A_495 = arith.constant 0 : i32
        %parallel_loop3A_496 = arith.cmpi slt, %parallel_loop3A_492, %parallel_loop3A_495 : i32
        %parallel_loop3A_497 = arith.constant 0 : i32
        %parallel_loop3A_498 = arith.cmpi slt, %parallel_loop3A_491, %parallel_loop3A_497 : i32
        %parallel_loop3A_499 = arith.xori %parallel_loop3A_496, %parallel_loop3A_498 : i1
        %parallel_loop3A_500 = arith.andi %parallel_loop3A_499, %parallel_loop3A_494 : i1
        %parallel_loop3A_501 = arith.addi %parallel_loop3A_492, %parallel_loop3A_491 : i32
        %parallel_loop3A_502 = arith.select %parallel_loop3A_500, %parallel_loop3A_501, %parallel_loop3A_492 : i32
        %parallel_loop3A_503 = arith.addi %mul3A_440, %parallel_loop3A_502 : i32
        %parallel_loop3A_504 = arith.constant 2 : i32
        %parallel_loop3A_505 = arith.divsi %parallel_loop3A_503, %parallel_loop3A_504 : i32
        %parallel_loop3A_506 = arith.constant 0 : i32
        %parallel_loop3A_507 = arith.cmpi sgt, %parallel_loop3A_503, %parallel_loop3A_506 : i32
        %parallel_loop3A_508 = arith.extui %parallel_loop3A_507 : i1 to i32
        %parallel_loop3A_509 = arith.constant 0 : i32
        %parallel_loop3A_510 = arith.cmpi slt, %parallel_loop3A_503, %parallel_loop3A_509 : i32
        %parallel_loop3A_511 = arith.extui %parallel_loop3A_510 : i1 to i32
        %parallel_loop3A_512 = arith.subi %parallel_loop3A_508, %parallel_loop3A_511 : i32
        %parallel_loop3A_513 = arith.constant 0 : i32
        %parallel_loop3A_514 = arith.cmpi sgt, %parallel_loop3A_504, %parallel_loop3A_513 : i32
        %parallel_loop3A_515 = arith.extui %parallel_loop3A_514 : i1 to i32
        %parallel_loop3A_516 = arith.constant 0 : i32
        %parallel_loop3A_517 = arith.cmpi slt, %parallel_loop3A_504, %parallel_loop3A_516 : i32
        %parallel_loop3A_518 = arith.extui %parallel_loop3A_517 : i1 to i32
        %parallel_loop3A_519 = arith.subi %parallel_loop3A_515, %parallel_loop3A_518 : i32
        %parallel_loop3A_520 = arith.cmpi ne, %parallel_loop3A_512, %parallel_loop3A_519 : i32
        %parallel_loop3A_521 = arith.remsi %parallel_loop3A_503, %parallel_loop3A_504 : i32
        %parallel_loop3A_522 = arith.constant 0 : i32
        %parallel_loop3A_523 = arith.cmpi ne, %parallel_loop3A_521, %parallel_loop3A_522 : i32
        %parallel_loop3A_524 = arith.andi %parallel_loop3A_520, %parallel_loop3A_523 : i1
        %parallel_loop3A_525 = arith.constant 1 : i32
        %parallel_loop3A_526 = arith.subi %parallel_loop3A_505, %parallel_loop3A_525 : i32
        %parallel_loop3A_527 = arith.select %parallel_loop3A_524, %parallel_loop3A_526, %parallel_loop3A_505 : i32
        %parallel_loop3A_528 = arith.constant 2 : i32
        %parallel_loop3A_529 = arith.constant 0 : i32
        %parallel_loop3A_530 = arith.cmpi eq, %parallel_loop3A_528, %parallel_loop3A_529 : i32
        %parallel_loop3A_531 = arith.constant 1 : i32
        %parallel_loop3A_532 = arith.select %parallel_loop3A_530, %parallel_loop3A_531, %parallel_loop3A_528 : i32
        %parallel_loop3A_533 = arith.remsi %parallel_loop3A_503, %parallel_loop3A_532 : i32
        %parallel_loop3A_534 = arith.constant 0 : i32
        %parallel_loop3A_535 = arith.cmpi ne, %parallel_loop3A_533, %parallel_loop3A_534 : i32
        %parallel_loop3A_536 = arith.constant 0 : i32
        %parallel_loop3A_537 = arith.cmpi slt, %parallel_loop3A_533, %parallel_loop3A_536 : i32
        %parallel_loop3A_538 = arith.constant 0 : i32
        %parallel_loop3A_539 = arith.cmpi slt, %parallel_loop3A_532, %parallel_loop3A_538 : i32
        %parallel_loop3A_540 = arith.xori %parallel_loop3A_537, %parallel_loop3A_539 : i1
        %parallel_loop3A_541 = arith.andi %parallel_loop3A_540, %parallel_loop3A_535 : i1
        %parallel_loop3A_542 = arith.addi %parallel_loop3A_533, %parallel_loop3A_532 : i32
        %parallel_loop3A_543 = arith.select %parallel_loop3A_541, %parallel_loop3A_542, %parallel_loop3A_533 : i32
        %parallel_loop3A_544 = arith.constant 64 : i32
        %parallel_loop3A_545 = arith.muli %parallel_loop3A_543, %parallel_loop3A_544 : i32
        %parallel_loop3A_546 = arith.index_cast %parallel_loop3A_462 : i32 to index
        %parallel_loop3A_547 = arith.constant 0 : index
        %parallel_loop3A_548 = tpu.vector_load %arg14[%parallel_loop3A_546, %parallel_loop3A_547] {strides = array<i32>} : memref<128x128xf32, #tpu.memory_space<vmem>>, vector<16xf32>,
        %parallel_loop3A_549 = arith.constant 0 : i32
        %parallel_loop3A_550 = arith.addi %parallel_loop3A_545, %parallel_loop3A_549 : i32
        %parallel_loop3A_551 = arith.index_cast %parallel_loop3A_527 : i32 to index
        %parallel_loop3A_552 = arith.index_cast %parallel_loop3A_550 : i32 to index
        %parallel_loop3A_553 = tpu.vector_load %arg9[%parallel_loop3A_551, %parallel_loop3A_552] {strides = array<i32>} : memref<104x128xf32, #tpu.memory_space<vmem>>, vector<16xf32>,
        %parallel_loop3A_554 = arith.addf %parallel_loop3A_548, %parallel_loop3A_553 : vector<16xf32>
        %parallel_loop3A_555 = arith.index_cast %parallel_loop3A_462 : i32 to index
        %parallel_loop3A_556 = arith.constant 16 : index
        %parallel_loop3A_557 = tpu.vector_load %arg14[%parallel_loop3A_555, %parallel_loop3A_556] {strides = array<i32>} : memref<128x128xf32, #tpu.memory_space<vmem>>, vector<16xf32>,
        %parallel_loop3A_558 = arith.constant 16 : i32
        %parallel_loop3A_559 = arith.addi %parallel_loop3A_545, %parallel_loop3A_558 : i32
        %parallel_loop3A_560 = arith.index_cast %parallel_loop3A_527 : i32 to index
        %parallel_loop3A_561 = arith.index_cast %parallel_loop3A_559 : i32 to index
        %parallel_loop3A_562 = tpu.vector_load %arg9[%parallel_loop3A_560, %parallel_loop3A_561] {strides = array<i32>} : memref<104x128xf32, #tpu.memory_space<vmem>>, vector<16xf32>,
        %parallel_loop3A_563 = arith.addf %parallel_loop3A_557, %parallel_loop3A_562 : vector<16xf32>
        %parallel_loop3A_564 = arith.index_cast %parallel_loop3A_462 : i32 to index
        %parallel_loop3A_565 = arith.constant 32 : index
        %parallel_loop3A_566 = tpu.vector_load %arg14[%parallel_loop3A_564, %parallel_loop3A_565] {strides = array<i32>} : memref<128x128xf32, #tpu.memory_space<vmem>>, vector<16xf32>,
        %parallel_loop3A_567 = arith.constant 32 : i32
        %parallel_loop3A_568 = arith.addi %parallel_loop3A_545, %parallel_loop3A_567 : i32
        %parallel_loop3A_569 = arith.index_cast %parallel_loop3A_527 : i32 to index
        %parallel_loop3A_570 = arith.index_cast %parallel_loop3A_568 : i32 to index
        %parallel_loop3A_571 = tpu.vector_load %arg9[%parallel_loop3A_569, %parallel_loop3A_570] {strides = array<i32>} : memref<104x128xf32, #tpu.memory_space<vmem>>, vector<16xf32>,
        %parallel_loop3A_572 = arith.addf %parallel_loop3A_566, %parallel_loop3A_571 : vector<16xf32>
        %parallel_loop3A_573 = arith.index_cast %parallel_loop3A_462 : i32 to index
        %parallel_loop3A_574 = arith.constant 48 : index
        %parallel_loop3A_575 = tpu.vector_load %arg14[%parallel_loop3A_573, %parallel_loop3A_574] {strides = array<i32>} : memref<128x128xf32, #tpu.memory_space<vmem>>, vector<16xf32>,
        %parallel_loop3A_576 = arith.constant 48 : i32
        %parallel_loop3A_577 = arith.addi %parallel_loop3A_545, %parallel_loop3A_576 : i32
        %parallel_loop3A_578 = arith.index_cast %parallel_loop3A_527 : i32 to index
        %parallel_loop3A_579 = arith.index_cast %parallel_loop3A_577 : i32 to index
        %parallel_loop3A_580 = tpu.vector_load %arg9[%parallel_loop3A_578, %parallel_loop3A_579] {strides = array<i32>} : memref<104x128xf32, #tpu.memory_space<vmem>>, vector<16xf32>,
        %parallel_loop3A_581 = arith.addf %parallel_loop3A_575, %parallel_loop3A_580 : vector<16xf32>
        %parallel_loop3A_582 = arith.addf %parallel_loop3A_554, %parallel_loop3A_563 : vector<16xf32>
        %parallel_loop3A_583 = arith.addf %parallel_loop3A_572, %parallel_loop3A_581 : vector<16xf32>
        %parallel_loop3A_584 = arith.addf %parallel_loop3A_582, %parallel_loop3A_583 : vector<16xf32>
        %parallel_loop3A_585 = arith.constant true
        %parallel_loop3A_586 = vector.broadcast %parallel_loop3A_585 : i1 to vector<16xi1>
        %parallel_loop3A_587 = tpu.scan <sum>, %parallel_loop3A_584 masked %parallel_loop3A_586 : vector<16xf32>, vector<16xi1> -> vector<16xf32>
        %parallel_loop3A_588 = vector.extract %parallel_loop3A_587[15] : f32 from vector<16xf32>
        %parallel_loop3A_589 = arith.constant 1.562500e-02 : f32
        %parallel_loop3A_590 = arith.mulf %parallel_loop3A_588, %parallel_loop3A_589 : f32
        %parallel_loop3A_591 = vector.broadcast %parallel_loop3A_590 : f32 to vector<16xf32>
        %parallel_loop3A_592 = arith.subf %parallel_loop3A_554, %parallel_loop3A_591 : vector<16xf32>
        %parallel_loop3A_593 = arith.subf %parallel_loop3A_563, %parallel_loop3A_591 : vector<16xf32>
        %parallel_loop3A_594 = arith.subf %parallel_loop3A_572, %parallel_loop3A_591 : vector<16xf32>
        %parallel_loop3A_595 = arith.subf %parallel_loop3A_581, %parallel_loop3A_591 : vector<16xf32>
        %parallel_loop3A_596 = arith.mulf %parallel_loop3A_592, %parallel_loop3A_592 : vector<16xf32>
        %parallel_loop3A_597 = arith.mulf %parallel_loop3A_593, %parallel_loop3A_593 : vector<16xf32>
        %parallel_loop3A_598 = arith.addf %parallel_loop3A_596, %parallel_loop3A_597 : vector<16xf32>
        %parallel_loop3A_599 = arith.mulf %parallel_loop3A_594, %parallel_loop3A_594 : vector<16xf32>
        %parallel_loop3A_600 = arith.mulf %parallel_loop3A_595, %parallel_loop3A_595 : vector<16xf32>
        %parallel_loop3A_601 = arith.addf %parallel_loop3A_599, %parallel_loop3A_600 : vector<16xf32>
        %parallel_loop3A_602 = arith.addf %parallel_loop3A_598, %parallel_loop3A_601 : vector<16xf32>
        %parallel_loop3A_603 = arith.constant true
        %parallel_loop3A_604 = vector.broadcast %parallel_loop3A_603 : i1 to vector<16xi1>
        %parallel_loop3A_605 = tpu.scan <sum>, %parallel_loop3A_602 masked %parallel_loop3A_604 : vector<16xf32>, vector<16xi1> -> vector<16xf32>
        %parallel_loop3A_606 = vector.extract %parallel_loop3A_605[15] : f32 from vector<16xf32>
        %parallel_loop3A_607 = arith.constant 1.562500e-02 : f32
        %parallel_loop3A_608 = arith.mulf %parallel_loop3A_606, %parallel_loop3A_607 : f32
        %parallel_loop3A_609 = vector.broadcast %parallel_loop3A_608 : f32 to vector<16xf32>
        %parallel_loop3A_610 = arith.constant 9.99999997E-7 : f32
        %parallel_loop3A_611 = vector.broadcast %parallel_loop3A_610 : f32 to vector<16xf32>
        %parallel_loop3A_612 = arith.addf %parallel_loop3A_609, %parallel_loop3A_611 : vector<16xf32>
        %parallel_loop3A_613 = tpu.bitcast %parallel_loop3A_612 : vector<16xf32> -> vector<16xi32>
        %parallel_loop3A_614 = arith.constant 1 : i32
        %parallel_loop3A_615 = vector.broadcast %parallel_loop3A_614 : i32 to vector<16xi32>
        %parallel_loop3A_616 = arith.shrui %parallel_loop3A_613, %parallel_loop3A_615 : vector<16xi32>
        %parallel_loop3A_617 = arith.constant 1597463007 : i32
        %parallel_loop3A_618 = vector.broadcast %parallel_loop3A_617 : i32 to vector<16xi32>
        %parallel_loop3A_619 = arith.subi %parallel_loop3A_618, %parallel_loop3A_616 : vector<16xi32>
        %parallel_loop3A_620 = tpu.bitcast %parallel_loop3A_619 : vector<16xi32> -> vector<16xf32>
        %parallel_loop3A_621 = arith.constant 5.000000e-01 : f32
        %parallel_loop3A_622 = vector.broadcast %parallel_loop3A_621 : f32 to vector<16xf32>
        %parallel_loop3A_623 = arith.mulf %parallel_loop3A_612, %parallel_loop3A_622 : vector<16xf32>
        %parallel_loop3A_624 = arith.mulf %parallel_loop3A_623, %parallel_loop3A_620 : vector<16xf32>
        %parallel_loop3A_625 = arith.mulf %parallel_loop3A_624, %parallel_loop3A_620 : vector<16xf32>
        %parallel_loop3A_626 = arith.constant 1.500000e+00 : f32
        %parallel_loop3A_627 = vector.broadcast %parallel_loop3A_626 : f32 to vector<16xf32>
        %parallel_loop3A_628 = arith.subf %parallel_loop3A_627, %parallel_loop3A_625 : vector<16xf32>
        %parallel_loop3A_629 = arith.mulf %parallel_loop3A_620, %parallel_loop3A_628 : vector<16xf32>
        %parallel_loop3A_630 = arith.mulf %parallel_loop3A_623, %parallel_loop3A_629 : vector<16xf32>
        %parallel_loop3A_631 = arith.mulf %parallel_loop3A_630, %parallel_loop3A_629 : vector<16xf32>
        %parallel_loop3A_632 = arith.constant 1.500000e+00 : f32
        %parallel_loop3A_633 = vector.broadcast %parallel_loop3A_632 : f32 to vector<16xf32>
        %parallel_loop3A_634 = arith.subf %parallel_loop3A_633, %parallel_loop3A_631 : vector<16xf32>
        %parallel_loop3A_635 = arith.mulf %parallel_loop3A_629, %parallel_loop3A_634 : vector<16xf32>
        %parallel_loop3A_636 = arith.mulf %parallel_loop3A_635, %get3A_6 : vector<16xf32>
        %parallel_loop3A_637 = arith.mulf %parallel_loop3A_592, %parallel_loop3A_636 : vector<16xf32>
        %parallel_loop3A_638 = arith.addf %parallel_loop3A_637, %get3A_22 : vector<16xf32>
        %parallel_loop3A_639 = arith.index_cast %parallel_loop3A_486 : i32 to index
        %parallel_loop3A_640 = arith.index_cast %parallel_loop3A_502 : i32 to index
        %parallel_loop3A_641 = arith.constant 0 : index
        %parallel_loop3A_642 = tpu.vector_load %arg16[%parallel_loop3A_639, %parallel_loop3A_640, %parallel_loop3A_641] {strides = array<i32>} : memref<16x8x64xf32, #tpu.memory_space<vmem>>, vector<16xf32>,
        tpu.vector_store %arg16[%parallel_loop3A_639, %parallel_loop3A_640, %parallel_loop3A_641], %parallel_loop3A_638 {strides = array<i32>} : memref<16x8x64xf32, #tpu.memory_space<vmem>>, vector<16xf32>,
        %parallel_loop3A_643 = arith.mulf %parallel_loop3A_635, %get3A_10 : vector<16xf32>
        %parallel_loop3A_644 = arith.mulf %parallel_loop3A_593, %parallel_loop3A_643 : vector<16xf32>
        %parallel_loop3A_645 = arith.addf %parallel_loop3A_644, %get3A_26 : vector<16xf32>
        %parallel_loop3A_646 = arith.index_cast %parallel_loop3A_486 : i32 to index
        %parallel_loop3A_647 = arith.index_cast %parallel_loop3A_502 : i32 to index
        %parallel_loop3A_648 = arith.constant 16 : index
        %parallel_loop3A_649 = tpu.vector_load %arg16[%parallel_loop3A_646, %parallel_loop3A_647, %parallel_loop3A_648] {strides = array<i32>} : memref<16x8x64xf32, #tpu.memory_space<vmem>>, vector<16xf32>,
        tpu.vector_store %arg16[%parallel_loop3A_646, %parallel_loop3A_647, %parallel_loop3A_648], %parallel_loop3A_645 {strides = array<i32>} : memref<16x8x64xf32, #tpu.memory_space<vmem>>, vector<16xf32>,
        %parallel_loop3A_650 = arith.mulf %parallel_loop3A_635, %get3A_14 : vector<16xf32>
        %parallel_loop3A_651 = arith.mulf %parallel_loop3A_594, %parallel_loop3A_650 : vector<16xf32>
        %parallel_loop3A_652 = arith.addf %parallel_loop3A_651, %get3A_30 : vector<16xf32>
        %parallel_loop3A_653 = arith.index_cast %parallel_loop3A_486 : i32 to index
        %parallel_loop3A_654 = arith.index_cast %parallel_loop3A_502 : i32 to index
        %parallel_loop3A_655 = arith.constant 32 : index
        %parallel_loop3A_656 = tpu.vector_load %arg16[%parallel_loop3A_653, %parallel_loop3A_654, %parallel_loop3A_655] {strides = array<i32>} : memref<16x8x64xf32, #tpu.memory_space<vmem>>, vector<16xf32>,
        tpu.vector_store %arg16[%parallel_loop3A_653, %parallel_loop3A_654, %parallel_loop3A_655], %parallel_loop3A_652 {strides = array<i32>} : memref<16x8x64xf32, #tpu.memory_space<vmem>>, vector<16xf32>,
        %parallel_loop3A_657 = arith.mulf %parallel_loop3A_635, %get3A_18 : vector<16xf32>
        %parallel_loop3A_658 = arith.mulf %parallel_loop3A_595, %parallel_loop3A_657 : vector<16xf32>
        %parallel_loop3A_659 = arith.addf %parallel_loop3A_658, %get3A_34 : vector<16xf32>
        %parallel_loop3A_660 = arith.index_cast %parallel_loop3A_486 : i32 to index
        %parallel_loop3A_661 = arith.index_cast %parallel_loop3A_502 : i32 to index
        %parallel_loop3A_662 = arith.constant 48 : index
        %parallel_loop3A_663 = tpu.vector_load %arg16[%parallel_loop3A_660, %parallel_loop3A_661, %parallel_loop3A_662] {strides = array<i32>} : memref<16x8x64xf32, #tpu.memory_space<vmem>>, vector<16xf32>,
        tpu.vector_store %arg16[%parallel_loop3A_660, %parallel_loop3A_661, %parallel_loop3A_662], %parallel_loop3A_659 {strides = array<i32>} : memref<16x8x64xf32, #tpu.memory_space<vmem>>, vector<16xf32>,
      } {sc.loop_unroll_factor = 4 : i64, sc.parallel_access}
      %mul3A_444 = arith.constant 128 : i32
      %mul3A_445 = arith.muli %add3A, %mul3A_444 : i32
      %mul3A_446 = arith.constant 16 : i32
      %mul3A_447 = arith.muli %select_n3A_422, %mul3A_446 : i32
      %add3A_448 = arith.addi %mul3A_445, %mul3A_447 : i32
      %mul3A_449 = arith.constant 8 : i32
      %mul3A_450 = arith.muli %select_n3A_438, %mul3A_449 : i32
      %dma_start3A_451 = arith.constant 0 : i32
      %dma_start3A_452 = tpu.memref_slice %arg7[%add3A_448, %mul3A_450, %dma_start3A_451] : memref<4096x200x64xf32, #tpu.memory_space<hbm>> -> memref<16x8x64xf32, #tpu.memory_space<hbm>>
      %dma_start3A_453 = arith.constant 0 : i32
      %dma_start3A_454 = tpu.memref_slice %arg7[%add3A_448, %mul3A_450, %dma_start3A_453] : memref<4096x200x64xf32, #tpu.memory_space<hbm>> -> memref<16x8x64xf32, #tpu.memory_space<hbm>>
      tpu.enqueue_dma source(%arg16 : memref<16x8x64xf32, #tpu.memory_space<vmem>>) target(%dma_start3A_454 : memref<16x8x64xf32, #tpu.memory_space<hbm>>) target_semaphore(%arg20 : memref<!tpu.dma_semaphore, #tpu.memory_space<semaphore_mem>>)
      %add3A_455 = arith.constant 2 : i32
      %add3A_456 = arith.addi %add3A_387, %add3A_455 : i32
      %lt3A_457 = arith.constant 200 : i32
      %lt3A_458 = arith.cmpi slt, %add3A_456, %lt3A_457 : i32
      %convert_element_type3A_459 = arith.extui %lt3A_458 : i1 to i32
      %cond3A_460 = arith.constant 0 : i32
      %cond3A_461 = arith.cmpi ne, %convert_element_type3A_459, %cond3A_460 : i32
      scf.if %cond3A_461 {
        %add3A_462 = arith.constant 2 : i32
        %add3A_463 = arith.addi %add3A_387, %add3A_462 : i32
        %jit3A_464 = arith.constant 25 : i32
        %div3A_465 = arith.divsi %add3A_463, %jit3A_464 : i32
        %sign3A_466 = arith.constant 0 : i32
        %sign3A_467 = arith.cmpi sgt, %add3A_463, %sign3A_466 : i32
        %sign3A_468 = arith.extui %sign3A_467 : i1 to i32
        %sign3A_469 = arith.constant 0 : i32
        %sign3A_470 = arith.cmpi slt, %add3A_463, %sign3A_469 : i32
        %sign3A_471 = arith.extui %sign3A_470 : i1 to i32
        %sign3A_472 = arith.subi %sign3A_468, %sign3A_471 : i32
        %sign3A_473 = arith.constant 0 : i32
        %sign3A_474 = arith.cmpi sgt, %jit3A_464, %sign3A_473 : i32
        %sign3A_475 = arith.extui %sign3A_474 : i1 to i32
        %sign3A_476 = arith.constant 0 : i32
        %sign3A_477 = arith.cmpi slt, %jit3A_464, %sign3A_476 : i32
        %sign3A_478 = arith.extui %sign3A_477 : i1 to i32
        %sign3A_479 = arith.subi %sign3A_475, %sign3A_478 : i32
        %ne3A_480 = arith.cmpi ne, %sign3A_472, %sign3A_479 : i32
        %rem3A_481 = arith.remsi %add3A_463, %jit3A_464 : i32
        %ne3A_482 = arith.constant 0 : i32
        %ne3A_483 = arith.cmpi ne, %rem3A_481, %ne3A_482 : i32
        %and3A_484 = arith.andi %ne3A_480, %ne3A_483 : i1
        %sub3A_485 = arith.constant 1 : i32
        %sub3A_486 = arith.subi %div3A_465, %sub3A_485 : i32
        %select_n3A_487 = arith.select %and3A_484, %sub3A_486, %div3A_465 : i32
        %jit3A_488 = arith.constant 25 : i32
        %eq3A_489 = arith.constant 0 : i32
        %eq3A_490 = arith.cmpi eq, %jit3A_488, %eq3A_489 : i32
        %jit3A_491 = arith.constant 1 : i32
        %select_n3A_492 = arith.select %eq3A_490, %jit3A_491, %jit3A_488 : i32
        %rem3A_493 = arith.remsi %add3A_463, %select_n3A_492 : i32
        %ne3A_494 = arith.constant 0 : i32
        %ne3A_495 = arith.cmpi ne, %rem3A_493, %ne3A_494 : i32
        %lt3A_496 = arith.constant 0 : i32
        %lt3A_497 = arith.cmpi slt, %rem3A_493, %lt3A_496 : i32
        %lt3A_498 = arith.constant 0 : i32
        %lt3A_499 = arith.cmpi slt, %select_n3A_492, %lt3A_498 : i32
        %ne3A_500 = arith.xori %lt3A_497, %lt3A_499 : i1
        %and3A_501 = arith.andi %ne3A_500, %ne3A_495 : i1
        %add3A_502 = arith.addi %rem3A_493, %select_n3A_492 : i32
        %select_n3A_503 = arith.select %and3A_501, %add3A_502, %rem3A_493 : i32
        %mul3A_504 = arith.constant 3200 : i32
        %mul3A_505 = arith.muli %select_n3A_487, %mul3A_504 : i32
        %mul3A_506 = arith.constant 8 : i32
        %mul3A_507 = arith.muli %select_n3A_503, %mul3A_506 : i32
        %add3A_508 = arith.addi %mul3A_505, %mul3A_507 : i32
        %add3A_509 = arith.constant 0 : i32
        %add3A_510 = arith.addi %add3A_508, %add3A_509 : i32
        %add3A_511 = vector.broadcast %add3A_510 : i32 to vector<16xi32>
        %add3A_512 = arith.addi %add3A_81, %add3A_511 : vector<16xi32>
        %gather3A_513 = tpu.vector_load_idx %arg8[%add3A_512] : memref<25600xi32, #tpu.memory_space<vmem>>[vector<16xi32>], vector<16xi32>,
        %swap3A_514 = arith.constant 0 : index
        %swap3A_515 = tpu.vector_load %arg12[%swap3A_514] {strides = array<i32>} : memref<128xi32, #tpu.memory_space<vmem>>, vector<16xi32>,
        tpu.vector_store %arg12[%swap3A_514], %gather3A_513 {strides = array<i32>} : memref<128xi32, #tpu.memory_space<vmem>>, vector<16xi32>,
        %add3A_516 = arith.constant 400 : i32
        %add3A_517 = arith.addi %add3A_508, %add3A_516 : i32
        %add3A_518 = vector.broadcast %add3A_517 : i32 to vector<16xi32>
        %add3A_519 = arith.addi %add3A_81, %add3A_518 : vector<16xi32>
        %gather3A_520 = tpu.vector_load_idx %arg8[%add3A_519] : memref<25600xi32, #tpu.memory_space<vmem>>[vector<16xi32>], vector<16xi32>,
        %swap3A_521 = arith.constant 16 : index
        %swap3A_522 = tpu.vector_load %arg12[%swap3A_521] {strides = array<i32>} : memref<128xi32, #tpu.memory_space<vmem>>, vector<16xi32>,
        tpu.vector_store %arg12[%swap3A_521], %gather3A_520 {strides = array<i32>} : memref<128xi32, #tpu.memory_space<vmem>>, vector<16xi32>,
        %add3A_523 = arith.constant 800 : i32
        %add3A_524 = arith.addi %add3A_508, %add3A_523 : i32
        %add3A_525 = vector.broadcast %add3A_524 : i32 to vector<16xi32>
        %add3A_526 = arith.addi %add3A_81, %add3A_525 : vector<16xi32>
        %gather3A_527 = tpu.vector_load_idx %arg8[%add3A_526] : memref<25600xi32, #tpu.memory_space<vmem>>[vector<16xi32>], vector<16xi32>,
        %swap3A_528 = arith.constant 32 : index
        %swap3A_529 = tpu.vector_load %arg12[%swap3A_528] {strides = array<i32>} : memref<128xi32, #tpu.memory_space<vmem>>, vector<16xi32>,
        tpu.vector_store %arg12[%swap3A_528], %gather3A_527 {strides = array<i32>} : memref<128xi32, #tpu.memory_space<vmem>>, vector<16xi32>,
        %add3A_530 = arith.constant 1200 : i32
        %add3A_531 = arith.addi %add3A_508, %add3A_530 : i32
        %add3A_532 = vector.broadcast %add3A_531 : i32 to vector<16xi32>
        %add3A_533 = arith.addi %add3A_81, %add3A_532 : vector<16xi32>
        %gather3A_534 = tpu.vector_load_idx %arg8[%add3A_533] : memref<25600xi32, #tpu.memory_space<vmem>>[vector<16xi32>], vector<16xi32>,
        %swap3A_535 = arith.constant 48 : index
        %swap3A_536 = tpu.vector_load %arg12[%swap3A_535] {strides = array<i32>} : memref<128xi32, #tpu.memory_space<vmem>>, vector<16xi32>,
        tpu.vector_store %arg12[%swap3A_535], %gather3A_534 {strides = array<i32>} : memref<128xi32, #tpu.memory_space<vmem>>, vector<16xi32>,
        %add3A_537 = arith.constant 1600 : i32
        %add3A_538 = arith.addi %add3A_508, %add3A_537 : i32
        %add3A_539 = vector.broadcast %add3A_538 : i32 to vector<16xi32>
        %add3A_540 = arith.addi %add3A_81, %add3A_539 : vector<16xi32>
        %gather3A_541 = tpu.vector_load_idx %arg8[%add3A_540] : memref<25600xi32, #tpu.memory_space<vmem>>[vector<16xi32>], vector<16xi32>,
        %swap3A_542 = arith.constant 64 : index
        %swap3A_543 = tpu.vector_load %arg12[%swap3A_542] {strides = array<i32>} : memref<128xi32, #tpu.memory_space<vmem>>, vector<16xi32>,
        tpu.vector_store %arg12[%swap3A_542], %gather3A_541 {strides = array<i32>} : memref<128xi32, #tpu.memory_space<vmem>>, vector<16xi32>,
        %add3A_544 = arith.constant 2000 : i32
        %add3A_545 = arith.addi %add3A_508, %add3A_544 : i32
        %add3A_546 = vector.broadcast %add3A_545 : i32 to vector<16xi32>
        %add3A_547 = arith.addi %add3A_81, %add3A_546 : vector<16xi32>
        %gather3A_548 = tpu.vector_load_idx %arg8[%add3A_547] : memref<25600xi32, #tpu.memory_space<vmem>>[vector<16xi32>], vector<16xi32>,
        %swap3A_549 = arith.constant 80 : index
        %swap3A_550 = tpu.vector_load %arg12[%swap3A_549] {strides = array<i32>} : memref<128xi32, #tpu.memory_space<vmem>>, vector<16xi32>,
        tpu.vector_store %arg12[%swap3A_549], %gather3A_548 {strides = array<i32>} : memref<128xi32, #tpu.memory_space<vmem>>, vector<16xi32>,
        %add3A_551 = arith.constant 2400 : i32
        %add3A_552 = arith.addi %add3A_508, %add3A_551 : i32
        %add3A_553 = vector.broadcast %add3A_552 : i32 to vector<16xi32>
        %add3A_554 = arith.addi %add3A_81, %add3A_553 : vector<16xi32>
        %gather3A_555 = tpu.vector_load_idx %arg8[%add3A_554] : memref<25600xi32, #tpu.memory_space<vmem>>[vector<16xi32>], vector<16xi32>,
        %swap3A_556 = arith.constant 96 : index
        %swap3A_557 = tpu.vector_load %arg12[%swap3A_556] {strides = array<i32>} : memref<128xi32, #tpu.memory_space<vmem>>, vector<16xi32>,
        tpu.vector_store %arg12[%swap3A_556], %gather3A_555 {strides = array<i32>} : memref<128xi32, #tpu.memory_space<vmem>>, vector<16xi32>,
        %add3A_558 = arith.constant 2800 : i32
        %add3A_559 = arith.addi %add3A_508, %add3A_558 : i32
        %add3A_560 = vector.broadcast %add3A_559 : i32 to vector<16xi32>
        %add3A_561 = arith.addi %add3A_81, %add3A_560 : vector<16xi32>
        %gather3A_562 = tpu.vector_load_idx %arg8[%add3A_561] : memref<25600xi32, #tpu.memory_space<vmem>>[vector<16xi32>], vector<16xi32>,
        %swap3A_563 = arith.constant 112 : index
        %swap3A_564 = tpu.vector_load %arg12[%swap3A_563] {strides = array<i32>} : memref<128xi32, #tpu.memory_space<vmem>>, vector<16xi32>,
        tpu.vector_store %arg12[%swap3A_563], %gather3A_562 {strides = array<i32>} : memref<128xi32, #tpu.memory_space<vmem>>, vector<16xi32>,
        %dma_start3A_565 = arith.constant 0 : i32
        %dma_start3A_566 = arith.constant 0 : i32
        %dma_start3A_567 = tpu.memref_slice %arg3[%dma_start3A_565, %dma_start3A_566] : memref<1000000x128xf32, #tpu.memory_space<hbm>> -> memref<1000000x128xf32, #tpu.memory_space<hbm>>
        tpu.enqueue_indirect_dma source(%dma_start3A_567 : memref<1000000x128xf32, #tpu.memory_space<hbm>>) target(%arg14 : memref<128x128xf32, #tpu.memory_space<vmem>>) offsets(%arg12 : memref<128xi32, #tpu.memory_space<vmem>>) semaphore(%arg18 : memref<!tpu.dma_semaphore, #tpu.memory_space<semaphore_mem>>)
      } else {
      }
    }
    %scan3A_295 = arith.constant 100 : i32
    %dma_wait3A = arith.constant 0 : i32
    %dma_wait3A_296 = arith.constant 0 : i32
    %dma_wait3A_297 = arith.constant 0 : i32
    %dma_wait3A_298 = tpu.memref_slice %arg7[%dma_wait3A, %dma_wait3A_296, %dma_wait3A_297] : memref<4096x200x64xf32, #tpu.memory_space<hbm>> -> memref<16x8x64xf32, #tpu.memory_space<hbm>>
    %dma_wait3A_299 = arith.constant 0 : i32
    %dma_wait3A_300 = arith.constant 0 : i32
    %dma_wait3A_301 = arith.constant 0 : i32
    %dma_wait3A_302 = tpu.memref_slice %arg7[%dma_wait3A_299, %dma_wait3A_300, %dma_wait3A_301] : memref<4096x200x64xf32, #tpu.memory_space<hbm>> -> memref<16x8x64xf32, #tpu.memory_space<hbm>>
    tpu.wait_dma2 semaphore(%arg19 : memref<!tpu.dma_semaphore, #tpu.memory_space<semaphore_mem>>) src(%arg15 : memref<16x8x64xf32, #tpu.memory_space<vmem>>) dst(%dma_wait3A_302 : memref<16x8x64xf32, #tpu.memory_space<hbm>>)
    %dma_wait3A_303 = arith.constant 0 : i32
    %dma_wait3A_304 = arith.constant 0 : i32
    %dma_wait3A_305 = arith.constant 0 : i32
    %dma_wait3A_306 = tpu.memref_slice %arg7[%dma_wait3A_303, %dma_wait3A_304, %dma_wait3A_305] : memref<4096x200x64xf32, #tpu.memory_space<hbm>> -> memref<16x8x64xf32, #tpu.memory_space<hbm>>
    %dma_wait3A_307 = arith.constant 0 : i32
    %dma_wait3A_308 = arith.constant 0 : i32
    %dma_wait3A_309 = arith.constant 0 : i32
    %dma_wait3A_310 = tpu.memref_slice %arg7[%dma_wait3A_307, %dma_wait3A_308, %dma_wait3A_309] : memref<4096x200x64xf32, #tpu.memory_space<hbm>> -> memref<16x8x64xf32, #tpu.memory_space<hbm>>
    tpu.wait_dma2 semaphore(%arg20 : memref<!tpu.dma_semaphore, #tpu.memory_space<semaphore_mem>>) src(%arg16 : memref<16x8x64xf32, #tpu.memory_space<vmem>>) dst(%dma_wait3A_310 : memref<16x8x64xf32, #tpu.memory_space<hbm>>)
    return
  }
}

</mosaic_0001>

<sc_bundles>
// kernel: kernel.3.cloned.1.call-start
scs
__scs_entry_jumppad:
0x0: {  	(pc) =	sbr.rel $0x88, $3  }
0x1: {  	(tag) =	ssettag $0x0;
	lr =	simm.s32 $0x1  }
0x2: {  	[smem:$0x3F9C] =	sst lr;
	_ =	strace $0xD0000000  }
0x3: {  	_ = 	snop  }
0x4: {  	_ = 	snop  }
0x5: {  	_ = 	snop  }
0x6: {  	_ = 	snop  }
0x7: {  	_ = 	snop  }
__scs_overlays_trampoline_lowered:
0x8: {  	[smem:$0x3FAB] =	sst s0  }
0x9: {  	[smem:$0x3FAC] =	sst s1  }
0xa: {  	[smem:$0x3FAD] =	sst s2  }
0xb: {  	[smem:$0x3FAE] =	sst s3  }
0xc: {  	[smem:$0x3FAF] =	sst s4  }
0xd: {  	[smem:$0x3FB0] =	sst s5  }
0xe: {  	[smem:$0x3FB1] =	sst s6  }
0xf: {  	[smem:$0x3FB2] =	sst s7  }
0x10: {  	[smem:$0x3FB3] =	sst s8  }
0x11: {  	[smem:$0x3FB4] =	sst s9;
	s0 =	simm.s32 @!p0 $0x0  }
0x12: {  	s1 =	sld [smem:$0x3F9A];
	s0 =	simm.s32 @p0 $0x1  }
0x13: {  	[smem:$0x3FB5] =	sst s0;
	s0 =	simm.s32 @!p1 $0x0  }
0x14: {  	s2 =	sld [smem:$0x3F99];
	s0 =	simm.s32 @p1 $0x1  }
0x15: {  	[smem:$0x3FB6] =	sst s0;
	s0 =	simm.s32 @!p2 $0x0  }
0x16: {  	s3 =	sld [smem:$0x3FDB];
	s0 =	simm.s32 @p2 $0x1  }
0x17: {  	s4 =	simm.s32 $0x1BF5;
	[smem:$0x3FB8] =	sst s0  }
0x18: {  	s0 =	sld [smem:$0x3F9B];
	_ =	swait.ge [sflag:s4], $0x0  }
0x19: {  	s7 =	sld [smem:$0x3F9C]  }
0x1a: {  	s8 =	sadd.s32 $0xFFFFE003, lr  }
0x1b: {  	s9 =	sadd.s32 $0xFFFFFEF7, lr;
	s5 =	simm.s32 $0xFFFFFFFF;
	p2 =	slt.u32 s8, $0xFFFFF086  }
0x1c: {  	p1 =	slt.u32 s9, $0xF7A;
	s5 =	simm.s32 @!p2 $0x0  }
0x1d: {  	s5 =	simm.s32 @p1 $0x1;
	p0 =	seq.s32 s7, s2  }
0x1e: {  	s7 =	smul.u32 @!p0 $0xF7A, s2;
	p2 =	seq.s32 @!p0 s5, $0x0  }
0x1f: {  	s9 =	smul.u32 $0xF7A, s1;
	s8 =	simm.s32 @!p0 $0x1BF5;
	p2 =	por !p2, p0  }
0x20: {  	[sflag:s8] =	ssyncset.s32 @!p0 $0xFFFFF086;
	s6 =	sadd.s32 @!p0 s3, s7;
	s7 =	simm.s32 @!p0 $0x108  }
0x21: {  	s3 =	sadd.s32 s3, s9;
	s6 =	sadd.s32 @!p0 $0x88, s6;
	s7 =	simm.s32 @p2 $0x1082  }
0x22: {  	[simem:s7], [sflag:s8] =	dma.local @!p0 [hbm:s6], $0xF7A  }
0x23: {  	s9 =	sor.u32 $0xD0000000, s2;
	s6 =	simm.s32 $0x108;
	_ =	swait.ge @!p0 [sflag:s8], $0x0  }
0x24: {  	s3 =	sadd.s32 $0x88, s3;
	s6 =	simm.s32 @!p1 $0x1082;
	[sflag:s4] =	ssyncset.s32 $0xFFFFF086  }
0x25: {  	[simem:s6], [sflag:s4] =	dma.local [hbm:s3], $0xF7A  }
0x26: {  	[smem:$0x3F9C] =	sst s1;
	(tag) =	ssettag s2;
	_ =	strace s9  }
0x27: {  	s1 =	sld [smem:$0x3FAC]  }
0x28: {  	s2 =	sld [smem:$0x3FAD]  }
0x29: {  	s4 =	sld [smem:$0x3FAF]  }
0x2a: {  	p0 =	seq.s32 s5, $0x0;
	s5 =	sld [smem:$0x3FB0]  }
0x2b: {  	s6 =	sld [smem:$0x3FB1]  }
0x2c: {  	s7 =	sld [smem:$0x3FB2]  }
0x2d: {  	s3 =	simm.s32 $0x108;
	s8 =	sld [smem:$0x3FB3]  }
0x2e: {  	s3 =	simm.s32 @!p0 $0x1082;
	s9 =	sld [smem:$0x3FB4]  }
0x2f: {  	lr =	sadd.s32 s0, s3;
	s0 =	sld [smem:$0x3FAB]  }
0x30: {  	s3 =	sld [smem:$0x3FAE]  }
0x31: {  	[smem:$0x3FB7] =	sst s10  }
0x32: {  	s10 =	sld [smem:$0x3FB5];
	_ =	sdelay $0x3  }
0x33: {  	p0 =	seq.s32 s10, $0x1;
	s10 =	sld [smem:$0x3FB7];
	_ =	sdelay $0x3  }
0x34: {  	[smem:$0x3FB7] =	sst s10  }
0x35: {  	s10 =	sld [smem:$0x3FB6];
	_ =	sdelay $0x3  }
0x36: {  	p1 =	seq.s32 s10, $0x1;
	s10 =	sld [smem:$0x3FB7];
	_ =	sdelay $0x3  }
0x37: {  	[smem:$0x3FB7] =	sst s10  }
0x38: {  	s10 =	sld [smem:$0x3FB8]  }
0x39: {  	_ = 	snop;
	(pc) =	sbr.ind lr, $3  }
0x3a: {  	_ = 	snop  }
0x3b: {  	_ = 	snop  }
0x3c: {  	p2 =	seq.s32 s10, $0x1;
	s10 =	sld [smem:$0x3FB7]  }
0x3d: {  	_ =	shalt  }
0x3e: {  	_ =	shalt  }
0x3f: {  	_ =	shalt  }
0x40: {  	_ =	shalt  }
0x41: {  	_ =	shalt  }
0x42: {  	_ =	shalt  }
0x43: {  	_ =	shalt  }
0x44: {  	_ =	shalt  }
0x45: {  	_ =	shalt  }
0x46: {  	_ =	shalt  }
0x47: {  	_ =	shalt  }
0x48: {  	_ =	shalt  }
0x49: {  	_ =	shalt  }
0x4a: {  	_ =	shalt  }
0x4b: {  	_ =	shalt  }
0x4c: {  	_ =	shalt  }
0x4d: {  	_ =	shalt  }
0x4e: {  	_ =	shalt  }
0x4f: {  	_ =	shalt  }
0x50: {  	_ =	shalt  }
0x51: {  	_ =	shalt  }
0x52: {  	_ =	shalt  }
0x53: {  	_ =	shalt  }
0x54: {  	_ =	shalt  }
0x55: {  	_ =	shalt  }
0x56: {  	_ =	shalt  }
0x57: {  	_ =	shalt  }
0x58: {  	_ =	shalt  }
0x59: {  	_ =	shalt  }
0x5a: {  	_ =	shalt  }
0x5b: {  	_ =	shalt  }
0x5c: {  	_ =	shalt  }
0x5d: {  	_ =	shalt  }
0x5e: {  	_ =	shalt  }
0x5f: {  	_ =	shalt  }
0x60: {  	_ =	shalt  }
0x61: {  	_ =	shalt  }
0x62: {  	_ =	shalt  }
0x63: {  	_ =	shalt  }
0x64: {  	_ =	shalt  }
0x65: {  	_ =	shalt  }
0x66: {  	_ =	shalt  }
0x67: {  	_ =	shalt  }
0x68: {  	_ =	shalt  }
0x69: {  	_ =	shalt  }
0x6a: {  	_ =	shalt  }
0x6b: {  	_ =	shalt  }
0x6c: {  	_ =	shalt  }
0x6d: {  	_ =	shalt  }
0x6e: {  	_ =	shalt  }
0x6f: {  	_ =	shalt  }
0x70: {  	_ =	shalt  }
0x71: {  	_ =	shalt  }
0x72: {  	_ =	shalt  }
0x73: {  	_ =	shalt  }
0x74: {  	_ =	shalt  }
0x75: {  	_ =	shalt  }
0x76: {  	_ =	shalt  }
0x77: {  	_ =	shalt  }
0x78: {  	_ =	shalt  }
0x79: {  	_ =	shalt  }
0x7a: {  	_ =	shalt  }
0x7b: {  	_ =	shalt  }
0x7c: {  	_ =	shalt  }
0x7d: {  	_ =	shalt  }
0x7e: {  	_ =	shalt  }
0x7f: {  	_ =	shalt  }
0x80: {  	_ =	shalt  }
0x81: {  	_ =	shalt  }
0x82: {  	_ =	shalt  }
0x83: {  	_ =	shalt  }
0x84: {  	_ =	shalt  }
0x85: {  	_ =	shalt  }
0x86: {  	_ =	shalt  }
0x87: {  	_ =	shalt  }
.Lfunc_end0:
.L_simem_size_0:
called_computation_lowered:
.L_overlay_start_0:
0x88: {  	s2 =	sld [smem:$0x3FD9]  }
0x89: {  	s3 =	sld [smem:$0x3FFE];
	_ =	sdelay $0x1  }
0x8a: {  	s1 =	srdreg.scid  }
0x8b: {  	s0 =	sand.u32 $0x1, s1  }
0x8c: {  	s17 =	sshll.u32 s0, $0xA;
	s2 =	sadd.s32 s3, s2  }
0x8d: {  	s2 =	sadd.s32 s2, s17  }
0x8e: {  	[smem:$0x3FC3] =	sst s2  }
0x8f: {  	_ = 	snop  }
0x90: {  	s2 =	sld [smem:$0x3FC6]  }
0x91: {  	s18 =	sld [smem:$0x3FC5]  }
0x92: {  	s4 =	sld [smem:$0x3FD0];
	(tm) =	ssettm $0x1  }
0x93: {  	s5 =	sld [smem:$0x3FFB];
	_ =	sdelay $0x3  }
0x94: {  	_ =	strace s5  }
0x95: {  	s5 =	sld [smem:$0x3FFC];
	_ =	sdelay $0x3  }
0x96: {  	_ =	strace s5  }
0x97: {  	s5 =	sld [smem:$0x3FFD];
	_ =	sdelay $0x3  }
0x98: {  	_ =	strace s5  }
0x99: {  	_ =	strace $0x8FFFFFFF  }
0x9a: {  	s19 =	sld [smem:$0x3FDB];
	_ =	sdelay $0x1  }
0x9b: {  	s6 =	simm.s32 $_scs_section_size  }
0x9c: {  	s7 =	simm.s32 $_size__tile_overlayer_lowered;
	s8 =	simm.s32 $_tile_overlayer_lowered  }
0x9d: {  	s22 =	simm.s32 $0x1BFF;
	s21 =	sshll.u32 s8, $0x1;
	s5 =	sadd.s32 s6, s19  }
0x9e: {  	s9 =	simm.s32 $0x0;
	s20 =	sshll.u32 s7, $0x1;
	s7 =	sadd.s32 s21, s5  }
0x9f: {  	[timem:s9], [sflag:s22] =	dma.local [hbm:s7], s20  }
0xa0: {  	_ =	swait.ge [sflag:s22], s20  }
0xa1: {  	s6 =	ssub.s32 $0x0, s20;
	[sflag:s22] =	ssyncset.done $0x0  }
0xa2: {  	[sflag:s22] =	ssyncadd.s32 s6;
	_ =	sdelay $0x1  }
0xa3: {  	s23 =	simm.s32 $0x1B8B  }
0xa4: {  	_ =	swait.ge [sflag:s23], $0x1  }
0xa5: {  	[sflag:s23] =	ssyncset.done $0x0  }
0xa6: {  	s25 =	simm.s32 $0x1B8E;
	s24 =	sld [smem:$0x3FFE];
	[sflag:s23] =	ssyncadd.s32 $0xFFFFFFFF  }
0xa7: {  	s26 =	simm.s32 $execute0_lowered;
	[smem:$0x3FD2] =	sst s25  }
0xa8: {  	s7 =	sshll.u32 s26, $0x1;
	_ =	strace $0x80000046;
	[dreg:$0x1] =	wrdreg $0xFFFFFFFF  }
0xa9: {  	s28 =	simm.s32 $_size_execute0_lowered;
	s5 =	sadd.s32 s5, s7;
	[dreg:$0x0] =	wrdreg $0x0  }
0xaa: {  	s7 =	sshll.u32 s28, $0x1;
	[dreg:$0x2] =	wrdreg s5  }
0xab: {  	[dreg:$0x3] =	wrdreg s7  }
0xac: {  	[dreg:$0x4] =	wrdreg $0xC0  }
0xad: {  	_ =	task [dreg:s9], $0x5FFFF  }
0xae: {  	[dreg:$0x1] =	wrdreg $0xFFFFFFFF  }
0xaf: {  	[dreg:$0x0] =	wrdreg $0x60  }
0xb0: {  	[dreg:$0x2] =	wrdreg s4  }
0xb1: {  	[dreg:$0x3] =	wrdreg s24  }
0xb2: {  	[dreg:$0x4] =	wrdreg s2  }
0xb3: {  	[dreg:$0x5] =	wrdreg s18  }
0xb4: {  	[dreg:$0x6] =	wrdreg $0x9  }
0xb5: {  	_ =	task.clear_ibuf [dreg:s9], $0x7FFFF;
	_ =	strace $0x90000046  }
0xb6: {  	s29 =	simm.s32 $0x9;
	_ =	strace $0x80000048  }
0xb7: {  	_ =	swait.ge [sflag:s29], $0x1  }
0xb8: {  	[sflag:s29] =	ssyncadd.s32 $0xFFFFFFFF  }
0xb9: {  	_ =	strace $0x90000048  }
0xba: {  	_ =	sfence  }
0xbb: {  	s30 =	sld [smem:$0x0];
	_ =	sdelay $0x2  }
0xbc: {  	s31 =	sshll.u32 s1, $0xD;
	s1 =	sshrl.u32 s1, $0x2  }
0xbd: {  	s3 =	sand.u32 $0x4000, s31;
	s1 =	sadd.s32 s1, s30  }
0xbe: {  	s0 =	sor.u32 s3, s0;
	s1 =	sshll.u32 s1, $0x11  }
0xbf: {  	s0 =	sor.u32 s1, s0  }
0xc0: {  	s0 =	sadd.s32 $0x8F2B, s0  }
0xc1: {  	[sflag:s0] =	ssyncadd.remote.s32 $0x1  }
0xc2: {  	_ =	sfence.sel $0xFFFF  }
0xc3: {  	[dreg:$0x0] =	wrdreg $0xFFFFFFFF;
	(pc) =	sbr.abs _section_cstart, $3  }
0xc4: {  	[dreg:$0x1] =	wrdreg $0xFFFFFFFF  }
0xc5: {  	_ =	task.clear_ibuf [dreg:s9], $0x2FFFF;
	_ =	strace $0x9FFFFFFF  }
0xc6: {  	(tm) =	ssettm $0x7FFFFFFF  }
0xc7: {  	_ =	shalt  }
tec
execute0_lowered:
.L_overlay_start_1:
0x0: {  	(tag) =	ssettag $0x1  }
0x1: {  	v0 =	vimm.s32 $0x76543210;
	v1 =	vimm.s32 $0xCBCAC9C8;
	v2 =	vimm.s32 $0xCFCECDCC  }
0x2: {  	vm15 =	vcmask $0x1F10;
	v3 =	vimm.s32 $0x25F;
	vm14 =	vcmask $0x300  }
0x3: {  	vm13 =	vcmask $0x704;
	vm12 =	vcmask $0xB08;
	vm11 =	vcmask $0xF0C  }
0x4: {  	vm10 =	vcmask $0x1310;
	vm9 =	vcmask $0x1714;
	v24 =	vimm.s32 $0x3EF  }
0x5: {  	vm8 =	vcmask $0x1B18;
	vm7 =	vcmask $0x1F1C;
	vm6 =	vcmask $0x2320  }
0x6: {  	vm5 =	vcmask $0x2724;
	vm4 =	vcmask $0x2B28;
	vm3 =	vcmask $0x2F2C  }
0x7: {  	vm2 =	vcmask $0x3330;
	vm1 =	vcmask $0x3734;
	v25 =	vimm.s32 $0x57F  }
0x8: {  	vm0 =	vcmask $0x3B38;
	v29 =	vimm.s32 $0x70F;
	v33 =	vimm.s32 $0x89F  }
0x9: {  	v37 =	vimm.s32 $0xA2F;
	v41 =	vimm.s32 $0xBBF;
	v45 =	vimm.s32 $0x267  }
0xa: {  	v4 =	vimm.s32 $0xFEDCBA98;
	v5 =	vimm.s32 $0xD3D2D1D0;
	v6 =	vimm.s32 $0xD7D6D5D4  }
0xb: {  	v52 =	vimm.s32 $0x3F7;
	v53 =	vimm.s32 $0x587;
	v54 =	vimm.s32 $0x717  }
0xc: {  	v58 =	vimm.s32 $0x8A7;
	v59 =	vimm.s32 $0xA37;
	v60 =	vimm.s32 $0xBC7  }
0xd: {  	v0 =	vunpack.c.l.s4.s8 v0;
	v1 =	vunpack.c.0.s8.s32 v1;
	v2 =	vunpack.c.0.s8.s32 v2  }
0xe: {  	v22 =	vsel vm14, $0x190, v3;
	v3 =	vsel vm14, $0x4B0, v25;
	v4 =	vunpack.c.l.s4.s8 v4  }
0xf: {  	v5 =	vunpack.c.0.s8.s32 v5;
	v6 =	vunpack.c.0.s8.s32 v6;
	v23 =	vsel vm13, $0x191, v22  }
0x10: {  	v28 =	vsel vm13, $0x4B1, v3;
	v3 =	vsel vm14, $0x640, v29;
	v0 =	vunpack.c.0.s8.s32 v0  }
0x11: {  	v1 =	vsel vm15, v2, v1;
	v2 =	vsel vm14, $0x320, v24;
	v3 =	vsel vm13, $0x641, v3  }
0x12: {  	v4 =	vunpack.c.0.s8.s32 v4;
	v5 =	vsel vm15, v6, v5;
	v2 =	vsel vm13, $0x321, v2  }
0x13: {  	v32 =	vsel vm12, $0x642, v3;
	v3 =	vsel vm14, $0x7D0, v33;
	v0 =	vcombine.low v0, v1  }
0x14: {  	v1 =	vsel vm12, $0x192, v23;
	v2 =	vsel vm12, $0x322, v2;
	v3 =	vsel vm13, $0x7D1, v3  }
0x15: {  	v4 =	vand.u32 $0xF, v4;
	v1 =	vsel vm11, $0x193, v1;
	v2 =	vsel vm11, $0x323, v2  }
0x16: {  	v3 =	vsel vm12, $0x7D2, v3;
	v4 =	vcombine.low v4, v5;
	v0 =	vand.u32 $0xFF, v0  }
0x17: {  	v1 =	vsel vm10, $0x194, v1;
	v2 =	vsel vm10, $0x324, v2;
	v3 =	vsel vm11, $0x7D3, v3  }
0x18: {  	v1 =	vsel vm9, $0x195, v1;
	v2 =	vsel vm9, $0x325, v2;
	v3 =	vsel vm10, $0x7D4, v3  }
0x19: {  	v50 =	vand.u32 $0xFF, v4;
	v1 =	vsel vm8, $0x196, v1;
	v2 =	vsel vm8, $0x326, v2  }
0x1a: {  	v3 =	vsel vm9, $0x7D5, v3;
	v1 =	vsel vm7, $0x197, v1;
	v2 =	vsel vm7, $0x327, v2  }
0x1b: {  	v3 =	vsel vm8, $0x7D6, v3;
	v1 =	vsel vm6, $0x258, v1;
	v2 =	vsel vm6, $0x3E8, v2  }
0x1c: {  	v36 =	vsel vm7, $0x7D7, v3;
	v3 =	vsel vm14, $0x960, v37;
	v1 =	vsel vm5, $0x259, v1  }
0x1d: {  	v2 =	vsel vm5, $0x3E9, v2;
	v40 =	vsel vm13, $0x961, v3;
	v3 =	vsel vm14, $0xAF0, v41  }
0x1e: {  	v1 =	vsel vm4, $0x25A, v1;
	v27 =	vsel vm4, $0x3EA, v2;
	v2 =	vsel vm12, $0x4B2, v28  }
0x1f: {  	v3 =	vsel vm13, $0xAF1, v3;
	v1 =	vsel vm3, $0x25B, v1;
	v2 =	vsel vm11, $0x4B3, v2  }
0x20: {  	v44 =	vsel vm12, $0xAF2, v3;
	v3 =	vsel vm14, $0x198, v45;
	v1 =	vsel vm2, $0x25C, v1  }
0x21: {  	v2 =	vsel vm10, $0x4B4, v2;
	v3 =	vsel vm13, $0x199, v3;
	v1 =	vsel vm1, $0x25D, v1  }
0x22: {  	v31 =	vsel vm9, $0x4B5, v2;
	v2 =	vsel vm11, $0x643, v32;
	v3 =	vsel vm12, $0x19A, v3  }
0x23: {  	v26 =	vsel vm0, $0x25E, v1;
	v1 =	vsel vm3, $0x3EB, v27;
	v2 =	vsel vm10, $0x644, v2  }
0x24: {  	v3 =	vsel vm11, $0x19B, v3;
	v1 =	vsel vm2, $0x3EC, v1;
	v2 =	vsel vm9, $0x645, v2  }
0x25: {  	v3 =	vsel vm10, $0x19C, v3;
	v1 =	vsel vm1, $0x3ED, v1;
	v2 =	vsel vm8, $0x646, v2  }
0x26: {  	v3 =	vsel vm9, $0x19D, v3;
	v30 =	vsel vm0, $0x3EE, v1;
	v1 =	vsel vm8, $0x4B6, v31  }
0x27: {  	v2 =	vsel vm7, $0x647, v2;
	v3 =	vsel vm8, $0x19E, v3;
	v1 =	vsel vm7, $0x4B7, v1  }
0x28: {  	v2 =	vsel vm6, $0x708, v2;
	v3 =	vsel vm7, $0x19F, v3;
	v1 =	vsel vm6, $0x578, v1  }
0x29: {  	v2 =	vsel vm5, $0x709, v2;
	v3 =	vsel vm6, $0x260, v3;
	v1 =	vsel vm5, $0x579, v1  }
0x2a: {  	v2 =	vsel vm4, $0x70A, v2;
	v3 =	vsel vm5, $0x261, v3;
	v1 =	vsel vm4, $0x57A, v1  }
0x2b: {  	v35 =	vsel vm3, $0x70B, v2;
	v2 =	vsel vm6, $0x898, v36;
	v3 =	vsel vm4, $0x262, v3  }
0x2c: {  	v1 =	vsel vm3, $0x57B, v1;
	v2 =	vsel vm5, $0x899, v2;
	v3 =	vsel vm3, $0x263, v3  }
0x2d: {  	v1 =	vsel vm2, $0x57C, v1;
	v39 =	vsel vm4, $0x89A, v2;
	v2 =	vsel vm12, $0x962, v40  }
0x2e: {  	v3 =	vsel vm2, $0x264, v3;
	v1 =	vsel vm1, $0x57D, v1;
	v2 =	vsel vm11, $0x963, v2  }
0x2f: {  	v34 =	vsel vm0, $0x57E, v1;
	v1 =	vsel vm2, $0x70C, v35;
	v2 =	vsel vm10, $0x964, v2  }
0x30: {  	v48 =	vsel vm1, $0x265, v3;
	v1 =	vsel vm1, $0x70D, v1;
	v43 =	vsel vm9, $0x965, v2  }
0x31: {  	v2 =	vsel vm11, $0xAF3, v44;
	v38 =	vsel vm0, $0x70E, v1;
	v1 =	vsel vm3, $0x89B, v39  }
0x32: {  	v3 =	vsel vm14, $0x648, v54;
	v2 =	vsel vm10, $0xAF4, v2;
	v1 =	vsel vm2, $0x89C, v1  }
0x33: {  	v51 =	vsel vm0, $0x266, v48;
	v2 =	vsel vm9, $0xAF5, v2;
	v1 =	vsel vm1, $0x89D, v1  }
0x34: {  	v2 =	vsel vm8, $0xAF6, v2;
	v42 =	vsel vm0, $0x89E, v1;
	v1 =	vsel vm8, $0x966, v43  }
0x35: {  	v3 =	vsel vm13, $0x649, v3;
	v2 =	vsel vm7, $0xAF7, v2;
	v1 =	vsel vm7, $0x967, v1  }
0x36: {  	v3 =	vsel vm12, $0x64A, v3;
	v2 =	vsel vm6, $0xBB8, v2;
	v1 =	vsel vm6, $0xA28, v1  }
0x37: {  	v3 =	vsel vm11, $0x64B, v3;
	v2 =	vsel vm5, $0xBB9, v2;
	v1 =	vsel vm5, $0xA29, v1  }
0x38: {  	v3 =	vsel vm10, $0x64C, v3;
	v2 =	vsel vm4, $0xBBA, v2;
	v1 =	vsel vm4, $0xA2A, v1  }
0x39: {  	v3 =	vsel vm9, $0x64D, v3;
	v2 =	vsel vm3, $0xBBB, v2;
	v1 =	vsel vm3, $0xA2B, v1  }
0x3a: {  	v3 =	vsel vm8, $0x64E, v3;
	v2 =	vsel vm2, $0xBBC, v2;
	v1 =	vsel vm2, $0xA2C, v1  }
0x3b: {  	v47 =	vsel vm1, $0xBBD, v2;
	v2 =	vsel vm14, $0x4B8, v53;
	v1 =	vsel vm1, $0xA2D, v1  }
0x3c: {  	v2 =	vsel vm13, $0x4B9, v2;
	v46 =	vsel vm0, $0xA2E, v1;
	v1 =	vsel vm14, $0x328, v52  }
0x3d: {  	v3 =	vsel vm7, $0x64F, v3;
	v2 =	vsel vm12, $0x4BA, v2;
	v1 =	vsel vm13, $0x329, v1  }
0x3e: {  	v3 =	vsel vm6, $0x710, v3;
	v2 =	vsel vm11, $0x4BB, v2;
	v1 =	vsel vm12, $0x32A, v1  }
0x3f: {  	v3 =	vsel vm5, $0x711, v3;
	v2 =	vsel vm10, $0x4BC, v2;
	v1 =	vsel vm11, $0x32B, v1  }
0x40: {  	v3 =	vsel vm4, $0x712, v3;
	v2 =	vsel vm9, $0x4BD, v2;
	v1 =	vsel vm10, $0x32C, v1  }
0x41: {  	v3 =	vsel vm3, $0x713, v3;
	v2 =	vsel vm8, $0x4BE, v2;
	v1 =	vsel vm9, $0x32D, v1  }
0x42: {  	v3 =	vsel vm2, $0x714, v3;
	v2 =	vsel vm7, $0x4BF, v2;
	v1 =	vsel vm8, $0x32E, v1  }
0x43: {  	v49 =	vsel vm0, $0xBBE, v47;
	v2 =	vsel vm6, $0x580, v2;
	v1 =	vsel vm7, $0x32F, v1  }
0x44: {  	v3 =	vsel vm1, $0x715, v3;
	v2 =	vsel vm5, $0x581, v2;
	v1 =	vsel vm6, $0x3F0, v1  }
0x45: {  	v57 =	vsel vm0, $0x716, v3;
	v2 =	vsel vm4, $0x582, v2;
	v1 =	vsel vm5, $0x3F1, v1  }
0x46: {  	v3 =	vsel vm14, $0xAF8, v60;
	v2 =	vsel vm3, $0x583, v2;
	v1 =	vsel vm4, $0x3F2, v1  }
0x47: {  	v3 =	vsel vm13, $0xAF9, v3;
	v2 =	vsel vm2, $0x584, v2;
	v1 =	vsel vm3, $0x3F3, v1  }
0x48: {  	v3 =	vsel vm12, $0xAFA, v3;
	v2 =	vsel vm1, $0x585, v2;
	v1 =	vsel vm2, $0x3F4, v1  }
0x49: {  	v56 =	vsel vm0, $0x586, v2;
	v2 =	vsel vm14, $0x968, v59;
	v1 =	vsel vm1, $0x3F5, v1  }
0x4a: {  	[tilespmem:$0x1FF00] =	vst v0;
	v2 =	vsel vm13, $0x969, v2;
	v55 =	vsel vm0, $0x3F6, v1;
	v1 =	vsel vm14, $0x7D8, v58  }
0x4b: {  	[tilespmem:$0x1FF80] =	vst v50;
	v3 =	vsel vm11, $0xAFB, v3;
	v2 =	vsel vm12, $0x96A, v2;
	v1 =	vsel vm13, $0x7D9, v1  }
0x4c: {  	[tilespmem:$0x1FF10] =	vst v26;
	v3 =	vsel vm10, $0xAFC, v3;
	v2 =	vsel vm11, $0x96B, v2;
	v1 =	vsel vm12, $0x7DA, v1  }
0x4d: {  	s0 =	rddreg [dreg:$0x0];
	[tilespmem:$0x1FF20] =	vst v30;
	v3 =	vsel vm9, $0xAFD, v3;
	v2 =	vsel vm10, $0x96C, v2;
	v1 =	vsel vm11, $0x7DB, v1  }
0x4e: {  	s1 =	rddreg [dreg:$0x1];
	s4 =	simm.s32 $0x0;
	[tilespmem:$0x1FF30] =	vst v34;
	v3 =	vsel vm8, $0xAFE, v3;
	v2 =	vsel vm9, $0x96D, v2;
	v1 =	vsel vm10, $0x7DC, v1  }
0x4f: {  	s2 =	srdreg.scid;
	s3 =	stileid.u32;
	s11 =	simm.s32 $0x5;
	[tilespmem:$0x1FF90] =	vst v51;
	v3 =	vsel vm7, $0xAFF, v3;
	v2 =	vsel vm8, $0x96E, v2;
	v1 =	vsel vm9, $0x7DD, v1  }
0x50: {  	s12 =	simm.s32 $0x6400;
	s15 =	simm.s32 $0x80;
	s18 =	simm.s32 $0x9980;
	[tilespmem:$0x1FF40] =	vst v38;
	v3 =	vsel vm6, $0xBC0, v3;
	v2 =	vsel vm7, $0x96F, v2;
	v1 =	vsel vm8, $0x7DE, v1  }
0x51: {  	s19 =	simm.s32 $0xDA00;
	s20 =	simm.s32 $0x1;
	s21 =	simm.s32 $0x400;
	[tilespmem:$0x1FF50] =	vst v42;
	v3 =	vsel vm5, $0xBC1, v3;
	v2 =	vsel vm6, $0xA30, v2;
	v1 =	vsel vm7, $0x7DF, v1  }
0x52: {  	s22 =	simm.s32 $0x11A00;
	s23 =	simm.s32 $0x2;
	s24 =	simm.s32 $0x15A00;
	[tilespmem:$0x1FF70] =	vst v49;
	v3 =	vsel vm4, $0xBC2, v3;
	v2 =	vsel vm5, $0xA31, v2;
	v1 =	vsel vm6, $0x8A0, v1  }
0x53: {  	s25 =	simm.s32 $0x3;
	s26 =	simm.s32 $0x4;
	s5 =	sadd.s32 $0xF43C00, s1;
	[tilespmem:$0x1FF60] =	vst v46;
	v3 =	vsel vm3, $0xBC3, v3;
	v2 =	vsel vm4, $0xA32, v2;
	v1 =	vsel vm5, $0x8A1, v1  }
0x54: {  	s2 =	sand.u32 $0x1, s2;
	s3 =	sshll.u32 s3, $0x1;
	s6 =	sadd.s32 $0xF42C00, s1;
	[tilespmem:$0x1FFC0] =	vst v57;
	v3 =	vsel vm2, $0xBC4, v3;
	v2 =	vsel vm3, $0xA33, v2;
	v1 =	vsel vm4, $0x8A2, v1  }
.Ltmp0:
0x55: {  	s28 =	simm.s32 $0x0;
	s3 =	sor.u32 s2, s3;
	[tilespmem:$0x1FFB0] =	vst v56;
	v3 =	vsel vm1, $0xBC5, v3;
	v2 =	vsel vm2, $0xA34, v2;
	v1 =	vsel vm3, $0x8A3, v1;
	(pc) =	sbr.rel .LBB2_1-.Ltmp0, $4  }
0x56: {  	[smem:$0x7FF] =	sst s4;
	s2 =	ssub.s32 $0x2, s2;
	s8 =	smul.u32 $0xC80, s3;
	v63 =	vsel vm0, $0xBC6, v3;
	[tilespmem:$0x1FFA0] =	vst v55;
	v2 =	vsel vm1, $0xA35, v2;
	v1 =	vsel vm2, $0x8A4, v1  }
0x57: {  	s7 =	sadd.s32 $0x800, s1;
	s31 =	sshrl.u32 s2, $0x1;
	_ =	strace $0x80000047;
	[tilespmem:$0x1FFF0] =	vst v63;
	v62 =	vsel vm0, $0xA36, v2;
	v1 =	vsel vm1, $0x8A5, v1  }
0x58: {  	s1 =	ssub.s32 s2, s31;
	s0 =	sadd.s32 s0, s8;
	[dreg:$0x5] =	wrdreg s6;
	[tilespmem:$0x1FFE0] =	vst v62;
	v61 =	vsel vm0, $0x8A6, v1  }
0x59: {  	s9 =	sshll.u32 s3, $0x7;
	s10 =	smax.u32 s1, $0x1;
	[dreg:$0x6] =	wrdreg s0;
	[tilespmem:$0x1FFD0] =	vst v61  }
.LBB2_8:
0x5a: {  	s28 =	sadd.s32 $0x1, s28  }
0x5b: {  	_ =	swait.ge [sflag:s25], $0x4000;
	p0 =	sne.s32 s28, s10  }
.Ltmp1:
0x5c: {  	[sflag:s25] =	ssyncset.done $0x0;
	(pc) =	sbr.rel @!p0 .LBB2_9-.Ltmp1, $4  }
0x5d: {  	[sflag:s25] =	ssyncadd.s32 $0xFFFFC000  }
0x5e: {  	_ =	swait.ge [sflag:s26], $0x4000  }
0x5f: {  	[sflag:s26] =	ssyncset.done $0x0  }
0x60: {  	[sflag:s26] =	ssyncadd.s32 $0xFFFFC000  }
.LBB2_1:
0x61: {  	s0 =	rddreg [dreg:$0x6]  }
0x62: {  	[tilespmem:s4], [sflag:$0x5] =	stream.linear.gather [hbm4b:s0+s4], $0x6400, $0x38;
	[tilespmem:$0x19A00] =	vst v63  }
0x63: {  	_ =	swait.ge [sflag:s11], $0x6400  }
0x64: {  	[sflag:s11] =	ssyncset.done $0x0  }
0x65: {  	s13 =	rddreg [dreg:$0x5];
	[sflag:s11] =	ssyncadd.s32 $0xFFFF9C00  }
0x66: {  	[tilespmem:s12], [sflag:$0x5] =	stream.linear.gather [hbm4b:s13+s4], $0x3400, $0x38;
	[tilespmem:$0x19A00] =	vst v63  }
0x67: {  	_ =	swait.ge [sflag:s11], $0x3400  }
0x68: {  	[sflag:s11] =	ssyncset.done $0x0  }
0x69: {  	[sflag:s11] =	ssyncadd.s32 $0xFFFFCC00  }
0x6a: {  	s1 =	simm.s32 $0x9800;
	s14 =	rddreg [dreg:$0x2]  }
0x6b: {  	[tilespmem:s1], [sflag:$0x5] =	stream.linear.gather [hbm4b:s14+s4], $0x80, $0x38;
	[tilespmem:$0x19A00] =	vst v63  }
0x6c: {  	_ =	swait.ge [sflag:s11], $0x80  }
0x6d: {  	[sflag:s11] =	ssyncset.done $0x0  }
0x6e: {  	[sflag:s11] =	ssyncadd.s32 $0xFFFFFF80  }
0x6f: {  	s17 =	simm.s32 $0x9880;
	s16 =	rddreg [dreg:$0x3]  }
0x70: {  	[tilespmem:s17], [sflag:$0x5] =	stream.linear.gather [hbm4b:s16+s4], $0x80, $0x38;
	[tilespmem:$0x19A00] =	vst v63  }
0x71: {  	_ =	swait.ge [sflag:s11], $0x80  }
0x72: {  	v0 =	vld [tilespmem:$0x1FF00];
	_ =	sdelay $0x5  }
0x73: {  	[sflag:s11] =	ssyncset.done $0x0;
	v42 =	vld [tilespmem:$0x1FF10]  }
0x74: {  	[sflag:s11] =	ssyncadd.s32 $0xFFFFFF80  }
0x75: {  	v1 =	vld.idx.msk [tilespmem:v0+s4+$0x0], $0xffff;
	_ =	sdelay $0x3  }
0x76: {  	v43 =	vld [tilespmem:$0x1FF20]  }
0x77: {  	[tilespmem:$0x9900] =	vst v1  }
0x78: {  	v1 =	vld.idx.msk [tilespmem:v42+s4+$0x0], $0xffff;
	_ =	sdelay $0x3  }
0x79: {  	v44 =	vld [tilespmem:$0x1FF30]  }
0x7a: {  	[tilespmem:$0x9910] =	vst v1  }
0x7b: {  	v1 =	vld.idx.msk [tilespmem:v43+s4+$0x0], $0xffff;
	_ =	sdelay $0x3  }
0x7c: {  	v45 =	vld [tilespmem:$0x1FF40]  }
0x7d: {  	[tilespmem:$0x9920] =	vst v1  }
0x7e: {  	v1 =	vld.idx.msk [tilespmem:v44+s4+$0x0], $0xffff;
	_ =	sdelay $0x3  }
0x7f: {  	v46 =	vld [tilespmem:$0x1FF50]  }
0x80: {  	[tilespmem:$0x9930] =	vst v1  }
0x81: {  	v1 =	vld.idx.msk [tilespmem:v45+s4+$0x0], $0xffff;
	_ =	sdelay $0x3  }
0x82: {  	v47 =	vld [tilespmem:$0x1FF60]  }
0x83: {  	[tilespmem:$0x9940] =	vst v1  }
0x84: {  	v1 =	vld.idx.msk [tilespmem:v46+s4+$0x0], $0xffff;
	_ =	sdelay $0x3  }
0x85: {  	v51 =	vld [tilespmem:$0x1FF70]  }
0x86: {  	[tilespmem:$0x9950] =	vst v1  }
0x87: {  	v1 =	vld.idx.msk [tilespmem:v47+s4+$0x0], $0xffff;
	_ =	sdelay $0x1  }
0x88: {  	v56 =	vld [tilespmem:$0x1FF80]  }
0x89: {  	v57 =	vld [tilespmem:$0x1FF90]  }
0x8a: {  	v48 =	vld [tilespmem:$0x9800]  }
0x8b: {  	v49 =	vld [tilespmem:$0x9810];
	[tilespmem:$0x9960] =	vst v1  }
0x8c: {  	v1 =	vld.idx.msk [tilespmem:v51+s4+$0x0], $0xffff  }
0x8d: {  	v50 =	vld [tilespmem:$0x9820]  }
0x8e: {  	v52 =	vld [tilespmem:$0x9830]  }
0x8f: {  	v53 =	vld [tilespmem:$0x9880]  }
0x90: {  	v54 =	vld [tilespmem:$0x9890]  }
0x91: {  	s30 =	simm.s32 $0x9900;
	s31 =	simm.s32 $0x9A00;
	v55 =	vld [tilespmem:$0x98A0];
	[tilespmem:$0x9970] =	vst v1  }
0x92: {  	v22 =	vld [tilespmem:$0x98B0];
	[tilespmem:s31], [sflag:$0x1] =	stream.indirect.gather [hbm4b:s5+s15], $0x80, s30, s15, $0xb8  }
0x93: {  	v1 =	vld.idx.msk [tilespmem:v56+s4+$0x0], $0xffff;
	_ =	sdelay $0x3  }
0x94: {  	v58 =	vld [tilespmem:$0x1FFA0]  }
0x95: {  	[tilespmem:$0x9980] =	vst v1  }
0x96: {  	v1 =	vld.idx.msk [tilespmem:v57+s4+$0x0], $0xffff;
	_ =	sdelay $0x3  }
0x97: {  	v59 =	vld [tilespmem:$0x1FFB0]  }
0x98: {  	[tilespmem:$0x9990] =	vst v1  }
0x99: {  	v1 =	vld.idx.msk [tilespmem:v58+s4+$0x0], $0xffff;
	_ =	sdelay $0x3  }
0x9a: {  	v60 =	vld [tilespmem:$0x1FFC0]  }
0x9b: {  	[tilespmem:$0x99A0] =	vst v1  }
0x9c: {  	v1 =	vld.idx.msk [tilespmem:v59+s4+$0x0], $0xffff;
	_ =	sdelay $0x3  }
0x9d: {  	v61 =	vld [tilespmem:$0x1FFD0]  }
0x9e: {  	[tilespmem:$0x99B0] =	vst v1  }
0x9f: {  	v1 =	vld.idx.msk [tilespmem:v60+s4+$0x0], $0xffff;
	_ =	sdelay $0x3  }
0xa0: {  	v62 =	vld [tilespmem:$0x1FFE0]  }
0xa1: {  	[tilespmem:$0x99C0] =	vst v1  }
0xa2: {  	v1 =	vld.idx.msk [tilespmem:v61+s4+$0x0], $0xffff;
	_ =	sdelay $0x3  }
0xa3: {  	v63 =	vld [tilespmem:$0x1FFF0]  }
0xa4: {  	[tilespmem:$0x99D0] =	vst v1  }
0xa5: {  	v1 =	vld.idx.msk [tilespmem:v62+s4+$0x0], $0xffff;
	_ =	sdelay $0x1  }
0xa6: {  	[tilespmem:$0x1FE80] =	vst v48  }
0xa7: {  	[tilespmem:$0x1FE90] =	vst v49  }
0xa8: {  	[tilespmem:$0x1FEA0] =	vst v50  }
0xa9: {  	[tilespmem:$0x99E0] =	vst v1  }
0xaa: {  	[tilespmem:$0x1FEB0] =	vst v52;
	v1 =	vld.idx.msk [tilespmem:v63+s4+$0x0], $0xffff  }
0xab: {  	[tilespmem:$0x1FEC0] =	vst v53  }
0xac: {  	[tilespmem:$0x1FED0] =	vst v54  }
0xad: {  	[tilespmem:$0x1FEE0] =	vst v55  }
0xae: {  	[tilespmem:$0x1FEF0] =	vst v22  }
0xaf: {  	s29 =	simm.s32 $0x0;
	[tilespmem:$0x99F0] =	vst v1  }
0xb0: {  	[tilespmem:s19], [sflag:$0x2] =	stream.indirect.gather [hbm4b:s5+s15], $0x80, s18, s15, $0xb8;
	[tilespmem:$0x19A00] =	vst v63  }
.LBB2_2:
0xb1: {  	_ =	swait.ge [sflag:s20], $0x4000  }
0xb2: {  	p1 =	seq.s32 s29, $0x0;
	[sflag:s20] =	ssyncset.done $0x0  }
0xb3: {  	s2 =	simm.s32 @!p1 $0x3;
	[sflag:s20] =	ssyncadd.s32 $0xFFFFC000  }
0xb4: {  	s30 =	sshll.u32 s29, $0x1;
	_ =	swait.ge @!p1 [sflag:s2], $0x4000  }
0xb5: {  	s0 =	smul.u32 $0x29, s30;
	[sflag:s2] =	ssyncset.done @!p1 $0x0  }
0xb6: {  	s8 =	simm.s32 $0x9B00;
	[sflag:s2] =	ssyncadd.s32 @!p1 $0xFFFFC000  }
0xb7: {  	s0 =	sshrl.u32 s0, $0xA;
	v7 =	vld [tilespmem:s8+$0x80]  }
0xb8: {  	s1 =	sand.u32 $0x3F, s0;
	v8 =	vld [tilespmem:s8+$0x90]  }
0xb9: {  	s0 =	smul.u32 $0x19, s1;
	v9 =	vld [tilespmem:s8+$0xA0]  }
0xba: {  	v10 =	vld [tilespmem:s8+$0xB0]  }
0xbb: {  	v28 =	vld [tilespmem:s8+$0xFFFFFF10];
	s0 =	ssub.s32 s30, s0  }
0xbc: {  	s6 =	simm.s32 $0x0;
	v29 =	vld [tilespmem:s8+$0xFFFFFF20];
	s31 =	sand.u32 $0xFF, s0  }
0xbd: {  	v30 =	vld [tilespmem:s8+$0xFFFFFF80];
	s0 =	sand.u32 $0x4, s6;
	s3 =	sshll.u32 s31, $0x3  }
0xbe: {  	s13 =	simm.s32 $0xFFFFFFFB;
	v31 =	vld [tilespmem:s8+$0xFFFFFFA0];
	s0 =	sor.u32 s3, s0  }
0xbf: {  	s13 =	sand.u32 $0x6, s13;
	v32 =	vld [tilespmem:s8+$0xFFFFFFB0];
	s0 =	sshll.u32 s0, $0x6  }
0xc0: {  	s13 =	sor.u32 s3, s13;
	v1 =	vld [tilespmem:s0+$0x6400]  }
0xc1: {  	s13 =	sshll.u32 s13, $0x6;
	v2 =	vld [tilespmem:s0+$0x6410]  }
0xc2: {  	v11 =	vld [tilespmem:s13+$0x6440]  }
0xc3: {  	v12 =	vld [tilespmem:s13+$0x6450]  }
0xc4: {  	v13 =	vld [tilespmem:s13+$0x6460]  }
0xc5: {  	v14 =	vld [tilespmem:s13+$0x6470]  }
0xc6: {  	v3 =	vld [tilespmem:s0+$0x6420]  }
0xc7: {  	v4 =	vld [tilespmem:s0+$0x6430]  }
0xc8: {  	s14 =	simm.s32 $0x2;
	v5 =	vld [tilespmem:s0+$0x6440]  }
0xc9: {  	s14 =	sand.u32 $0x6, s14;
	v6 =	vld [tilespmem:s0+$0x6450];
	v7 =	vadd.f32 v11, v7;
	v8 =	vadd.f32 v12, v8  }
0xca: {  	s14 =	sor.u32 s3, s14;
	v15 =	vld [tilespmem:s0+$0x6460];
	v9 =	vadd.f32 v13, v9;
	v10 =	vadd.f32 v14, v10  }
0xcb: {  	s16 =	sshll.u32 s14, $0x6;
	v24 =	vld [tilespmem:s0+$0x6470]  }
0xcc: {  	v25 =	vld [tilespmem:s16+$0x6400];
	v14 =	vadd.f32 v8, v7;
	v27 =	vadd.f32 v10, v9  }
0xcd: {  	v26 =	vld [tilespmem:s16+$0x6410]  }
0xce: {  	v13 =	vld [tilespmem:s8+$0xFFFFFF00];
	v14 =	vadd.f32 v27, v14  }
0xcf: {  	v27 =	vld [tilespmem:s8+$0xFFFFFF30]  }
0xd0: {  	v11 =	vld [tilespmem:s16+$0x6420];
	(xrf2) =	vadd.scan.msk.f32 $0xffff, v14  }
0xd1: {  	v14 =	vld [tilespmem:s8+$0xFFFFFF90]  }
0xd2: {  	v2 =	vadd.f32 v2, v28;
	v28 =	vadd.f32 v3, v29;
	v3 =	vld [tilespmem:s8+$0x10]  }
0xd3: {  	v29 =	vld [tilespmem:s8+$0x20];
	v1 =	vadd.f32 v1, v13  }
0xd4: {  	v13 =	vld [tilespmem:s8+$0x0];
	v4 =	vadd.f32 v4, v27  }
0xd5: {  	v12 =	vld [tilespmem:s16+$0x6430];
	v5 =	vadd.f32 v5, v30;
	v27 =	vadd.f32 v2, v1  }
0xd6: {  	v30 =	vadd.f32 v4, v28;
	v6 =	vadd.f32 v6, v14;
	v14 =	vld [tilespmem:s8+$0x30]  }
0xd7: {  	v15 =	vadd.f32 v15, v31;
	v24 =	vadd.f32 v24, v32  }
0xd8: {  	v26 =	vadd.f32 v26, v3;
	v27 =	vadd.f32 v30, v27  }
0xd9: {  	v11 =	vadd.f32 v11, v29;
	v13 =	vadd.f32 v25, v13  }
0xda: {  	v25 =	vadd.f32 v24, v15;
	v31 =	vadd.f32 v6, v5;
	(xrf2) =	vadd.scan.msk.f32 $0xffff, v27;
	v30, _, _ =	vpop (xrf2)  }
0xdb: {  	v12 =	vadd.f32 v12, v14;
	(v2sf) =	vpush v30, $0xF  }
0xdc: {  	v14 =	vadd.f32 v25, v31  }
0xdd: {  	v3 =	vadd.f32 v26, v13;
	v25 =	vadd.f32 v12, v11  }
0xde: {  	(xrf2) =	vadd.scan.msk.f32 $0xffff, v14  }
0xdf: {  	v3 =	vadd.f32 v25, v3;
	_ =	sdelay $0x1  }
0xe0: {  	(xrf2) =	vadd.scan.msk.f32 $0xffff, v3;
	_ =	sdelay $0x2  }
0xe1: {  	v3, _, _ =	vpop (xrf2)  }
0xe2: {  	(v2sf) =	vpush v3, $0xF;
	_ =	sdelay $0x2  }
0xe3: {  	v3, _, _ =	vpop (xrf2)  }
0xe4: {  	(v2sf) =	vpush v3, $0xF  }
0xe5: {  	s17 =	spop (v2sf)  }
0xe6: {  	v3, _, _ =	vpop (xrf2);
	s0 =	smul.f32 $1.562500000e-02, s17  }
0xe7: {  	(v2sf) =	vpush v3, $0xF  }
0xe8: {  	v3 =	vmov s0  }
0xe9: {  	s2 =	simm.s32 $0x4;
	v60 =	vsub.f32 v7, v3;
	v61 =	vsub.f32 v8, v3  }
0xea: {  	s0 =	sand.u32 $0x4, s2;
	v62 =	vsub.f32 v9, v3;
	v58 =	vsub.f32 v10, v3  }
0xeb: {  	s0 =	sor.u32 s3, s0;
	v3 =	vmul.f32 v60, v60;
	v7 =	vmul.f32 v61, v61  }
0xec: {  	s0 =	sshll.u32 s0, $0x6;
	v8 =	vmul.f32 v62, v62;
	v9 =	vmul.f32 v58, v58  }
0xed: {  	v10 =	vld [tilespmem:s0+$0x6400]  }
0xee: {  	s6 =	simm.s32 $0x6;
	v14 =	vld [tilespmem:s0+$0x6410];
	v3 =	vadd.f32 v7, v3;
	v7 =	vadd.f32 v9, v8  }
0xef: {  	s2 =	sand.u32 $0x6, s6;
	v25 =	vld [tilespmem:s0+$0x6450];
	s8 =	spop (v2sf)  }
0xf0: {  	s2 =	sor.u32 s3, s2;
	v27 =	vld [tilespmem:s0+$0x6460];
	v3 =	vadd.f32 v7, v3;
	s13 =	smul.f32 $1.562500000e-02, s8  }
0xf1: {  	s2 =	sshll.u32 s2, $0x6;
	v29 =	vld [tilespmem:s0+$0x6470]  }
0xf2: {  	v31 =	vld [tilespmem:s2+$0x6400];
	(xrf2) =	vadd.scan.msk.f32 $0xffff, v3;
	v30 =	vmov s13  }
0xf3: {  	v8 =	vld [tilespmem:s0+$0x6420];
	s13 =	spop (v2sf);
	v3 =	vsub.f32 v1, v30  }
0xf4: {  	v9 =	vld [tilespmem:s0+$0x6430];
	s14 =	smul.f32 $1.562500000e-02, s13;
	v1 =	vsub.f32 v2, v30  }
0xf5: {  	v7 =	vld [tilespmem:s0+$0x6440];
	v0 =	vsub.f32 v28, v30;
	[tilespmem:$0x1FDF0] =	vst v3  }
0xf6: {  	v20 =	vsub.f32 v4, v30;
	v30 =	vmov s14;
	v50 =	vld [tilespmem:s2+$0x6410];
	[tilespmem:$0x1FE00] =	vst v1;
	s17 =	spop (v2sf)  }
0xf7: {  	s0 =	simm.s32 $0x9D00;
	v35 =	vmul.f32 v0, v0;
	[tilespmem:$0x1FE10] =	vst v0;
	v0 =	vsub.f32 v5, v30;
	s6 =	smul.f32 $1.562500000e-02, s17  }
0xf8: {  	v4 =	vmul.f32 v3, v3;
	v3 =	vsub.f32 v6, v30;
	v28 =	vld [tilespmem:s0+$0x80]  }
0xf9: {  	s16 =	simm.s32 $0xFFFFFFFF;
	v2 =	vsub.f32 v24, v30;
	v33 =	vld [tilespmem:s0+$0x90];
	[tilespmem:$0x1FE20] =	vst v0;
	v6 =	vmov s6  }
0xfa: {  	s8 =	sand.u32 $0x6, s16;
	v34 =	vmul.f32 v1, v1;
	v36 =	vmul.f32 v20, v20;
	v5 =	vld [tilespmem:s0+$0xA0];
	[tilespmem:$0x1FE30] =	vst v3;
	v1 =	vsub.f32 v13, v6  }
0xfb: {  	s14 =	sor.u32 s3, s8;
	v21 =	vsub.f32 v15, v30;
	v24 =	vmul.f32 v0, v0;
	v15 =	vld [tilespmem:s0+$0xB0];
	[tilespmem:$0x1FE40] =	vst v2;
	v0 =	vsub.f32 v26, v6  }
0xfc: {  	s14 =	sshll.u32 s14, $0x6;
	v4 =	vadd.f32 v34, v4;
	v35 =	vadd.f32 v36, v35;
	[tilespmem:$0x1FE50] =	vst v1;
	v26, _, _ =	vpop (xrf2)  }
0xfd: {  	v37 =	vmul.f32 v2, v2;
	v2 =	vsub.f32 v11, v6;
	v13 =	vld [tilespmem:s14+$0x6440];
	[tilespmem:$0x1FE60] =	vst v0;
	(v2sf) =	vpush v26, $0xF  }
0xfe: {  	v51 =	vmul.f32 v3, v3;
	v52 =	vmul.f32 v21, v21;
	v30 =	vld [tilespmem:s14+$0x6450]  }
0xff: {  	v4 =	vadd.f32 v35, v4;
	v23 =	vsub.f32 v12, v6;
	v26 =	vld [tilespmem:s14+$0x6460];
	[tilespmem:$0x1FE70] =	vst v2  }
0x100: {  	v12 =	vadd.f32 v51, v24;
	v53 =	vadd.f32 v37, v52;
	v11 =	vld [tilespmem:s14+$0x6470]  }
0x101: {  	v44 =	vld [tilespmem:s2+$0x6420]  }
0x102: {  	(xrf2) =	vadd.scan.msk.f32 $0xffff, v4;
	v38 =	vmul.f32 v1, v1;
	v12 =	vadd.f32 v53, v12;
	v4 =	vld [tilespmem:s0+$0xFFFFFF00]  }
0x103: {  	v43 =	vmul.f32 v0, v0;
	v24 =	vmul.f32 v2, v2;
	v56 =	vld [tilespmem:s0+$0xFFFFFF10]  }
0x104: {  	v55 =	vmul.f32 v23, v23;
	(xrf2) =	vadd.scan.msk.f32 $0xffff, v12;
	v12 =	vld [tilespmem:s0+$0xFFFFFFA0];
	v13 =	vadd.f32 v13, v28;
	v28 =	vadd.f32 v30, v33  }
0x105: {  	v30 =	vld [tilespmem:s0+$0xFFFFFF20];
	v5 =	vadd.f32 v26, v5;
	v11 =	vadd.f32 v11, v15  }
0x106: {  	v54 =	vadd.f32 v43, v38;
	v26 =	vld [tilespmem:s0+$0xFFFFFF80];
	v15 =	vadd.f32 v55, v24  }
0x107: {  	v24 =	vld [tilespmem:s0+$0xFFFFFF30];
	v33 =	vadd.f32 v28, v13;
	v57 =	vadd.f32 v11, v5  }
0x108: {  	v59 =	vld [tilespmem:s0+$0xFFFFFF90];
	v15 =	vadd.f32 v15, v54  }
0x109: {  	v10 =	vadd.f32 v10, v4;
	v4 =	vld [tilespmem:s0+$0xFFFFFFB0];
	v33 =	vadd.f32 v57, v33  }
0x10a: {  	v3 =	vadd.f32 v27, v12;
	v27 =	vld [tilespmem:s0+$0x30];
	(xrf2) =	vadd.scan.msk.f32 $0xffff, v15  }
0x10b: {  	v2 =	vadd.f32 v14, v56;
	v1 =	vadd.f32 v8, v30;
	v15 =	vld [tilespmem:s0+$0x0];
	(xrf2) =	vadd.scan.msk.f32 $0xffff, v33  }
0x10c: {  	v0 =	vadd.f32 v7, v26;
	v26 =	vld [tilespmem:s0+$0x10];
	v9 =	vadd.f32 v9, v24;
	s16 =	spop (v2sf)  }
0x10d: {  	v8 =	vadd.f32 v25, v59;
	v25 =	vld [tilespmem:s0+$0x20];
	s0 =	smul.f32 $1.562500000e-02, s16  }
0x10e: {  	v6 =	vld [tilespmem:s2+$0x6430];
	v30, _, _ =	vpop (xrf2);
	v24 =	vadd.f32 v2, v10;
	v63 =	vadd.f32 v9, v1  }
0x10f: {  	(v2sf) =	vpush v30, $0xF;
	v16 =	vadd.f32 v29, v4;
	v30 =	vmov s0  }
0x110: {  	v24 =	vadd.f32 v63, v24  }
0x111: {  	v4 =	vadd.f32 v8, v0;
	v29 =	vadd.f32 v16, v3  }
0x112: {  	v17 =	vadd.f32 v44, v25;
	v25 =	vadd.f32 $9.999999970e-07, v30;
	v30, _, _ =	vpop (xrf2);
	(xrf2) =	vadd.scan.msk.f32 $0xffff, v24  }
0x113: {  	v19 =	vadd.f32 v6, v27;
	v7 =	vadd.f32 v31, v15  }
0x114: {  	v4 =	vadd.f32 v29, v4;
	v25 =	vbroadcast v25, $0x0;
	v24, _, _ =	vpop (xrf2);
	(v2sf) =	vpush v30, $0xF  }
0x115: {  	v26 =	vadd.f32 v50, v26;
	(v2sf) =	vpush v24, $0xF;
	v24, _, _ =	vpop (xrf2)  }
0x116: {  	(xrf2) =	vadd.scan.msk.f32 $0xffff, v4;
	v4 =	vshrl.u32 v25, $0x1;
	(v2sf) =	vpush v24, $0xF;
	v24 =	vmul.f32 $5.000000000e-01, v25  }
0x117: {  	v6 =	vadd.f32 v26, v7;
	v27 =	vadd.f32 v19, v17;
	v4 =	vsub.s32 $0x5F3759DF, v4  }
0x118: {  	v25 =	vmul.f32 v4, v24  }
0x119: {  	v6 =	vadd.f32 v27, v6;
	_ =	sdelay $0x1  }
0x11a: {  	(xrf2) =	vadd.scan.msk.f32 $0xffff, v6;
	v6 =	vmul.f32 v4, v25  }
0x11b: {  	v25, _, _ =	vpop (xrf2)  }
0x11c: {  	v6 =	vsub.f32 $1.500000000e+00, v6;
	(v2sf) =	vpush v25, $0xF;
	_ =	sdelay $0x1  }
0x11d: {  	s17 =	spop (v2sf)  }
0x11e: {  	s0 =	smul.f32 $1.562500000e-02, s17  }
0x11f: {  	v4 =	vmul.f32 v4, v6;
	v6, _, _ =	vpop (xrf2)  }
0x120: {  	v25 =	vmov s0;
	(v2sf) =	vpush v6, $0xF  }
0x121: {  	v6 =	vadd.f32 $9.999999970e-07, v25;
	s2 =	spop (v2sf)  }
0x122: {  	s6 =	spop (v2sf)  }
0x123: {  	v24 =	vmul.f32 v4, v24;
	v25, _, _ =	vpop (xrf2);
	v6 =	vbroadcast v6, $0x0;
	s0 =	smul.f32 $1.562500000e-02, s2;
	s8 =	spop (v2sf)  }
0x124: {  	(v2sf) =	vpush v25, $0xF;
	s13 =	smul.f32 $1.562500000e-02, s8  }
0x125: {  	v24 =	vmul.f32 v24, v4;
	v25 =	vshrl.u32 v6, $0x1  }
0x126: {  	s2 =	smul.f32 $1.562500000e-02, s6;
	v45 =	vsub.s32 $0x5F3759DF, v25;
	v25 =	vmov s0;
	s0 =	simm.s32 $0x8;
	v29 =	vmov s13  }
0x127: {  	s13 =	sand.u32 $0x4, s0;
	v14 =	vsub.f32 v28, v29  }
0x128: {  	v24 =	vsub.f32 $1.500000000e+00, v24;
	v30 =	vmov s2;
	s2 =	sor.u32 s3, s13  }
0x129: {  	v44 =	vmul.f32 $5.000000000e-01, v6;
	s2 =	sshll.u32 s2, $0x6;
	[tilespmem:$0x1FD90] =	vst v14  }
0x12a: {  	v12 =	vmul.f32 v24, v4;
	v4 =	vadd.f32 $9.999999970e-07, v25;
	v39 =	vld [tilespmem:s2+$0x6400];
	s14 =	spop (v2sf)  }
0x12b: {  	v27 =	vmul.f32 v45, v44;
	v6 =	vsub.f32 v13, v29;
	v24 =	vsub.f32 v5, v29;
	v41 =	vld [tilespmem:s2+$0x6410];
	s13 =	smul.f32 $1.562500000e-02, s14  }
0x12c: {  	v13 =	vbroadcast v4, $0x0;
	v59 =	vsub.f32 v11, v29;
	v5 =	vadd.f32 $9.999999970e-07, v30;
	v42 =	vld [tilespmem:s2+$0x6420]  }
0x12d: {  	v11 =	vmul.f32 v6, v6;
	v29 =	vmul.f32 v14, v14;
	v63 =	vld [tilespmem:s2+$0x6430];
	v55 =	vmov s13  }
0x12e: {  	v30 =	vmul.f32 v24, v24;
	v31 =	vmul.f32 v59, v59;
	v40 =	vld [tilespmem:s2+$0x6440];
	v4 =	vsub.f32 v10, v55  }
0x12f: {  	v5 =	vbroadcast v5, $0x0;
	v57 =	vld [tilespmem:s2+$0x6450];
	s16 =	spop (v2sf);
	v2 =	vsub.f32 v2, v55  }
0x130: {  	s17 =	simm.s32 $0xA;
	v47 =	vmul.f32 v45, v27;
	v51 =	vld [tilespmem:s2+$0x6460];
	v11 =	vadd.f32 v29, v11;
	v29 =	vadd.f32 v31, v30;
	s13 =	smul.f32 $1.562500000e-02, s16;
	[tilespmem:$0x1FDA0] =	vst v4  }
0x131: {  	v30 =	vshrl.u32 v5, $0x1;
	v53 =	vmul.f32 $5.000000000e-01, v5;
	s14 =	sand.u32 $0x6, s17;
	v5 =	vsub.f32 v1, v55;
	[tilespmem:$0x1FDB0] =	vst v2  }
0x132: {  	v27 =	vshrl.u32 v13, $0x1;
	s14 =	sor.u32 s3, s14;
	v1 =	vsub.f32 v9, v55;
	v18 =	vmov s13;
	v56 =	vld [tilespmem:s2+$0x6470]  }
0x133: {  	v15 =	vmul.f32 $5.000000000e-01, v13;
	v11 =	vadd.f32 v29, v11;
	s8 =	sshll.u32 s14, $0x6;
	s6 =	spop (v2sf);
	[tilespmem:$0x1FDC0] =	vst v5;
	v35 =	vsub.f32 v16, v18;
	v16 =	vld [tilespmem:$0x1FEB0]  }
0x134: {  	v28 =	vmovc v6;
	v6 =	vsub.s32 $0x5F3759DF, v27;
	s13 =	smul.f32 $1.562500000e-02, s6;
	v38 =	vsub.f32 v0, v18;
	v0 =	vsub.f32 v8, v18;
	v46 =	vld [tilespmem:s8+$0x6400];
	[tilespmem:$0x1FDD0] =	vst v1  }
0x135: {  	v49 =	vmul.f32 v6, v15;
	v52 =	vmul.f32 v1, v1;
	v1 =	vsub.f32 v3, v18;
	v48 =	vld [tilespmem:s8+$0x6410]  }
0x136: {  	(xrf2) =	vadd.scan.msk.f32 $0xffff, v11;
	v11 =	vmul.f32 v2, v2;
	v34 =	vmovc v0;
	v2 =	vmul.f32 v0, v0;
	v0 =	vmov s13;
	v54 =	vld [tilespmem:s8+$0x6420]  }
0x137: {  	v9 =	vmul.f32 v4, v4;
	v50 =	vmul.f32 v5, v5;
	s13 =	simm.s32 $0x9F00;
	[tilespmem:$0x1FDE0] =	vst v1;
	v33 =	vsub.f32 v17, v0;
	v17 =	vld [tilespmem:$0x1FE80]  }
0x138: {  	v47 =	vsub.f32 $1.500000000e+00, v47;
	v49 =	vmul.f32 v6, v49;
	s14 =	simm.s32 $0x3;
	v14 =	vld [tilespmem:s13+$0x80]  }
0x139: {  	v10 =	vsub.s32 $0x5F3759DF, v30;
	s2 =	sand.u32 $0x6, s14;
	v9 =	vadd.f32 v11, v9;
	v43 =	vadd.f32 v52, v50;
	v50 =	vld [tilespmem:s13+$0x90]  }
0x13a: {  	s2 =	sor.u32 s3, s2;
	v3 =	vmul.f32 v38, v38;
	v37 =	vsub.f32 v7, v0;
	v32 =	vsub.f32 v26, v0;
	v13 =	vld [tilespmem:s13+$0xA0]  }
0x13b: {  	s2 =	sshll.u32 s2, $0x6;
	v4 =	vmul.f32 v1, v1;
	v1 =	vmul.f32 v35, v35;
	v36 =	vsub.f32 v19, v0;
	v8 =	vld [tilespmem:s13+$0xB0]  }
0x13c: {  	v7 =	vadd.f32 v2, v3;
	v3 =	vld [tilespmem:s2+$0x6450];
	v11 =	vmul.f32 v37, v37;
	v52 =	vmul.f32 v32, v32  }
0x13d: {  	v2 =	vmul.f32 v12, v16;
	v5 =	vadd.f32 v1, v4;
	v4 =	vmul.f32 v10, v53;
	v1 =	vld [tilespmem:s13+$0xFFFFFF00]  }
0x13e: {  	v18 =	vmul.f32 v33, v33;
	v0 =	vmul.f32 v36, v36;
	v11 =	vadd.f32 v52, v11;
	v52 =	vld [tilespmem:s2+$0x6440]  }
0x13f: {  	v47 =	vmul.f32 v45, v47;
	v45 =	vsub.f32 $1.500000000e+00, v49;
	v2 =	vmul.f32 v2, v58;
	v58 =	vld [tilespmem:s2+$0x6470]  }
0x140: {  	v19, _, _ =	vpop (xrf2);
	v4 =	vmul.f32 v10, v4;
	v0 =	vadd.f32 v0, v18;
	v18 =	vld [tilespmem:$0x1FE90]  }
0x141: {  	v6 =	vmul.f32 v6, v45;
	(v2sf) =	vpush v19, $0xF;
	v19 =	vmul.f32 v47, v44;
	v44 =	vld [tilespmem:s2+$0x6460]  }
0x142: {  	v4 =	vsub.f32 $1.500000000e+00, v4;
	v0 =	vadd.f32 v0, v11;
	v11 =	vld [tilespmem:s13+$0xFFFFFF10]  }
0x143: {  	v15 =	vmul.f32 v6, v15;
	v9 =	vadd.f32 v43, v9;
	v39 =	vadd.f32 v39, v1;
	v1 =	vld [tilespmem:s13+$0xFFFFFF90]  }
0x144: {  	v49 =	vmul.f32 v12, v17;
	v4 =	vmul.f32 v10, v4;
	v10 =	vld [tilespmem:s13+$0xFFFFFF20]  }
0x145: {  	(xrf2) =	vadd.scan.msk.f32 $0xffff, v9;
	v7 =	vadd.f32 v5, v7;
	v9 =	vmul.f32 v19, v47;
	v19 =	vld [tilespmem:$0x1FEA0];
	v5 =	vadd.f32 v52, v14  }
0x146: {  	v60 =	vmul.f32 v49, v60;
	v52 =	vadd.f32 v3, v50;
	v49 =	vadd.f32 v44, v13;
	v13 =	vld [tilespmem:s13+$0xFFFFFF80]  }
0x147: {  	v9 =	vsub.f32 $1.500000000e+00, v9;
	v14 =	vld [tilespmem:s13+$0xFFFFFF30]  }
0x148: {  	v50 =	vadd.f32 v58, v8;
	v8 =	vmul.f32 v15, v6;
	v58 =	vld [tilespmem:s13+$0xFFFFFFA0];
	v15 =	vadd.f32 v52, v5  }
0x149: {  	v3 =	vmul.f32 v12, v18;
	v45 =	vadd.f32 v41, v11;
	v41 =	vadd.f32 v42, v10;
	v10 =	vld [tilespmem:s13+$0xFFFFFFB0]  }
0x14a: {  	(xrf2) =	vadd.scan.msk.f32 $0xffff, v7;
	v8 =	vsub.f32 $1.500000000e+00, v8;
	v11 =	vadd.f32 v50, v49;
	v7 =	vmul.f32 v12, v19;
	v12 =	vld [tilespmem:s13+$0x0]  }
0x14b: {  	v43 =	vadd.f32 v57, v1;
	v40 =	vadd.f32 v40, v13;
	v13 =	vld [tilespmem:s13+$0x10]  }
0x14c: {  	v42 =	vadd.f32 v63, v14;
	v11 =	vadd.f32 v11, v15  }
0x14d: {  	(xrf2) =	vadd.scan.msk.f32 $0xffff, v0;
	v14 =	vadd.f32 v45, v39;
	v44 =	vadd.f32 v51, v58  }
0x14e: {  	v55 =	vld [tilespmem:s8+$0x6430];
	v3 =	vmul.f32 v3, v61;
	v61 =	vadd.f32 v42, v41;
	v51 =	vadd.f32 v56, v10  }
0x14f: {  	v6 =	vmul.f32 v8, v6;
	v8 =	vld [tilespmem:s13+$0x30];
	v46 =	vadd.f32 v46, v12;
	v12 =	vadd.f32 v43, v40  }
0x150: {  	v9 =	vmul.f32 v9, v47;
	v47 =	vadd.f32 v48, v13;
	v13 =	vadd.f32 v51, v44  }
0x151: {  	v14 =	vadd.f32 v61, v14  }
0x152: {  	v1 =	vld [tilespmem:s13+$0x20];
	(xrf2) =	vadd.scan.msk.f32 $0xffff, v11;
	v12 =	vadd.f32 v13, v12  }
0x153: {  	v15, _, _ =	vpop (xrf2);
	(xrf2) =	vadd.scan.msk.f32 $0xffff, v14  }
0x154: {  	v0 =	vmul.f32 v4, v53;
	v53 =	vadd.f32 v55, v8;
	v8, _, _ =	vpop (xrf2);
	(xrf2) =	vadd.scan.msk.f32 $0xffff, v12;
	v12 =	vld [tilespmem:$0x1FE10];
	_ =	sdelay $0x1  }
0x155: {  	(v2sf) =	vpush v15, $0xF  }
0x156: {  	v11 =	vmul.f32 v9, v19;
	(v2sf) =	vpush v8, $0xF;
	v48 =	vadd.f32 v54, v1;
	v13, _, _ =	vpop (xrf2)  }
0x157: {  	(v2sf) =	vpush v13, $0xF  }
0x158: {  	v13 =	vadd.f32 v47, v46;
	v11 =	vmul.f32 v11, v12;
	v12 =	vadd.f32 v53, v48;
	_ =	sdelay $0x1  }
0x159: {  	v12 =	vadd.f32 v12, v13;
	_ =	sdelay $0x1  }
0x15a: {  	v63, _, _ =	vpop (xrf2);
	(xrf2) =	vadd.scan.msk.f32 $0xffff, v12;
	v12 =	vld [tilespmem:$0x1FE30]  }
0x15b: {  	v15 =	vmul.f32 v9, v17;
	s16 =	spop (v2sf);
	v14 =	vld [tilespmem:$0x1FDF0]  }
0x15c: {  	v10 =	vmul.f32 v9, v18;
	v9 =	vmul.f32 v9, v16;
	s2 =	smul.f32 $1.562500000e-02, s16  }
0x15d: {  	v8 =	vmul.f32 v6, v18;
	v13 =	vmul.f32 v6, v19  }
0x15e: {  	v9 =	vmul.f32 v9, v20;
	v20 =	vld [tilespmem:$0x1FE20];
	v1 =	vmov s2  }
0x15f: {  	v1 =	vadd.f32 $9.999999970e-07, v1;
	v8 =	vmul.f32 v8, v12;
	v12 =	vmul.f32 v13, v21;
	v21 =	vld [tilespmem:$0x1FE40]  }
0x160: {  	v0 =	vmul.f32 v0, v4;
	v14 =	vmul.f32 v15, v14  }
0x161: {  	v2 =	vadd.f32 v2, v22;
	v15 =	vmul.f32 v6, v17;
	v1 =	vbroadcast v1, $0x0  }
0x162: {  	v25 =	vld [tilespmem:$0x1FE00];
	v7 =	vmul.f32 v7, v62;
	v0 =	vsub.f32 $1.500000000e+00, v0;
	v6 =	vmul.f32 v6, v16  }
0x163: {  	s2 =	simm.s32 $0x11B00;
	v15 =	vmul.f32 v15, v20;
	v20 =	vld [tilespmem:$0x1FEC0];
	v62 =	vshrl.u32 v1, $0x1;
	v1 =	vmul.f32 $5.000000000e-01, v1  }
0x164: {  	v54 =	vsub.s32 $0x5F3759DF, v62;
	v6 =	vmul.f32 v6, v21;
	v21 =	vld [tilespmem:$0x1FED0];
	[tilespmem:s2+$0xB0] =	vst v2  }
0x165: {  	v0 =	vmul.f32 v0, v4;
	v4 =	vmul.f32 v54, v1;
	v61 =	vld [tilespmem:$0x1FEE0];
	_ =	sdelay $0x1  }
0x166: {  	(v2sf) =	vpush v63, $0xF;
	v4 =	vmul.f32 v54, v4  }
0x167: {  	v13 =	vadd.f32 v60, v20  }
0x168: {  	v4 =	vsub.f32 $1.500000000e+00, v4;
	v3 =	vadd.f32 v3, v21  }
0x169: {  	v58 =	vmul.f32 v0, v17;
	v2 =	vadd.f32 v7, v61;
	v7 =	vld [tilespmem:$0x1FE50];
	[tilespmem:s2+$0x80] =	vst v13  }
0x16a: {  	v10 =	vmul.f32 v10, v25;
	v9 =	vadd.f32 v9, v22;
	v57, _, _ =	vpop (xrf2);
	v4 =	vmul.f32 v54, v4;
	v13 =	vld [tilespmem:$0x1FE60];
	[tilespmem:s2+$0x90] =	vst v3  }
0x16b: {  	v62 =	vmul.f32 v0, v19;
	(v2sf) =	vpush v57, $0xF;
	s17 =	spop (v2sf);
	v3 =	vadd.f32 v11, v61;
	v11 =	vld [tilespmem:$0x1FE70]  }
0x16c: {  	v14 =	vadd.f32 v14, v20;
	s14 =	smul.f32 $1.562500000e-02, s17;
	v1 =	vmul.f32 v4, v1;
	v10 =	vadd.f32 v10, v21  }
0x16d: {  	v60 =	vmul.f32 v0, v18;
	v0 =	vmul.f32 v0, v16;
	v6 =	vadd.f32 v6, v22;
	[tilespmem:s2+$0xA0] =	vst v2  }
0x16e: {  	s6 =	spop (v2sf);
	v8 =	vadd.f32 v8, v21;
	v2 =	vmov s14;
	[tilespmem:s2+$0xFFFFFF10] =	vst v10;
	v10 =	vmul.f32 v1, v4  }
0x16f: {  	v12 =	vadd.f32 v12, v61;
	v1 =	vmul.f32 v0, v23;
	s14 =	smul.f32 $1.562500000e-02, s6;
	v2 =	vadd.f32 $9.999999970e-07, v2  }
0x170: {  	[tilespmem:s2+$0xFFFFFF00] =	vst v14;
	v0 =	vsub.f32 $1.500000000e+00, v10;
	v7 =	vmul.f32 v58, v7;
	v63 =	vmul.f32 v62, v11;
	v11, _, _ =	vpop (xrf2)  }
0x171: {  	[tilespmem:s2+$0xFFFFFF90] =	vst v8;
	v8 =	vmov s14;
	v2 =	vbroadcast v2, $0x0;
	(v2sf) =	vpush v11, $0xF  }
0x172: {  	s8 =	spop (v2sf);
	[tilespmem:s2+$0xFFFFFF20] =	vst v3;
	v13 =	vmul.f32 v60, v13;
	v7 =	vadd.f32 v7, v20;
	v11 =	vadd.f32 v15, v20;
	v3, _, _ =	vpop (xrf2)  }
0x173: {  	s16 =	smul.f32 $1.562500000e-02, s8;
	[tilespmem:s2+$0xFFFFFF30] =	vst v9;
	(v2sf) =	vpush v3, $0xF;
	v3 =	vshrl.u32 v2, $0x1;
	v2 =	vmul.f32 $5.000000000e-01, v2  }
0x174: {  	[tilespmem:s2+$0xFFFFFFA0] =	vst v12;
	v9 =	vadd.f32 v13, v21;
	v56 =	vsub.s32 $0x5F3759DF, v3;
	v3 =	vmul.f32 v0, v4  }
0x175: {  	s17 =	spop (v2sf);
	[tilespmem:s2+$0xFFFFFFB0] =	vst v6;
	v4 =	vadd.f32 $9.999999970e-07, v8;
	v8 =	vmov s16;
	v0 =	vmul.f32 v56, v2  }
0x176: {  	s14 =	smul.f32 $1.562500000e-02, s17;
	[tilespmem:s2+$0x0] =	vst v7;
	v6 =	vadd.f32 $9.999999970e-07, v8;
	v58 =	vmul.f32 v3, v17;
	v8 =	vmul.f32 v3, v16  }
0x177: {  	v7 =	vadd.f32 v63, v61;
	[tilespmem:s2+$0xFFFFFF80] =	vst v11;
	v11 =	vmul.f32 v56, v0;
	v0 =	vbroadcast v4, $0x0  }
0x178: {  	[tilespmem:s2+$0x10] =	vst v9;
	v4 =	vmov s14;
	v14 =	vbroadcast v6, $0x0;
	v12 =	vmul.f32 v8, v59  }
0x179: {  	[tilespmem:s2+$0x20] =	vst v7;
	s14 =	simm.s32 $0x11B00;
	v55 =	vsub.f32 v5, v4;
	v15 =	vshrl.u32 v0, $0x1;
	v7 =	vmul.f32 $5.000000000e-01, v0  }
.LBB2_3:
0x17a: {  	v52 =	vsub.f32 v52, v4  }
0x17b: {  	s16 =	smov.u32 s0;
	s0 =	sadd.s32 $0x4, s0;
	v13 =	vsub.f32 v49, v4;
	v54 =	vsub.f32 v50, v4;
	v25 =	vld [tilespmem:$0x1FE90];
	v49 =	vmul.f32 $5.000000000e-01, v14  }
0x17c: {  	v27 =	vld [tilespmem:$0x1FEC0];
	s6 =	sand.u32 $0x4, s0;
	v4 =	vmul.f32 v55, v55;
	v6 =	vmul.f32 v52, v52  }
0x17d: {  	s13 =	sadd.s32 $0x200, s13;
	v29 =	vld [tilespmem:$0x1FEE0];
	v0 =	vshrl.u32 v14, $0x1;
	s6 =	sor.u32 s3, s6;
	v8 =	vmul.f32 v13, v13;
	v14 =	vmul.f32 v54, v54;
	s17 =	spop (v2sf)  }
0x17e: {  	v5 =	vadd.f32 v12, v22;
	v30 =	vmov v13;
	v13 =	vld [tilespmem:s13+$0xFFFFFF20];
	s6 =	sshll.u32 s6, $0x6;
	s17 =	smul.f32 $1.562500000e-02, s17  }
0x17f: {  	s2 =	sadd.s32 $0x200, s2;
	v50 =	vsub.s32 $0x5F3759DF, v15;
	v12 =	vld [tilespmem:s6+$0x6400];
	v4 =	vadd.f32 v6, v4;
	v15 =	vadd.f32 v14, v8  }
0x180: {  	v11 =	vsub.f32 $1.500000000e+00, v11;
	[tilespmem:s2+$0xB0] =	vst v5;
	v14 =	vld [tilespmem:s6+$0x6420];
	s8 =	spop (v2sf);
	v5 =	vmov s17  }
0x181: {  	v4 =	vadd.f32 v15, v4;
	v15 =	vld [tilespmem:s6+$0x6440];
	s17 =	smul.f32 $1.562500000e-02, s8;
	v10 =	vsub.f32 v39, v5  }
0x182: {  	v9 =	vsub.f32 v45, v5;
	v45 =	vld [tilespmem:s6+$0x6410];
	v39 =	vmul.f32 v50, v7;
	v8 =	vsub.f32 v41, v5  }
0x183: {  	s8 =	sadd.s32 $0x6, s16;
	v6 =	vsub.f32 v42, v5;
	v42 =	vld [tilespmem:s6+$0x6430];
	v57 =	vmov s17;
	s17 =	spop (v2sf);
	v41 =	vmul.f32 v10, v10  }
0x184: {  	s8 =	sand.u32 $0x6, s8;
	v16 =	vmul.f32 v9, v9;
	v17 =	vmul.f32 v8, v8;
	v59 =	vsub.f32 v43, v57;
	s17 =	smul.f32 $1.562500000e-02, s17;
	v43 =	vld [tilespmem:s6+$0x6450]  }
0x185: {  	s8 =	sor.u32 s3, s8;
	v5 =	vsub.f32 v40, v57;
	v40 =	vmul.f32 v6, v6;
	v60 =	vsub.f32 v44, v57;
	v44 =	vld [tilespmem:s6+$0x6460]  }
0x186: {  	(xrf2) =	vadd.scan.msk.f32 $0xffff, v4;
	v57 =	vsub.f32 v51, v57;
	v51 =	vld [tilespmem:s6+$0x6470];
	v39 =	vmul.f32 v50, v39;
	v4 =	vmov s17;
	s17 =	sshll.u32 s8, $0x6  }
0x187: {  	v18 =	vmul.f32 v5, v5;
	v19 =	vmul.f32 v59, v59;
	v62 =	vsub.f32 v46, v4;
	v46 =	vld [tilespmem:s17+$0x6400]  }
0x188: {  	v20 =	vmul.f32 v60, v60;
	v16 =	vadd.f32 v16, v41;
	v63 =	vsub.f32 v47, v4;
	v47 =	vld [tilespmem:s17+$0x6410]  }
0x189: {  	v21 =	vmul.f32 v57, v57;
	v17 =	vadd.f32 v40, v17;
	v61 =	vsub.f32 v48, v4;
	v48 =	vld [tilespmem:s17+$0x6420]  }
0x18a: {  	v39 =	vsub.f32 $1.500000000e+00, v39;
	v4 =	vsub.f32 v53, v4;
	v53 =	vld [tilespmem:s17+$0x6430]  }
0x18b: {  	v0 =	vsub.s32 $0x5F3759DF, v0;
	s8 =	sadd.s32 $0xFFFFFFFF, s16;
	v18 =	vadd.f32 v19, v18;
	v19 =	vadd.f32 v21, v20;
	v21 =	vld [tilespmem:s13+$0x80]  }
0x18c: {  	v11 =	vmul.f32 v56, v11;
	s6 =	sand.u32 $0x6, s8;
	v26 =	vadd.f32 v17, v16;
	v56 =	vmul.f32 v50, v39;
	v39 =	vld [tilespmem:$0x1FEF0]  }
0x18d: {  	v20 =	vmul.f32 v0, v49;
	s6 =	sor.u32 s3, s6;
	v17 =	vadd.f32 v19, v18;
	v19 =	vld [tilespmem:s13+$0xA0]  }
0x18e: {  	v40 =	vmul.f32 v61, v61;
	v23 =	vmul.f32 v4, v4;
	s6 =	sshll.u32 s6, $0x6;
	(xrf2) =	vadd.scan.msk.f32 $0xffff, v26;
	v26 =	vld [tilespmem:$0x1FEA0]  }
0x18f: {  	v31 =	vmov v55;
	v41 =	vmul.f32 v62, v62;
	v22 =	vmul.f32 v63, v63;
	v55 =	vld [tilespmem:s6+$0x6450]  }
0x190: {  	v18 =	vmul.f32 v0, v20;
	v23 =	vadd.f32 v23, v40;
	v40 =	vld [tilespmem:s13+$0x90]  }
0x191: {  	v2 =	vmul.f32 v11, v2;
	v22 =	vadd.f32 v22, v41;
	v41 =	vld [tilespmem:s6+$0x6440]  }
0x192: {  	v16, _, _ =	vpop (xrf2);
	v18 =	vsub.f32 $1.500000000e+00, v18;
	(xrf2) =	vadd.scan.msk.f32 $0xffff, v17;
	v17 =	vld [tilespmem:$0x1FD90]  }
0x193: {  	v2 =	vmul.f32 v2, v11;
	(v2sf) =	vpush v16, $0xF;
	v20 =	vadd.f32 v23, v22;
	v23 =	vld [tilespmem:s13+$0xB0]  }
0x194: {  	v16 =	vmul.f32 v58, v28;
	v28 =	vadd.f32 v1, v39;
	v1 =	vmovc v52;
	v0 =	vmul.f32 v0, v18;
	v18 =	vld [tilespmem:s6+$0x6460]  }
0x195: {  	v7 =	vmul.f32 v56, v7;
	[tilespmem:$0x1FD90] =	vst v1;
	v1 =	vld [tilespmem:s13+$0xFFFFFF00]  }
0x196: {  	v2 =	vsub.f32 $1.500000000e+00, v2;
	[tilespmem:s14+$0x30] =	vst v28;
	v28 =	vld [tilespmem:$0x1FED0]  }
0x197: {  	v22 =	vmul.f32 v3, v25;
	(xrf2) =	vadd.scan.msk.f32 $0xffff, v20;
	v20 =	vmul.f32 v7, v56;
	v7 =	vadd.f32 v41, v21;
	v21 =	vld [tilespmem:s13+$0xFFFFFF80]  }
0x198: {  	v2 =	vmul.f32 v2, v11;
	v3 =	vmul.f32 v3, v26;
	v41 =	vadd.f32 v14, v13;
	v13 =	vld [tilespmem:s13+$0xFFFFFFB0]  }
0x199: {  	v16 =	vadd.f32 v16, v27;
	v50 =	vmul.f32 v0, v49;
	v17 =	vmul.f32 v22, v17;
	v22 =	vld [tilespmem:s6+$0x6470]  }
0x19a: {  	v52 =	vadd.f32 v55, v40;
	v3 =	vmul.f32 v3, v24;
	v39 =	vadd.f32 v12, v1;
	v1 =	vld [tilespmem:s13+$0xFFFFFF90]  }
0x19b: {  	[tilespmem:s2+$0x80] =	vst v16;
	v11 =	vsub.f32 $1.500000000e+00, v20;
	v58 =	vmul.f32 v50, v0;
	v12 =	vld [tilespmem:s13+$0xFFFFFFA0];
	v16 =	vadd.f32 v17, v28  }
0x19c: {  	v55 =	vadd.f32 v52, v7;
	v24 =	vadd.f32 v3, v29;
	v17 =	vld [tilespmem:s13+$0xFFFFFF10]  }
0x19d: {  	v49 =	vadd.f32 v18, v19;
	v58 =	vsub.f32 $1.500000000e+00, v58;
	[tilespmem:s2+$0x90] =	vst v16;
	v16 =	vld [tilespmem:s13+$0xFFFFFF30]  }
0x19e: {  	v3, _, _ =	vpop (xrf2);
	v40 =	vadd.f32 v15, v21;
	v15 =	vld [tilespmem:s13+$0x10];
	v50 =	vadd.f32 v22, v23  }
0x19f: {  	v51 =	vadd.f32 v51, v13;
	(v2sf) =	vpush v3, $0xF  }
0x1a0: {  	v19 =	vadd.f32 v50, v49;
	v43 =	vadd.f32 v43, v1  }
0x1a1: {  	v1 =	vld [tilespmem:s13+$0x20];
	v44 =	vadd.f32 v44, v12;
	v45 =	vadd.f32 v45, v17  }
0x1a2: {  	v14 =	vld [tilespmem:s13+$0x0];
	s16 =	spop (v2sf);
	v42 =	vadd.f32 v42, v16;
	v16 =	vadd.f32 v19, v55  }
0x1a3: {  	[tilespmem:s2+$0xA0] =	vst v24;
	v24 =	vld [tilespmem:$0x1FE80];
	v17, _, _ =	vpop (xrf2);
	v13 =	vadd.f32 v43, v40;
	v47 =	vadd.f32 v47, v15;
	s6 =	smul.f32 $1.562500000e-02, s16  }
0x1a4: {  	v11 =	vmul.f32 v11, v56;
	v12 =	vld [tilespmem:s13+$0x30];
	v3, _, _ =	vpop (xrf2);
	(v2sf) =	vpush v17, $0xF;
	v19 =	vadd.f32 v45, v39;
	(xrf2) =	vadd.scan.msk.f32 $0xffff, v16  }
0x1a5: {  	v55 =	vld [tilespmem:$0x1FEB0];
	(v2sf) =	vpush v3, $0xF;
	v22 =	vadd.f32 v42, v41;
	v15 =	vmov s6  }
0x1a6: {  	v18 =	vmul.f32 v2, v25;
	v48 =	vadd.f32 v48, v1;
	v1 =	vadd.f32 $9.999999970e-07, v15;
	v15 =	vld [tilespmem:$0x1FDA0]  }
0x1a7: {  	v21 =	vmul.f32 v2, v26;
	v17 =	vmovc v9;
	v3 =	vld [tilespmem:$0x1FDB0];
	v19 =	vadd.f32 v22, v19;
	v22 =	vadd.f32 v51, v44  }
0x1a8: {  	v46 =	vadd.f32 v46, v14;
	v14 =	vmul.f32 v11, v26;
	v23 =	vmul.f32 v11, v25;
	[tilespmem:$0x1FDB0] =	vst v17;
	v17 =	vld [tilespmem:$0x1FDC0]  }
0x1a9: {  	v56 =	vmovc v10;
	v20 =	vmul.f32 v2, v24;
	v53 =	vadd.f32 v53, v12;
	v10 =	vadd.f32 v22, v13  }
0x1aa: {  	v0 =	vmul.f32 v58, v0;
	v16 =	vmul.f32 v11, v24;
	v12 =	vadd.f32 v47, v46;
	(xrf2) =	vadd.scan.msk.f32 $0xffff, v19  }
0x1ab: {  	[tilespmem:$0x1FDA0] =	vst v56;
	v56 =	vadd.f32 v53, v48;
	v1 =	vbroadcast v1, $0x0;
	v15 =	vmul.f32 v20, v15  }
0x1ac: {  	v11 =	vmul.f32 v11, v55;
	v3 =	vmul.f32 v18, v3  }
0x1ad: {  	v17 =	vmul.f32 v21, v17;
	v22 =	vld [tilespmem:$0x1FEF0];
	v12 =	vadd.f32 v56, v12;
	v9 =	vshrl.u32 v1, $0x1;
	(xrf2) =	vadd.scan.msk.f32 $0xffff, v10;
	v10 =	vmovc v8  }
0x1ae: {  	v1 =	vmul.f32 $5.000000000e-01, v1;
	v3 =	vadd.f32 v3, v28;
	v8 =	vadd.f32 v15, v27;
	[tilespmem:$0x1FDC0] =	vst v10;
	v10 =	vld [tilespmem:$0x1FDD0];
	v13, _, _ =	vpop (xrf2)  }
0x1af: {  	v9 =	vsub.s32 $0x5F3759DF, v9;
	v15 =	vmovc v6;
	v6 =	vadd.f32 v17, v29;
	(v2sf) =	vpush v13, $0xF  }
0x1b0: {  	[tilespmem:s2+$0xFFFFFF10] =	vst v3;
	v3 =	vmul.f32 v23, v34;
	(xrf2) =	vadd.scan.msk.f32 $0xffff, v12;
	v13 =	vmul.f32 v9, v1  }
0x1b1: {  	v2 =	vmul.f32 v2, v55;
	v11 =	vmul.f32 v11, v35;
	[tilespmem:s2+$0xFFFFFF20] =	vst v6;
	v6 =	vld [tilespmem:$0x1FDE0]  }
0x1b2: {  	v3 =	vadd.f32 v3, v28;
	[tilespmem:s2+$0xFFFFFF00] =	vst v8;
	v8 =	vmul.f32 v0, v25;
	v12 =	vmul.f32 v9, v13  }
0x1b3: {  	v11 =	vadd.f32 v11, v22;
	[tilespmem:$0x1FDD0] =	vst v15;
	v15 =	vmul.f32 v0, v26;
	v2 =	vmul.f32 v2, v10  }
0x1b4: {  	s17 =	spop (v2sf);
	v13 =	vmul.f32 v0, v24;
	v10 =	vmul.f32 v16, v38;
	v16, _, _ =	vpop (xrf2);
	v12 =	vsub.f32 $1.500000000e+00, v12  }
0x1b5: {  	s6 =	smul.f32 $1.562500000e-02, s17;
	v0 =	vmul.f32 v0, v55;
	v38 =	vmovc v5;
	(v2sf) =	vpush v16, $0xF;
	v2 =	vadd.f32 v2, v22  }
0x1b6: {  	v10 =	vadd.f32 v10, v27;
	v6 =	vmul.f32 v14, v6;
	v5 =	vmul.f32 v9, v12;
	v14 =	vmovc v60  }
0x1b7: {  	s8 =	spop (v2sf);
	v9 =	vmul.f32 v13, v37;
	v12 =	vmul.f32 v15, v33;
	[tilespmem:$0x1FDE0] =	vst v14;
	v14 =	vmov s6  }
0x1b8: {  	s16 =	spop (v2sf);
	v13, _, _ =	vpop (xrf2);
	s6 =	smul.f32 $1.562500000e-02, s8;
	v15 =	vmul.f32 v5, v1;
	v1 =	vmul.f32 v0, v36;
	v0 =	vadd.f32 $9.999999970e-07, v14  }
0x1b9: {  	v8 =	vmul.f32 v8, v32;
	[tilespmem:s2+$0xFFFFFF30] =	vst v2;
	(v2sf) =	vpush v13, $0xF;
	s8 =	smul.f32 $1.562500000e-02, s16;
	v6 =	vadd.f32 v6, v29;
	v36 =	vmovc v4  }
0x1ba: {  	[tilespmem:s2+$0xFFFFFF80] =	vst v10;
	v10, _, _ =	vpop (xrf2);
	v4 =	vmov s6;
	v2 =	vmul.f32 v15, v5;
	v0 =	vbroadcast v0, $0x0  }
0x1bb: {  	(v2sf) =	vpush v10, $0xF;
	[tilespmem:s2+$0xFFFFFFA0] =	vst v6;
	v4 =	vadd.f32 $9.999999970e-07, v4;
	v6 =	vmov s8  }
0x1bc: {  	[tilespmem:s2+$0xFFFFFF90] =	vst v3;
	v10 =	vsub.f32 $1.500000000e+00, v2;
	v3 =	vshrl.u32 v0, $0x1;
	v2 =	vmul.f32 $5.000000000e-01, v0  }
0x1bd: {  	p0 =	slt.u32 s0, $0x7C;
	v6 =	vadd.f32 $9.999999970e-07, v6;
	v0 =	vadd.f32 v8, v28;
	v56 =	vsub.s32 $0x5F3759DF, v3  }
.Ltmp2:
0x1be: {  	v35 =	vmov v57;
	[tilespmem:s2+$0xFFFFFFB0] =	vst v11;
	v3 =	vmul.f32 v10, v5;
	v5 =	vmul.f32 v56, v2;
	s17 =	spop (v2sf);
	(pc) =	sbr.rel @p0 .LBB2_3-.Ltmp2, $4  }
0x1bf: {  	v34 =	vmovc v59;
	v32 =	vmovc v63;
	v9 =	vadd.f32 v9, v27;
	v14 =	vbroadcast v6, $0x0;
	[tilespmem:s2+$0x10] =	vst v0;
	v0 =	vbroadcast v4, $0x0;
	s6 =	smul.f32 $1.562500000e-02, s17  }
0x1c0: {  	v37 =	vmovc v62;
	v8 =	vmul.f32 v3, v55;
	v11 =	vmul.f32 v56, v5;
	v5 =	vadd.f32 v12, v29  }
0x1c1: {  	v33 =	vmovc v61;
	[tilespmem:s2+$0x0] =	vst v9;
	v28 =	vmovc v31;
	v58 =	vmul.f32 v3, v24;
	v15 =	vshrl.u32 v0, $0x1;
	v4 =	vmov s6  }
0x1c2: {  	s14 =	smov.u32 s2;
	v24 =	vmovc v30;
	v12 =	vmul.f32 v8, v54;
	[tilespmem:s2+$0x20] =	vst v5;
	v55 =	vsub.f32 v7, v4;
	v7 =	vmul.f32 $5.000000000e-01, v0  }
0x1c3: {  	v9 =	vsub.f32 v52, v4  }
0x1c4: {  	v8 =	vsub.f32 v49, v4;
	v10 =	vsub.f32 v50, v4  }
0x1c5: {  	v0 =	vmul.f32 v55, v55;
	v4 =	vmul.f32 v9, v9  }
0x1c6: {  	v5 =	vmul.f32 v8, v8;
	v6 =	vmul.f32 v10, v10  }
0x1c7: {  	s0 =	spop (v2sf)  }
0x1c8: {  	s0 =	smul.f32 $1.562500000e-02, s0;
	v0 =	vadd.f32 v4, v0;
	v4 =	vadd.f32 v6, v5;
	_ =	sdelay $0x1  }
0x1c9: {  	v11 =	vsub.f32 $1.500000000e+00, v11;
	v5 =	vmov s0;
	s3 =	spop (v2sf);
	v0 =	vadd.f32 v4, v0  }
0x1ca: {  	v50 =	vsub.f32 v45, v5;
	v45 =	vsub.f32 v41, v5;
	s0 =	smul.f32 $1.562500000e-02, s3  }
0x1cb: {  	v52 =	vsub.f32 v39, v5;
	v49 =	vsub.f32 v42, v5;
	(xrf2) =	vadd.scan.msk.f32 $0xffff, v0  }
0x1cc: {  	v4 =	vmul.f32 v50, v50;
	v13 =	vmul.f32 v45, v45;
	v6 =	vmov s0  }
0x1cd: {  	s3 =	spop (v2sf);
	v16 =	vmul.f32 v49, v49;
	v0 =	vmul.f32 v52, v52;
	v54 =	vsub.f32 v40, v6  }
0x1ce: {  	s6 =	smul.f32 $1.562500000e-02, s3;
	v42 =	vsub.f32 v43, v6;
	v5 =	vsub.f32 v44, v6  }
0x1cf: {  	v13 =	vadd.f32 v16, v13;
	v0 =	vadd.f32 v4, v0  }
0x1d0: {  	v6 =	vsub.f32 v51, v6;
	v17 =	vmov s6;
	v18 =	vmul.f32 v54, v54  }
0x1d1: {  	v19 =	vmul.f32 v42, v42;
	v41 =	vsub.f32 v46, v17;
	v0 =	vadd.f32 v13, v0  }
0x1d2: {  	v20 =	vmul.f32 v5, v5;
	v40 =	vsub.f32 v47, v17;
	v57 =	vmul.f32 v6, v6  }
0x1d3: {  	v11 =	vmul.f32 v56, v11;
	v39 =	vsub.f32 v48, v17;
	v4 =	vsub.f32 v53, v17  }
0x1d4: {  	v59 =	vmul.f32 v41, v41;
	v18 =	vadd.f32 v19, v18;
	v16 =	vadd.f32 v57, v20;
	(xrf2) =	vadd.scan.msk.f32 $0xffff, v0  }
0x1d5: {  	v13 =	vmul.f32 v40, v40;
	v60 =	vmul.f32 v39, v39;
	v0, _, _ =	vpop (xrf2)  }
0x1d6: {  	v20 =	vmul.f32 v4, v4;
	v16 =	vadd.f32 v16, v18;
	(v2sf) =	vpush v0, $0xF  }
0x1d7: {  	v2 =	vmul.f32 v11, v2  }
0x1d8: {  	(xrf2) =	vadd.scan.msk.f32 $0xffff, v16;
	v0 =	vadd.f32 v13, v59;
	v13 =	vadd.f32 v20, v60  }
0x1d9: {  	v15 =	vsub.s32 $0x5F3759DF, v15;
	v2 =	vmul.f32 v2, v11  }
0x1da: {  	v57 =	vld [tilespmem:$0x1FE90];
	v0 =	vadd.f32 v13, v0;
	v13 =	vmul.f32 v15, v7  }
0x1db: {  	v61 =	vshrl.u32 v14, $0x1;
	v14 =	vmul.f32 $5.000000000e-01, v14;
	v2 =	vsub.f32 $1.500000000e+00, v2  }
0x1dc: {  	v23 =	vld [tilespmem:$0x1FDB0];
	(xrf2) =	vadd.scan.msk.f32 $0xffff, v0;
	v0 =	vsub.s32 $0x5F3759DF, v61;
	v13 =	vmul.f32 v15, v13  }
0x1dd: {  	v2 =	vmul.f32 v2, v11;
	v16 =	vmul.f32 v0, v14  }
0x1de: {  	v56 =	vld [tilespmem:$0x1FEA0];
	v62, _, _ =	vpop (xrf2);
	v13 =	vsub.f32 $1.500000000e+00, v13  }
0x1df: {  	v44 =	vld [tilespmem:$0x1FD90];
	v47 =	vmul.f32 v2, v57;
	(v2sf) =	vpush v62, $0xF;
	v16 =	vmul.f32 v0, v16  }
0x1e0: {  	v59 =	vld [tilespmem:$0x1FED0];
	v13 =	vmul.f32 v15, v13  }
0x1e1: {  	v17 =	vmul.f32 v47, v23;
	v23 =	vld [tilespmem:$0x1FDC0];
	v16 =	vsub.f32 $1.500000000e+00, v16  }
0x1e2: {  	v1 =	vadd.f32 v1, v22;
	v11 =	vadd.f32 v12, v22;
	v22 =	vld [tilespmem:$0x1FDA0];
	v63, _, _ =	vpop (xrf2);
	v7 =	vmul.f32 v13, v7  }
0x1e3: {  	v62 =	vld [tilespmem:$0x1FE80];
	(v2sf) =	vpush v63, $0xF;
	v0 =	vmul.f32 v0, v16  }
0x1e4: {  	v48 =	vmul.f32 v2, v56;
	v60 =	vld [tilespmem:$0x1FEE0];
	v7 =	vmul.f32 v7, v13  }
0x1e5: {  	v43 =	vmul.f32 v58, v28;
	v61 =	vld [tilespmem:$0x1FEB0];
	v17 =	vadd.f32 v17, v59;
	v14 =	vmul.f32 v0, v14;
	s8 =	spop (v2sf)  }
0x1e6: {  	v58 =	vld [tilespmem:$0x1FEC0];
	v18 =	vmul.f32 v48, v23;
	v15 =	vmul.f32 v3, v57;
	v46, _, _ =	vpop (xrf2);
	v7 =	vsub.f32 $1.500000000e+00, v7;
	s0 =	smul.f32 $1.562500000e-02, s8  }
0x1e7: {  	v3 =	vmul.f32 v3, v56;
	(v2sf) =	vpush v46, $0xF;
	v12 =	vmul.f32 v14, v0  }
0x1e8: {  	v14 =	vmul.f32 v2, v62;
	v7 =	vmul.f32 v7, v13;
	v13 =	vmov s0  }
0x1e9: {  	v15 =	vmul.f32 v15, v44;
	v3 =	vmul.f32 v3, v24;
	v13 =	vadd.f32 $9.999999970e-07, v13  }
0x1ea: {  	v18 =	vadd.f32 v18, v60;
	v2 =	vmul.f32 v2, v61;
	v14 =	vmul.f32 v14, v22  }
0x1eb: {  	v28 =	vld [tilespmem:$0x1FDE0];
	v16 =	vadd.f32 v43, v58;
	v51 =	vmul.f32 v7, v62;
	v13 =	vbroadcast v13, $0x0  }
0x1ec: {  	v12 =	vsub.f32 $1.500000000e+00, v12;
	v20 =	vmul.f32 v7, v57;
	v21 =	vmul.f32 v7, v56  }
0x1ed: {  	v7 =	vmul.f32 v7, v61;
	v22 =	vshrl.u32 v13, $0x1;
	v13 =	vmul.f32 $5.000000000e-01, v13  }
0x1ee: {  	v0 =	vmul.f32 v12, v0;
	v12 =	vadd.f32 v14, v58;
	v14 =	vld [tilespmem:$0x1FDD0];
	s13 =	spop (v2sf);
	v22 =	vsub.s32 $0x5F3759DF, v22  }
0x1ef: {  	v15 =	vadd.f32 v15, v59;
	v20 =	vmul.f32 v20, v34;
	s0 =	smul.f32 $1.562500000e-02, s13;
	v23 =	vmul.f32 v22, v13  }
0x1f0: {  	s2 =	sadd.s32 $0x200, s2;
	v3 =	vadd.f32 v3, v60;
	v21 =	vmul.f32 v21, v28;
	v7 =	vmul.f32 v7, v35  }
0x1f1: {  	[tilespmem:s2+$0xB0] =	vst v11;
	v24 =	vmul.f32 v0, v57;
	v25 =	vmov s0;
	v53 =	vmul.f32 v22, v23  }
0x1f2: {  	v11 =	vld [tilespmem:$0x1FEF0];
	[tilespmem:s2+$0x90] =	vst v15;
	v27 =	vmul.f32 v0, v56;
	v15 =	vadd.f32 v20, v59;
	s16 =	spop (v2sf);
	v25 =	vadd.f32 $9.999999970e-07, v25  }
0x1f3: {  	[tilespmem:s14+$0x30] =	vst v1;
	v2 =	vmul.f32 v2, v14;
	s0 =	smul.f32 $1.562500000e-02, s16;
	v23 =	vmul.f32 v0, v62;
	v19 =	vsub.f32 $1.500000000e+00, v53  }
0x1f4: {  	[tilespmem:s2+$0xFFFFFF00] =	vst v12;
	v12 =	vadd.f32 v21, v60;
	v14 =	vmul.f32 v51, v38;
	v25 =	vbroadcast v25, $0x0  }
0x1f5: {  	[tilespmem:s2+$0x80] =	vst v16;
	v28 =	vmov s0;
	v19 =	vmul.f32 v22, v19;
	v22 =	vmul.f32 v23, v37  }
0x1f6: {  	[tilespmem:s2+$0xA0] =	vst v3;
	s17 =	spop (v2sf);
	v23 =	vadd.f32 $9.999999970e-07, v28;
	v28 =	vshrl.u32 v25, $0x1;
	v25 =	vmul.f32 $5.000000000e-01, v25  }
0x1f7: {  	[tilespmem:s2+$0xFFFFFF10] =	vst v17;
	v24 =	vmul.f32 v24, v32;
	v27 =	vmul.f32 v27, v33;
	s6 =	smul.f32 $1.562500000e-02, s17;
	v28 =	vsub.s32 $0x5F3759DF, v28  }
0x1f8: {  	v17 =	vld [tilespmem:$0x1FEF0];
	v2 =	vadd.f32 v2, v11;
	v14 =	vadd.f32 v14, v58;
	v30 =	vmul.f32 v28, v25  }
0x1f9: {  	v29 =	vmov s6;
	v23 =	vbroadcast v23, $0x0;
	v13 =	vmul.f32 v19, v13  }
0x1fa: {  	v0 =	vmul.f32 v0, v61;
	v29 =	vadd.f32 $9.999999970e-07, v29;
	v30 =	vmul.f32 v28, v30  }
0x1fb: {  	[tilespmem:s2+$0xFFFFFF20] =	vst v18;
	v31 =	vshrl.u32 v23, $0x1;
	v23 =	vmul.f32 $5.000000000e-01, v23;
	v13 =	vmul.f32 v13, v19  }
0x1fc: {  	[tilespmem:s2+$0xFFFFFF90] =	vst v15;
	v29 =	vbroadcast v29, $0x0;
	v31 =	vsub.s32 $0x5F3759DF, v31;
	v30 =	vsub.f32 $1.500000000e+00, v30  }
0x1fd: {  	[tilespmem:s2+$0xFFFFFFA0] =	vst v12;
	v7 =	vadd.f32 v7, v17;
	v63 =	vmul.f32 v31, v23;
	v13 =	vsub.f32 $1.500000000e+00, v13  }
0x1fe: {  	[tilespmem:s2+$0xFFFFFF30] =	vst v2;
	v37 =	vshrl.u32 v29, $0x1;
	v29 =	vmul.f32 $5.000000000e-01, v29;
	v38 =	vmul.f32 v28, v30  }
0x1ff: {  	[tilespmem:s2+$0xFFFFFF80] =	vst v14;
	v2 =	vadd.f32 v22, v58;
	v32 =	vmul.f32 v31, v63;
	v11 =	vmul.f32 v13, v19  }
0x200: {  	v0 =	vmul.f32 v0, v36;
	[tilespmem:s2+$0xFFFFFFB0] =	vst v7;
	v33 =	vsub.s32 $0x5F3759DF, v37;
	v20 =	vmul.f32 v38, v25  }
0x201: {  	v7 =	vld [tilespmem:$0x1FEF0];
	[tilespmem:s2+$0x0] =	vst v2;
	v13 =	vmul.f32 v33, v29;
	v1 =	vsub.f32 $1.500000000e+00, v32;
	v43 =	vmul.f32 v11, v61  }
0x202: {  	v2 =	vld [tilespmem:$0x1FEF0];
	v3 =	vmul.f32 v11, v62;
	v20 =	vmul.f32 v20, v38  }
0x203: {  	v15 =	vadd.f32 v24, v59;
	v46 =	vmul.f32 v11, v57;
	v1 =	vmul.f32 v31, v1  }
0x204: {  	v11 =	vmul.f32 v11, v56;
	v13 =	vmul.f32 v33, v13;
	v47 =	vsub.f32 $1.500000000e+00, v20  }
0x205: {  	v12 =	vadd.f32 v27, v60;
	v10 =	vmul.f32 v43, v10;
	v44 =	vmul.f32 v1, v23  }
0x206: {  	v3 =	vmul.f32 v3, v55;
	v13 =	vsub.f32 $1.500000000e+00, v13;
	v14 =	vmul.f32 v47, v38  }
0x207: {  	[tilespmem:s2+$0x10] =	vst v15;
	v0 =	vadd.f32 v0, v2;
	v8 =	vmul.f32 v11, v8;
	v16 =	vmul.f32 v44, v1  }
0x208: {  	[tilespmem:s2+$0x20] =	vst v12;
	v7 =	vadd.f32 v10, v7;
	v13 =	vmul.f32 v33, v13;
	v48 =	vmul.f32 v14, v62  }
0x209: {  	s8 =	sadd.s32 $0x200, s2;
	v9 =	vmul.f32 v46, v9;
	[tilespmem:s2+$0x30] =	vst v0;
	v3 =	vadd.f32 v3, v58;
	v16 =	vsub.f32 $1.500000000e+00, v16  }
0x20a: {  	v0 =	vadd.f32 v8, v60;
	[tilespmem:s8+$0xB0] =	vst v7;
	v20 =	vmul.f32 v13, v29;
	v12 =	vmul.f32 v48, v52  }
0x20b: {  	v7 =	vadd.f32 v9, v59;
	[tilespmem:s8+$0x80] =	vst v3;
	v10 =	vmul.f32 v14, v57;
	v1 =	vmul.f32 v16, v1  }
0x20c: {  	[tilespmem:s8+$0xA0] =	vst v0;
	v51 =	vmul.f32 v14, v56;
	v2 =	vmul.f32 v14, v61;
	v3 =	vadd.f32 v12, v58  }
0x20d: {  	[tilespmem:s8+$0x90] =	vst v7;
	v11 =	vmul.f32 v20, v13;
	v53 =	vmul.f32 v1, v56  }
0x20e: {  	v9 =	vmul.f32 v10, v50;
	v8 =	vmul.f32 v51, v45;
	[tilespmem:s8+$0xFFFFFF00] =	vst v3  }
0x20f: {  	v11 =	vsub.f32 $1.500000000e+00, v11;
	v14 =	vmul.f32 v1, v62;
	v3 =	vmul.f32 v53, v5;
	v5 =	vld [tilespmem:$0x1FEF0]  }
0x210: {  	v15 =	vmul.f32 v1, v57;
	v1 =	vmul.f32 v1, v61  }
0x211: {  	v7 =	vadd.f32 v9, v59;
	v10 =	vmul.f32 v11, v13;
	v11 =	vmul.f32 v14, v54  }
0x212: {  	v2 =	vmul.f32 v2, v49;
	v0 =	vadd.f32 v8, v60  }
0x213: {  	p0 =	seq.s32 s29, $0x63;
	v1 =	vmul.f32 v1, v6;
	[tilespmem:s8+$0xFFFFFF10] =	vst v7;
	v6 =	vadd.f32 v11, v58  }
0x214: {  	v7 =	vimm.s32 @!p0 $0x76543210;
	[tilespmem:s8+$0xFFFFFF20] =	vst v0;
	v2 =	vadd.f32 v2, v5  }
0x215: {  	v9 =	vmul.f32 v10, v57;
	v7 =	vunpack.c.l.s4.s8 @!p0 v7;
	[tilespmem:s8+$0xFFFFFF80] =	vst v6  }
0x216: {  	v12 =	vmul.f32 v10, v62;
	[tilespmem:s8+$0xFFFFFF30] =	vst v2  }
0x217: {  	v8 =	vmul.f32 v15, v42;
	v6 =	vunpack.c.0.s8.s32 @!p0 v7;
	v7 =	vmul.f32 v9, v40;
	v9 =	vld [tilespmem:$0x1FEF0]  }
0x218: {  	v3 =	vadd.f32 v3, v60;
	v5 =	vmul.f32 v12, v41  }
0x219: {  	v13 =	vmul.f32 v10, v56;
	v10 =	vmul.f32 v10, v61;
	v2 =	vadd.f32 v8, v59  }
0x21a: {  	v5 =	vadd.f32 v5, v58;
	[tilespmem:s8+$0xFFFFFFA0] =	vst v3  }
0x21b: {  	s2 =	sadd.s32 @!p0 $0x2, s30;
	v3 =	vmul.f32 v10, v4;
	v4 =	vadd.f32 v7, v59;
	[tilespmem:s8+$0xFFFFFF90] =	vst v2  }
0x21c: {  	s3 =	smulhi.u32 @!p0 $0x51EB851F, s2;
	[tilespmem:s8+$0x0] =	vst v5;
	v1 =	vadd.f32 v1, v9  }
0x21d: {  	v0 =	vimm.s32 @!p0 $0xCBCAC9C8;
	v11 =	vimm.s32 @!p0 $0xCFCECDCC;
	v2 =	vmul.f32 v13, v39;
	[tilespmem:s8+$0x10] =	vst v4  }
0x21e: {  	s3 =	sshrl.u32 @!p0 s3, $0x3;
	v0 =	vunpack.c.0.s8.s32 @!p0 v0;
	v8 =	vunpack.c.0.s8.s32 @!p0 v11;
	[tilespmem:s8+$0xFFFFFFB0] =	vst v1  }
0x21f: {  	vm0 =	vcmask @!p0 $0x1F10;
	s6 =	smul.u32 @!p0 $0x19, s3;
	v1 =	vadd.f32 v2, v60;
	v2 =	vld [tilespmem:$0x1FEF0]  }
0x220: {  	s1 =	sshll.u32 s1, $0x4;
	v0 =	vsel @!p0 vm0, v8, v0  }
0x221: {  	s1 =	sand.u32 $0xF0, s1;
	s3 =	smul.u32 @!p0 $0xC80, s3;
	s2 =	ssub.s32 @!p0 s2, s6;
	v0 =	vcombine.low @!p0 v6, v0  }
0x222: {  	s1 =	sadd.s32 s1, s9;
	s2 =	sshll.u32 @!p0 s2, $0x3  }
0x223: {  	s1 =	smul.u32 $0x6400, s1;
	s2 =	sadd.s32 @!p0 s2, s3;
	v0 =	vand.u32 @!p0 $0xFF, v0  }
0x224: {  	s13 =	sshll.u32 s31, $0xA;
	v2 =	vadd.f32 v3, v2;
	v3 =	vadd.s32 @!p0 s2, v0  }
0x225: {  	s1 =	sadd.s32 s13, s1  }
0x226: {  	s1 =	sshrl.u32 s1, $0x3;
	[tilespmem:s8+$0x20] =	vst v1  }
0x227: {  	s14 =	sadd.s32 s7, s1;
	s0 =	simm.s32 @!p0 $0x0;
	[tilespmem:s8+$0x30] =	vst v2  }
0x228: {  	[hbm4b:s14+s21] =	stream.strided.scatter [tilespmem:s22], [sflag:$0x3], $0x4000, s12, s21, $0x38;
	[tilespmem:$0x19A00] =	vst v63  }
0x229: {  	s1 =	sadd.s32 @!p0 $0x190, s2;
	v1 =	vld.idx.msk @!p0 [tilespmem:v3+s0+$0x0], $0xffff  }
0x22a: {  	v2 =	vadd.s32 @!p0 s1, v0;
	_ =	sdelay $0x3  }
0x22b: {  	[tilespmem:$0x9900] =	vst @!p0 v1  }
0x22c: {  	s1 =	sadd.s32 @!p0 $0x320, s2;
	v1 =	vld.idx.msk @!p0 [tilespmem:v2+s0+$0x0], $0xffff  }
0x22d: {  	v2 =	vadd.s32 @!p0 s1, v0;
	_ =	sdelay $0x3  }
0x22e: {  	[tilespmem:$0x9910] =	vst @!p0 v1  }
0x22f: {  	s1 =	sadd.s32 @!p0 $0x4B0, s2;
	v1 =	vld.idx.msk @!p0 [tilespmem:v2+s0+$0x0], $0xffff  }
0x230: {  	v2 =	vadd.s32 @!p0 s1, v0;
	_ =	sdelay $0x3  }
0x231: {  	[tilespmem:$0x9920] =	vst @!p0 v1  }
0x232: {  	s1 =	sadd.s32 @!p0 $0x640, s2;
	v1 =	vld.idx.msk @!p0 [tilespmem:v2+s0+$0x0], $0xffff  }
0x233: {  	v2 =	vadd.s32 @!p0 s1, v0;
	_ =	sdelay $0x3  }
0x234: {  	[tilespmem:$0x9930] =	vst @!p0 v1  }
0x235: {  	s1 =	sadd.s32 @!p0 $0x7D0, s2;
	v1 =	vld.idx.msk @!p0 [tilespmem:v2+s0+$0x0], $0xffff  }
0x236: {  	v2 =	vadd.s32 @!p0 s1, v0;
	_ =	sdelay $0x3  }
0x237: {  	[tilespmem:$0x9940] =	vst @!p0 v1  }
0x238: {  	s1 =	sadd.s32 @!p0 $0x960, s2;
	v1 =	vld.idx.msk @!p0 [tilespmem:v2+s0+$0x0], $0xffff  }
0x239: {  	v2 =	vadd.s32 @!p0 s1, v0;
	_ =	sdelay $0x3  }
0x23a: {  	[tilespmem:$0x9950] =	vst @!p0 v1  }
0x23b: {  	s1 =	sadd.s32 @!p0 $0xAF0, s2;
	v1 =	vld.idx.msk @!p0 [tilespmem:v2+s0+$0x0], $0xffff  }
0x23c: {  	v0 =	vadd.s32 @!p0 s1, v0;
	_ =	sdelay $0x3  }
0x23d: {  	[tilespmem:$0x9960] =	vst @!p0 v1  }
0x23e: {  	v0 =	vld.idx.msk @!p0 [tilespmem:v0+s0+$0x0], $0xffff;
	_ =	sdelay $0x4  }
0x23f: {  	s3 =	simm.s32 @!p0 $0x9A00;
	s1 =	simm.s32 @!p0 $0x9900;
	s0 =	simm.s32 @!p0 $0x80;
	[tilespmem:$0x9970] =	vst @!p0 v0  }
0x240: {  	[tilespmem:s3], [sflag:$0x1] =	stream.indirect.gather @!p0 [hbm4b:s5+s0], $0x80, s1, s0, $0xb8;
	[tilespmem:$0x19A00] =	vst v63  }
0x241: {  	_ =	swait.ge [sflag:s23], $0x4000  }
0x242: {  	[sflag:s23] =	ssyncset.done $0x0  }
0x243: {  	s2 =	simm.s32 @!p1 $0x4;
	[sflag:s23] =	ssyncadd.s32 $0xFFFFC000  }
0x244: {  	_ =	swait.ge @!p1 [sflag:s2], $0x4000  }
0x245: {  	[sflag:s2] =	ssyncset.done @!p1 $0x0  }
0x246: {  	s16 =	sor.u32 $0x1, s30;
	s14 =	simm.s32 $0xDB00;
	[sflag:s2] =	ssyncadd.s32 @!p1 $0xFFFFC000  }
0x247: {  	s17 =	smulhi.u32 $0x51EB851F, s16;
	v6 =	vld [tilespmem:s14+$0x80]  }
0x248: {  	v7 =	vld [tilespmem:s14+$0x90]  }
0x249: {  	s1 =	sshrl.u32 s17, $0x3;
	v8 =	vld [tilespmem:s14+$0xA0]  }
0x24a: {  	s8 =	smul.u32 $0x19, s1;
	v9 =	vld [tilespmem:s14+$0xB0]  }
0x24b: {  	v33 =	vld [tilespmem:s14+$0xFFFFFF10]  }
0x24c: {  	s13 =	simm.s32 $0x0;
	s31 =	ssub.s32 s16, s8;
	v20 =	vld [tilespmem:s14+$0xFFFFFF20]  }
0x24d: {  	s0 =	sand.u32 $0x4, s13;
	s16 =	simm.s32 $0xFFFFFFFB;
	s3 =	sshll.u32 s31, $0x3;
	v34 =	vld [tilespmem:s14+$0xFFFFFF30]  }
0x24e: {  	s6 =	sand.u32 $0x6, s16;
	s0 =	sor.u32 s3, s0;
	v21 =	vld [tilespmem:s14+$0xFFFFFF80]  }
0x24f: {  	s6 =	sor.u32 s3, s6;
	s0 =	sshll.u32 s0, $0x6;
	v22 =	vld [tilespmem:s14+$0xFFFFFFA0]  }
0x250: {  	s6 =	sshll.u32 s6, $0x8;
	s0 =	sand.u32 $0x3FFFFFC0, s0;
	v23 =	vld [tilespmem:s14+$0xFFFFFFB0]  }
0x251: {  	s6 =	sshra.s32 s6, $0x2;
	v0 =	vld [tilespmem:s0+$0x6400]  }
0x252: {  	v10 =	vld [tilespmem:s6+$0x6440]  }
0x253: {  	v11 =	vld [tilespmem:s6+$0x6450]  }
0x254: {  	v12 =	vld [tilespmem:s6+$0x6460]  }
0x255: {  	v13 =	vld [tilespmem:s6+$0x6470]  }
0x256: {  	v1 =	vld [tilespmem:s0+$0x6410]  }
0x257: {  	v2 =	vld [tilespmem:s0+$0x6420]  }
0x258: {  	s8 =	simm.s32 $0x2;
	v3 =	vld [tilespmem:s0+$0x6430]  }
0x259: {  	s8 =	sand.u32 $0x6, s8;
	v4 =	vld [tilespmem:s0+$0x6440];
	v6 =	vadd.f32 v10, v6;
	v7 =	vadd.f32 v11, v7  }
0x25a: {  	s8 =	sor.u32 s3, s8;
	v5 =	vld [tilespmem:s0+$0x6450];
	v8 =	vadd.f32 v12, v8;
	v9 =	vadd.f32 v13, v9  }
0x25b: {  	s17 =	sshll.u32 s8, $0x6;
	v14 =	vld [tilespmem:s0+$0x6460]  }
0x25c: {  	v15 =	vld [tilespmem:s0+$0x6470];
	s6 =	sand.u32 $0x3FFFFFC0, s17;
	v13 =	vadd.f32 v7, v6;
	v32 =	vadd.f32 v9, v8  }
0x25d: {  	v55 =	vld [tilespmem:s6+$0x6400]  }
0x25e: {  	v12 =	vld [tilespmem:s14+$0xFFFFFF00];
	v13 =	vadd.f32 v32, v13  }
0x25f: {  	v63 =	vld [tilespmem:s6+$0x6410]  }
0x260: {  	v10 =	vld [tilespmem:s6+$0x6420];
	(xrf2) =	vadd.scan.msk.f32 $0xffff, v13  }
0x261: {  	v13 =	vld [tilespmem:s14+$0xFFFFFF90]  }
0x262: {  	v11 =	vld [tilespmem:s6+$0x6430];
	v1 =	vadd.f32 v1, v33;
	v35 =	vadd.f32 v2, v20  }
0x263: {  	v18 =	vadd.f32 v3, v34;
	v2 =	vld [tilespmem:s14+$0x10];
	v0 =	vadd.f32 v0, v12  }
0x264: {  	v4 =	vadd.f32 v4, v21;
	v20 =	vld [tilespmem:s14+$0x20];
	v14 =	vadd.f32 v14, v22  }
0x265: {  	v21 =	vadd.f32 v18, v35;
	v12 =	vld [tilespmem:s14+$0x0];
	v3 =	vadd.f32 v1, v0  }
0x266: {  	v15 =	vadd.f32 v15, v23;
	v5 =	vadd.f32 v5, v13;
	v13 =	vld [tilespmem:s14+$0x30]  }
0x267: {  	v3 =	vadd.f32 v21, v3  }
0x268: {  	v44 =	vadd.f32 v15, v14;
	v22 =	vadd.f32 v5, v4  }
0x269: {  	v17 =	vadd.f32 v63, v2;
	v10 =	vadd.f32 v10, v20;
	(xrf2) =	vadd.scan.msk.f32 $0xffff, v3  }
0x26a: {  	v12 =	vadd.f32 v55, v12;
	v3 =	vadd.f32 v44, v22;
	v21, _, _ =	vpop (xrf2)  }
0x26b: {  	v11 =	vadd.f32 v11, v13;
	(v2sf) =	vpush v21, $0xF;
	_ =	sdelay $0x1  }
0x26c: {  	v2 =	vadd.f32 v17, v12;
	(xrf2) =	vadd.scan.msk.f32 $0xffff, v3;
	v13 =	vadd.f32 v11, v10;
	_ =	sdelay $0x1  }
0x26d: {  	v2 =	vadd.f32 v13, v2;
	_ =	sdelay $0x1  }
0x26e: {  	(xrf2) =	vadd.scan.msk.f32 $0xffff, v2;
	_ =	sdelay $0x1  }
0x26f: {  	v2, _, _ =	vpop (xrf2)  }
0x270: {  	(v2sf) =	vpush v2, $0xF;
	_ =	sdelay $0x2  }
0x271: {  	v2, _, _ =	vpop (xrf2)  }
0x272: {  	(v2sf) =	vpush v2, $0xF;
	_ =	sdelay $0x1  }
0x273: {  	s8 =	spop (v2sf)  }
0x274: {  	v2, _, _ =	vpop (xrf2);
	s0 =	smul.f32 $1.562500000e-02, s8  }
0x275: {  	s13 =	simm.s32 $0x4;
	(v2sf) =	vpush v2, $0xF  }
0x276: {  	v2 =	vmov s0;
	s0 =	sand.u32 $0x4, s13  }
0x277: {  	s0 =	sor.u32 s3, s0  }
0x278: {  	s0 =	sshll.u32 s0, $0x6  }
0x279: {  	v39 =	vsub.f32 v6, v2;
	v41 =	vsub.f32 v7, v2;
	s0 =	sand.u32 $0x3FFFFFC0, s0  }
0x27a: {  	v63 =	vsub.f32 v8, v2;
	v42 =	vsub.f32 v9, v2;
	v8 =	vld [tilespmem:s0+$0x6400]  }
0x27b: {  	v2 =	vmul.f32 v39, v39;
	v3 =	vmul.f32 v41, v41;
	v9 =	vld [tilespmem:s0+$0x6410]  }
0x27c: {  	v6 =	vmul.f32 v63, v63;
	v7 =	vmul.f32 v42, v42;
	v13 =	vld [tilespmem:s0+$0x6440];
	s16 =	spop (v2sf)  }
0x27d: {  	s14 =	simm.s32 $0x6;
	v45 =	vld [tilespmem:s0+$0x6450];
	s6 =	smul.f32 $1.562500000e-02, s16  }
0x27e: {  	s2 =	sand.u32 $0x6, s14;
	v20 =	vld [tilespmem:s0+$0x6460];
	v2 =	vadd.f32 v3, v2;
	v3 =	vadd.f32 v7, v6  }
0x27f: {  	s2 =	sor.u32 s3, s2;
	v21 =	vld [tilespmem:s0+$0x6470];
	v22 =	vmov s6  }
0x280: {  	s2 =	sshll.u32 s2, $0x6;
	v6 =	vld [tilespmem:s0+$0x6420];
	v2 =	vadd.f32 v3, v2;
	s17 =	spop (v2sf);
	v24 =	vsub.f32 v0, v22  }
0x281: {  	s2 =	sand.u32 $0x3FFFFFC0, s2;
	v7 =	vld [tilespmem:s0+$0x6430];
	s0 =	smul.f32 $1.562500000e-02, s17;
	v3 =	vsub.f32 v1, v22  }
0x282: {  	v23 =	vld [tilespmem:s2+$0x6400];
	(xrf2) =	vadd.scan.msk.f32 $0xffff, v2;
	v2 =	vsub.f32 v35, v22;
	[tilespmem:$0x1FCD0] =	vst v24  }
0x283: {  	v1 =	vsub.f32 v18, v22;
	v22 =	vmov s0;
	v0 =	vld [tilespmem:s2+$0x6410];
	[tilespmem:$0x1FCE0] =	vst v3  }
0x284: {  	s16 =	simm.s32 $0xDD00;
	[tilespmem:$0x1FCF0] =	vst v2;
	v30 =	vsub.f32 v4, v22;
	s13 =	spop (v2sf)  }
0x285: {  	v28 =	vsub.f32 v5, v22;
	v46 =	vld [tilespmem:s16+$0x80];
	[tilespmem:$0x1FD00] =	vst v1;
	s17 =	smul.f32 $1.562500000e-02, s13  }
0x286: {  	s14 =	simm.s32 $0xFFFFFFFF;
	v47 =	vmul.f32 v24, v24;
	v25 =	vmul.f32 v3, v3;
	v3 =	vsub.f32 v14, v22;
	v24 =	vld [tilespmem:s16+$0x90];
	[tilespmem:$0x1FD10] =	vst v30  }
0x287: {  	s8 =	sand.u32 $0x6, s14;
	v29 =	vsub.f32 v15, v22;
	v4 =	vld [tilespmem:s16+$0xA0];
	[tilespmem:$0x1FD20] =	vst v28;
	v5 =	vmov s17  }
0x288: {  	s8 =	sor.u32 s3, s8;
	v26 =	vmul.f32 v2, v2;
	[tilespmem:$0x1FD30] =	vst v3;
	v2 =	vsub.f32 v12, v5  }
0x289: {  	s8 =	sshll.u32 s8, $0x8;
	v27 =	vmul.f32 v1, v1;
	v14 =	vld [tilespmem:s16+$0xB0];
	[tilespmem:$0x1FD40] =	vst v29;
	v1 =	vsub.f32 v17, v5  }
0x28a: {  	s8 =	sshra.s32 s8, $0x2;
	[tilespmem:$0x1FD50] =	vst v2  }
0x28b: {  	v26 =	vadd.f32 v27, v26;
	v27 =	vmul.f32 v3, v3;
	v3 =	vsub.f32 v10, v5;
	v12 =	vld [tilespmem:s8+$0x6440];
	[tilespmem:$0x1FD60] =	vst v1  }
0x28c: {  	v48 =	vadd.f32 v25, v47;
	v22 =	vld [tilespmem:s8+$0x6450]  }
0x28d: {  	v15 =	vmul.f32 v30, v30;
	v30 =	vmul.f32 v1, v1;
	v1 =	vsub.f32 v11, v5;
	v50 =	vld [tilespmem:s8+$0x6460];
	[tilespmem:$0x1FD70] =	vst v3  }
0x28e: {  	v25 =	vmul.f32 v28, v28;
	v28 =	vmul.f32 v29, v29;
	v49, _, _ =	vpop (xrf2);
	v10 =	vld [tilespmem:s8+$0x6470]  }
0x28f: {  	v17 =	vadd.f32 v26, v48;
	(v2sf) =	vpush v49, $0xF;
	v31 =	vld [tilespmem:s2+$0x6420];
	[tilespmem:$0x1FD80] =	vst v1  }
0x290: {  	v11 =	vadd.f32 v25, v15;
	v25 =	vadd.f32 v28, v27;
	v5 =	vld [tilespmem:s2+$0x6430]  }
0x291: {  	v29 =	vmul.f32 v2, v2;
	(xrf2) =	vadd.scan.msk.f32 $0xffff, v17;
	v51 =	vld [tilespmem:s16+$0xFFFFFF00]  }
0x292: {  	v15 =	vmul.f32 v3, v3;
	v11 =	vadd.f32 v25, v11;
	v28 =	vld [tilespmem:s16+$0xFFFFFF10]  }
0x293: {  	v26 =	vadd.f32 v30, v29;
	v27 =	vmul.f32 v1, v1;
	v53 =	vld [tilespmem:s16+$0xFFFFFF80];
	v12 =	vadd.f32 v12, v46  }
0x294: {  	(xrf2) =	vadd.scan.msk.f32 $0xffff, v11;
	v11 =	vld [tilespmem:s16+$0xFFFFFFA0];
	v52 =	vadd.f32 v22, v24;
	v4 =	vadd.f32 v50, v4  }
0x295: {  	v22 =	vld [tilespmem:s16+$0xFFFFFF20];
	v10 =	vadd.f32 v10, v14;
	v14 =	vadd.f32 v27, v15  }
0x296: {  	v15 =	vld [tilespmem:s16+$0xFFFFFF30];
	v24 =	vadd.f32 v52, v12  }
0x297: {  	v54 =	vld [tilespmem:s16+$0x10];
	v25 =	vadd.f32 v10, v4;
	v14 =	vadd.f32 v14, v26  }
0x298: {  	v8 =	vadd.f32 v8, v51;
	v26 =	vld [tilespmem:s16+$0xFFFFFF90]  }
0x299: {  	v9 =	vadd.f32 v9, v28;
	v24 =	vadd.f32 v25, v24;
	(xrf2) =	vadd.scan.msk.f32 $0xffff, v14;
	v14 =	vld [tilespmem:s16+$0xFFFFFFB0]  }
0x29a: {  	v13 =	vadd.f32 v13, v53;
	v11 =	vadd.f32 v20, v11;
	v25 =	vld [tilespmem:s16+$0x20]  }
0x29b: {  	v6 =	vadd.f32 v6, v22;
	v22, _, _ =	vpop (xrf2);
	v7 =	vadd.f32 v7, v15;
	v15 =	vld [tilespmem:s16+$0x0];
	(xrf2) =	vadd.scan.msk.f32 $0xffff, v24  }
0x29c: {  	v20 =	vld [tilespmem:s16+$0x30];
	v17 =	vadd.f32 v9, v8;
	(v2sf) =	vpush v22, $0xF  }
0x29d: {  	v24 =	vadd.f32 v7, v6;
	v16 =	vadd.f32 v45, v26  }
0x29e: {  	v0 =	vadd.f32 v0, v54;
	s13 =	spop (v2sf);
	v14 =	vadd.f32 v21, v14  }
0x29f: {  	v21 =	vadd.f32 v16, v13;
	s0 =	smul.f32 $1.562500000e-02, s13;
	v17 =	vadd.f32 v24, v17  }
0x2a0: {  	v15 =	vadd.f32 v23, v15;
	v23 =	vadd.f32 v31, v25  }
0x2a1: {  	v22 =	vadd.f32 v14, v11;
	v55 =	vmov s0;
	v24, _, _ =	vpop (xrf2);
	(xrf2) =	vadd.scan.msk.f32 $0xffff, v17;
	v17 =	vadd.f32 v5, v20  }
0x2a2: {  	v18 =	vadd.f32 $9.999999970e-07, v55;
	v5 =	vadd.f32 v0, v15  }
0x2a3: {  	v21 =	vadd.f32 v22, v21;
	v22 =	vadd.f32 v17, v23  }
0x2a4: {  	(v2sf) =	vpush v24, $0xF;
	v20, _, _ =	vpop (xrf2);
	v18 =	vbroadcast v18, $0x0  }
0x2a5: {  	(v2sf) =	vpush v20, $0xF;
	(xrf2) =	vadd.scan.msk.f32 $0xffff, v21;
	v5 =	vadd.f32 v22, v5;
	v20, _, _ =	vpop (xrf2)  }
0x2a6: {  	(v2sf) =	vpush v20, $0xF;
	v20 =	vshrl.u32 v18, $0x1;
	v18 =	vmul.f32 $5.000000000e-01, v18  }
0x2a7: {  	v20 =	vsub.s32 $0x5F3759DF, v20  }
0x2a8: {  	(xrf2) =	vadd.scan.msk.f32 $0xffff, v5;
	v21 =	vmul.f32 v20, v18;
	_ =	sdelay $0x2  }
0x2a9: {  	v5 =	vmul.f32 v20, v21  }
0x2aa: {  	s14 =	spop (v2sf);
	v21, _, _ =	vpop (xrf2)  }
0x2ab: {  	s0 =	smul.f32 $1.562500000e-02, s14;
	v5 =	vsub.f32 $1.500000000e+00, v5;
	(v2sf) =	vpush v21, $0xF;
	_ =	sdelay $0x1  }
0x2ac: {  	v21 =	vmov s0;
	v5 =	vmul.f32 v20, v5;
	v20, _, _ =	vpop (xrf2)  }
0x2ad: {  	(v2sf) =	vpush v20, $0xF;
	v20 =	vadd.f32 $9.999999970e-07, v21  }
0x2ae: {  	v18 =	vmul.f32 v5, v18  }
0x2af: {  	v21, _, _ =	vpop (xrf2);
	v20 =	vbroadcast v20, $0x0  }
0x2b0: {  	s16 =	spop (v2sf);
	(v2sf) =	vpush v21, $0xF;
	v18 =	vmul.f32 v18, v5  }
0x2b1: {  	s0 =	smul.f32 $1.562500000e-02, s16;
	s17 =	spop (v2sf);
	v21 =	vshrl.u32 v20, $0x1;
	v20 =	vmul.f32 $5.000000000e-01, v20  }
0x2b2: {  	v18 =	vsub.f32 $1.500000000e+00, v18;
	s2 =	smul.f32 $1.562500000e-02, s17;
	v21 =	vsub.s32 $0x5F3759DF, v21;
	s8 =	spop (v2sf)  }
0x2b3: {  	v22 =	vmov s0;
	v32 =	vmul.f32 v21, v20;
	s6 =	smul.f32 $1.562500000e-02, s8  }
0x2b4: {  	v22 =	vadd.f32 $9.999999970e-07, v22;
	v5 =	vmul.f32 v18, v5  }
0x2b5: {  	s0 =	simm.s32 $0x8;
	v28 =	vmov s2;
	v18 =	vmul.f32 v21, v32;
	v27 =	vmov s6  }
0x2b6: {  	s13 =	sand.u32 $0x4, s0;
	v54 =	vmul.f32 v5, v61;
	v24 =	vsub.f32 v12, v27;
	v1 =	vsub.f32 v52, v27  }
0x2b7: {  	s14 =	sor.u32 s3, s13;
	v12 =	vbroadcast v22, $0x0;
	v2 =	vsub.f32 v4, v27;
	v55 =	vsub.f32 v10, v27  }
0x2b8: {  	s2 =	sshll.u32 s14, $0x6;
	v10 =	vadd.f32 $9.999999970e-07, v28;
	v33 =	vmul.f32 v24, v24;
	[tilespmem:$0x1FC70] =	vst v1;
	v22 =	vmul.f32 v1, v1  }
0x2b9: {  	s2 =	sand.u32 $0x3FFFFFC0, s2;
	v18 =	vsub.f32 $1.500000000e+00, v18;
	[tilespmem:$0x1FC80] =	vst v2;
	v27 =	vmul.f32 v2, v2;
	v28 =	vmul.f32 v55, v55;
	s16 =	spop (v2sf)  }
0x2ba: {  	v10 =	vbroadcast v10, $0x0;
	v29 =	vshrl.u32 v12, $0x1;
	v12 =	vmul.f32 $5.000000000e-01, v12;
	v43 =	vld [tilespmem:s2+$0x6400];
	s6 =	smul.f32 $1.562500000e-02, s16  }
0x2bb: {  	v18 =	vmul.f32 v21, v18;
	v44 =	vld [tilespmem:s2+$0x6410];
	v19 =	vadd.f32 v22, v33;
	v22 =	vadd.f32 v28, v27  }
0x2bc: {  	v46 =	vld [tilespmem:s2+$0x6420];
	v45 =	vsub.s32 $0x5F3759DF, v29;
	v30 =	vshrl.u32 v10, $0x1;
	v29 =	vmov s6  }
0x2bd: {  	v47 =	vld [tilespmem:s2+$0x6430];
	v10 =	vmul.f32 $5.000000000e-01, v10;
	s13 =	spop (v2sf);
	v19 =	vadd.f32 v22, v19;
	v2 =	vsub.f32 v8, v29  }
0x2be: {  	s17 =	simm.s32 $0xA;
	v40 =	vld [tilespmem:s2+$0x6440];
	v48 =	vmul.f32 v45, v12;
	s6 =	smul.f32 $1.562500000e-02, s13;
	v1 =	vsub.f32 v9, v29;
	v4 =	vsub.f32 v6, v29  }
0x2bf: {  	s8 =	sand.u32 $0x6, s17;
	v22 =	vld [tilespmem:s2+$0x6450];
	v8 =	vsub.s32 $0x5F3759DF, v30;
	v3 =	vsub.f32 v7, v29;
	s14 =	spop (v2sf);
	(xrf2) =	vadd.scan.msk.f32 $0xffff, v19;
	v7 =	vmul.f32 v2, v2  }
0x2c0: {  	s8 =	sor.u32 s3, s8;
	v9 =	vld [tilespmem:s2+$0x6460];
	v30 =	vmov s6;
	s6 =	smul.f32 $1.562500000e-02, s14;
	[tilespmem:$0x1FC90] =	vst v2;
	v19 =	vmul.f32 v1, v1;
	v49 =	vmul.f32 v4, v4  }
0x2c1: {  	s8 =	sshll.u32 s8, $0x6;
	[tilespmem:$0x1FCA0] =	vst v1;
	v38 =	vsub.f32 v13, v30;
	v2 =	vsub.f32 v16, v30;
	v16 =	vmul.f32 v3, v3  }
0x2c2: {  	s17 =	simm.s32 $0x3;
	s16 =	sand.u32 $0x3FFFFFC0, s8;
	v1 =	vsub.f32 v11, v30;
	v52 =	vld [tilespmem:s2+$0x6470];
	[tilespmem:$0x1FCB0] =	vst v4;
	v4 =	vsub.f32 v14, v30;
	v30 =	vmov s6  }
0x2c3: {  	s13 =	simm.s32 $0xDF00;
	s2 =	sand.u32 $0x6, s17;
	v13 =	vld [tilespmem:s16+$0x6400];
	[tilespmem:$0x1FCC0] =	vst v3;
	v14 =	vmul.f32 v38, v38;
	v50 =	vmul.f32 v2, v2;
	v3 =	vsub.f32 v15, v30  }
0x2c4: {  	v36 =	vmovc v1;
	v51 =	vmul.f32 v1, v1;
	v1 =	vsub.f32 v0, v30;
	v0 =	vsub.f32 v17, v30;
	s2 =	sor.u32 s3, s2;
	v17 =	vld [tilespmem:s13+$0x80]  }
0x2c5: {  	v20 =	vmul.f32 v18, v20;
	v32 =	vmovc v2;
	v2 =	vsub.f32 v23, v30;
	v7 =	vadd.f32 v19, v7;
	v23 =	vld [tilespmem:s13+$0x90];
	s2 =	sshll.u32 s2, $0x8  }
0x2c6: {  	v33 =	vmovc v4;
	v15 =	vmul.f32 v4, v4;
	v4 =	vmul.f32 v54, v42;
	v14 =	vadd.f32 v50, v14;
	v50 =	vld [tilespmem:s13+$0xA0];
	s2 =	sshra.s32 s2, $0x2  }
0x2c7: {  	v16 =	vadd.f32 v16, v49;
	v54 =	vmul.f32 v20, v18;
	v37 =	vmul.f32 v1, v1;
	v49 =	vld [tilespmem:s2+$0x6440]  }
0x2c8: {  	v34 =	vmul.f32 v3, v3;
	v31 =	vmovc v1;
	v15 =	vadd.f32 v15, v51;
	v51 =	vmul.f32 v8, v10;
	v1 =	vld [tilespmem:s2+$0x6460]  }
0x2c9: {  	v48 =	vmul.f32 v45, v48;
	v35 =	vmov v3;
	v3 =	vld [tilespmem:s13+$0xB0]  }
0x2ca: {  	v7 =	vadd.f32 v16, v7;
	v42 =	vld [tilespmem:s2+$0x6470];
	v16 =	vsub.f32 $1.500000000e+00, v54;
	v51 =	vmul.f32 v8, v51;
	v21, _, _ =	vpop (xrf2)  }
0x2cb: {  	v19 =	vadd.f32 v37, v34;
	v37 =	vmovc v2;
	(v2sf) =	vpush v21, $0xF;
	v21 =	vmul.f32 v2, v2;
	v2 =	vld [tilespmem:s2+$0x6450]  }
0x2cc: {  	(xrf2) =	vadd.scan.msk.f32 $0xffff, v7;
	v34 =	vmovc v0;
	v0 =	vmul.f32 v0, v0;
	v7 =	vsub.f32 $1.500000000e+00, v51;
	v54 =	vadd.f32 v49, v17;
	v17 =	vld [tilespmem:s13+$0xFFFFFF30]  }
0x2cd: {  	v49 =	vadd.f32 v1, v50;
	v1 =	vld [tilespmem:s13+$0xFFFFFF80]  }
0x2ce: {  	v7 =	vmul.f32 v8, v7;
	v8 =	vld [tilespmem:s13+$0xFFFFFF20];
	v0 =	vadd.f32 v0, v21;
	v21 =	vsub.f32 $1.500000000e+00, v48  }
0x2cf: {  	v48 =	vld [tilespmem:s13+$0xFFFFFF00]  }
0x2d0: {  	v11 =	vld [tilespmem:s16+$0x6410];
	v20 =	vmul.f32 v5, v62;
	v14 =	vadd.f32 v15, v14;
	v15 =	vmul.f32 v45, v21  }
0x2d1: {  	v45 =	vld [tilespmem:s13+$0xFFFFFF10];
	v51 =	vadd.f32 v2, v23;
	v2 =	vmul.f32 v5, v57  }
0x2d2: {  	v20 =	vmul.f32 v20, v39;
	v50 =	vadd.f32 v42, v3;
	v23 =	vld [tilespmem:s13+$0xFFFFFFA0];
	v12 =	vmul.f32 v15, v12  }
0x2d3: {  	v42 =	vadd.f32 v47, v17;
	v2 =	vmul.f32 v2, v41;
	v41 =	vadd.f32 v46, v8;
	v8 =	vld [tilespmem:s13+$0xFFFFFFB0]  }
0x2d4: {  	v40 =	vadd.f32 v40, v1;
	v39 =	vadd.f32 v43, v48;
	v3 =	vmul.f32 v12, v15;
	v12 =	vld [tilespmem:s13+$0xFFFFFF90]  }
0x2d5: {  	(xrf2) =	vadd.scan.msk.f32 $0xffff, v14;
	v1 =	vld [tilespmem:s13+$0x10];
	v21 =	vadd.f32 v51, v54;
	v48 =	vadd.f32 v50, v49  }
0x2d6: {  	v53 =	vld [tilespmem:s16+$0x6420];
	v0 =	vadd.f32 v0, v19;
	v45 =	vadd.f32 v44, v45  }
0x2d7: {  	v6 =	vld [tilespmem:s16+$0x6430];
	v14 =	vadd.f32 v48, v21;
	v48 =	vadd.f32 v42, v41  }
0x2d8: {  	(xrf2) =	vadd.scan.msk.f32 $0xffff, v0;
	v3 =	vsub.f32 $1.500000000e+00, v3;
	v44 =	vadd.f32 v9, v23;
	v9 =	vld [tilespmem:s13+$0x30]  }
0x2d9: {  	v52 =	vadd.f32 v52, v8;
	v43 =	vadd.f32 v22, v12;
	v12 =	vld [tilespmem:s13+$0x20]  }
0x2da: {  	v47 =	vadd.f32 v11, v1;
	v17 =	vadd.f32 v45, v39  }
0x2db: {  	v11 =	vadd.f32 v52, v44;
	v1 =	vadd.f32 v43, v40  }
0x2dc: {  	v5 =	vmul.f32 v5, v56;
	v3 =	vmul.f32 v3, v15;
	v15 =	vadd.f32 v48, v17  }
0x2dd: {  	v0 =	vmul.f32 v7, v10;
	v10 =	vld [tilespmem:s13+$0x0];
	(xrf2) =	vadd.scan.msk.f32 $0xffff, v14;
	v1 =	vadd.f32 v11, v1  }
0x2de: {  	v5 =	vmul.f32 v5, v63;
	v63, _, _ =	vpop (xrf2);
	(xrf2) =	vadd.scan.msk.f32 $0xffff, v15;
	v48 =	vadd.f32 v53, v12;
	v53 =	vadd.f32 v6, v9;
	v9 =	vld [tilespmem:$0x1FCD0]  }
0x2df: {  	v16 =	vmul.f32 v16, v18;
	v6, _, _ =	vpop (xrf2);
	(xrf2) =	vadd.scan.msk.f32 $0xffff, v1;
	v1 =	vld [tilespmem:$0x1FCF0];
	_ =	sdelay $0x1  }
0x2e0: {  	(v2sf) =	vpush v63, $0xF;
	v63 =	vmul.f32 v16, v62  }
0x2e1: {  	v46 =	vadd.f32 v13, v10;
	v10 =	vmul.f32 v16, v56;
	v11, _, _ =	vpop (xrf2);
	(v2sf) =	vpush v6, $0xF  }
0x2e2: {  	(v2sf) =	vpush v11, $0xF;
	v9 =	vmul.f32 v63, v9;
	v63 =	vld [tilespmem:$0x1FD00]  }
0x2e3: {  	v11 =	vadd.f32 v47, v46;
	v1 =	vmul.f32 v10, v1;
	v10 =	vadd.f32 v53, v48;
	_ =	sdelay $0x1  }
0x2e4: {  	v13 =	vmul.f32 v16, v61;
	v10 =	vadd.f32 v10, v11  }
0x2e5: {  	s6 =	spop (v2sf)  }
0x2e6: {  	s2 =	smul.f32 $1.562500000e-02, s6;
	v13 =	vmul.f32 v13, v63;
	v63, _, _ =	vpop (xrf2);
	(xrf2) =	vadd.scan.msk.f32 $0xffff, v10;
	v10 =	vld [tilespmem:$0x1FD20];
	_ =	sdelay $0x1  }
0x2e7: {  	v15 =	vld [tilespmem:$0x1FCE0];
	v12 =	vmov s2  }
0x2e8: {  	v22 =	vld [tilespmem:$0x1FEF0];
	v12 =	vadd.f32 $9.999999970e-07, v12;
	v6 =	vmul.f32 v3, v57  }
0x2e9: {  	v0 =	vmul.f32 v0, v7;
	v8 =	vmul.f32 v16, v57;
	(v2sf) =	vpush v63, $0xF;
	v63 =	vld [tilespmem:$0x1FD10]  }
0x2ea: {  	v12 =	vbroadcast v12, $0x0;
	v6 =	vmul.f32 v6, v10;
	v10 =	vld [tilespmem:$0x1FD30]  }
0x2eb: {  	v0 =	vsub.f32 $1.500000000e+00, v0  }
0x2ec: {  	v8 =	vmul.f32 v8, v15;
	v15 =	vshrl.u32 v12, $0x1;
	v12 =	vmul.f32 $5.000000000e-01, v12  }
0x2ed: {  	v14 =	vmul.f32 v3, v62;
	v15 =	vsub.s32 $0x5F3759DF, v15;
	v11 =	vmul.f32 v3, v56  }
0x2ee: {  	v0 =	vmul.f32 v0, v7;
	v4 =	vadd.f32 v4, v22;
	v7 =	vmul.f32 v15, v12  }
0x2ef: {  	s2 =	simm.s32 $0x15B00;
	v14 =	vmul.f32 v14, v63;
	v63, _, _ =	vpop (xrf2);
	v10 =	vmul.f32 v11, v10;
	v11 =	vadd.f32 v20, v58  }
0x2f0: {  	v2 =	vadd.f32 v2, v59;
	(v2sf) =	vpush v63, $0xF;
	v63 =	vld [tilespmem:$0x1FD40];
	[tilespmem:s2+$0xB0] =	vst v4  }
0x2f1: {  	v7 =	vmul.f32 v15, v7;
	v4 =	vadd.f32 v5, v60;
	v5 =	vld [tilespmem:$0x1FD50];
	[tilespmem:s2+$0x80] =	vst v11  }
0x2f2: {  	v8 =	vadd.f32 v8, v59;
	v9 =	vadd.f32 v9, v58;
	v11 =	vld [tilespmem:$0x1FD60];
	[tilespmem:s2+$0x90] =	vst v2  }
0x2f3: {  	v7 =	vsub.f32 $1.500000000e+00, v7;
	v2 =	vadd.f32 v13, v22;
	v13 =	vld [tilespmem:$0x1FD70];
	[tilespmem:s2+$0xA0] =	vst v4  }
0x2f4: {  	v3 =	vmul.f32 v3, v61;
	v1 =	vadd.f32 v1, v60;
	[tilespmem:s2+$0xFFFFFF00] =	vst v9  }
0x2f5: {  	v7 =	vmul.f32 v15, v7;
	[tilespmem:s2+$0xFFFFFF10] =	vst v8  }
0x2f6: {  	s8 =	spop (v2sf);
	v3 =	vmul.f32 v3, v63;
	v63 =	vmul.f32 v0, v62;
	[tilespmem:s2+$0xFFFFFF20] =	vst v1  }
0x2f7: {  	s6 =	smul.f32 $1.562500000e-02, s8;
	v15 =	vmul.f32 v0, v57;
	v12 =	vmul.f32 v7, v12;
	[tilespmem:s2+$0xFFFFFF30] =	vst v2  }
0x2f8: {  	s14 =	spop (v2sf);
	v6 =	vadd.f32 v6, v59;
	v10 =	vadd.f32 v10, v60;
	v5 =	vmul.f32 v63, v5;
	v1 =	vld [tilespmem:$0x1FD80]  }
0x2f9: {  	v63 =	vmul.f32 v0, v56;
	v4 =	vmov s6;
	v0 =	vmul.f32 v0, v61;
	s6 =	smul.f32 $1.562500000e-02, s14  }
0x2fa: {  	v9 =	vadd.f32 v14, v58;
	v8 =	vmul.f32 v12, v7;
	v4 =	vadd.f32 $9.999999970e-07, v4  }
0x2fb: {  	v14 =	vadd.f32 v3, v22;
	v5 =	vadd.f32 v5, v58;
	[tilespmem:s2+$0xFFFFFF90] =	vst v6;
	v6 =	vmov s6  }
0x2fc: {  	v4 =	vbroadcast v4, $0x0;
	v6 =	vadd.f32 $9.999999970e-07, v6;
	v11 =	vmul.f32 v15, v11  }
0x2fd: {  	s16 =	spop (v2sf);
	v15, _, _ =	vpop (xrf2);
	v13 =	vmul.f32 v63, v13;
	v1 =	vmul.f32 v0, v1;
	v0 =	vsub.f32 $1.500000000e+00, v8  }
0x2fe: {  	s8 =	smul.f32 $1.562500000e-02, s16;
	(v2sf) =	vpush v15, $0xF;
	v3 =	vshrl.u32 v4, $0x1;
	v2 =	vmul.f32 $5.000000000e-01, v4  }
0x2ff: {  	[tilespmem:s2+$0xFFFFFFB0] =	vst v14;
	v12, _, _ =	vpop (xrf2);
	v14 =	vbroadcast v6, $0x0;
	v56 =	vsub.s32 $0x5F3759DF, v3;
	v3 =	vmul.f32 v0, v7  }
0x300: {  	[tilespmem:s2+$0xFFFFFF80] =	vst v9;
	s17 =	spop (v2sf);
	(v2sf) =	vpush v12, $0xF;
	v0 =	vmul.f32 v56, v2;
	v7 =	vmov s8  }
0x301: {  	[tilespmem:s2+$0xFFFFFFA0] =	vst v10;
	s6 =	smul.f32 $1.562500000e-02, s17;
	v4 =	vadd.f32 v11, v59;
	v7 =	vadd.f32 $9.999999970e-07, v7;
	v8 =	vmul.f32 v3, v61  }
0x302: {  	[tilespmem:s2+$0x0] =	vst v5;
	v57 =	vadd.f32 v13, v60;
	v58 =	vmul.f32 v3, v62;
	v10 =	vmul.f32 v56, v0  }
0x303: {  	s14 =	simm.s32 $0x15B00;
	[tilespmem:s2+$0x10] =	vst v4;
	v4 =	vmov s6;
	v13 =	vbroadcast v7, $0x0;
	v12 =	vmul.f32 v8, v55  }
.LBB2_5:
0x304: {  	_ = 	snop  }
0x305: {  	v54 =	vsub.f32 v54, v4  }
0x306: {  	v51 =	vsub.f32 v51, v4;
	v49 =	vsub.f32 v49, v4  }
0x307: {  	v55 =	vsub.f32 v50, v4;
	v0 =	vshrl.u32 v14, $0x1;
	v15 =	vmul.f32 $5.000000000e-01, v14  }
0x308: {  	s16 =	smov.u32 s0;
	s0 =	sadd.s32 $0x4, s0;
	v5 =	vshrl.u32 v13, $0x1;
	v50 =	vmul.f32 $5.000000000e-01, v13;
	v4 =	vmul.f32 v54, v54  }
0x309: {  	v25 =	vld [tilespmem:$0x1FE90];
	s6 =	sand.u32 $0x4, s0;
	v7 =	vmul.f32 v51, v51;
	v0 =	vsub.s32 $0x5F3759DF, v0;
	v13 =	vmul.f32 v49, v49  }
0x30a: {  	v27 =	vld [tilespmem:$0x1FEC0];
	s6 =	sor.u32 s3, s6;
	v14 =	vmul.f32 v55, v55;
	v17 =	vmul.f32 v0, v15  }
0x30b: {  	v28 =	vld [tilespmem:$0x1FED0];
	v6 =	vadd.f32 v12, v22;
	v10 =	vsub.f32 $1.500000000e+00, v10;
	v16 =	vsub.s32 $0x5F3759DF, v5;
	s6 =	sshll.u32 s6, $0x6;
	s8 =	spop (v2sf)  }
0x30c: {  	v30 =	vmovc v54;
	v54 =	vld [tilespmem:$0x1FEF0];
	s6 =	sand.u32 $0x3FFFFFC0, s6;
	v4 =	vadd.f32 v7, v4;
	v5 =	vadd.f32 v14, v13;
	v17 =	vmul.f32 v0, v17;
	s8 =	smul.f32 $1.562500000e-02, s8  }
0x30d: {  	[tilespmem:s2+$0x20] =	vst v57;
	s2 =	sadd.s32 $0x200, s2;
	v10 =	vmul.f32 v56, v10;
	v12 =	vld [tilespmem:s6+$0x6400]  }
0x30e: {  	[tilespmem:s2+$0xB0] =	vst v6;
	v11 =	vld [tilespmem:s6+$0x6410];
	v4 =	vadd.f32 v5, v4;
	v17 =	vsub.f32 $1.500000000e+00, v17;
	s17 =	spop (v2sf);
	v6 =	vmov s8  }
0x30f: {  	v13 =	vld [tilespmem:s6+$0x6420];
	s8 =	smul.f32 $1.562500000e-02, s17;
	v9 =	vsub.f32 v39, v6;
	v8 =	vsub.f32 v45, v6  }
0x310: {  	v14 =	vld [tilespmem:s6+$0x6440];
	v2 =	vmul.f32 v10, v2;
	s17 =	sadd.s32 $0x6, s16;
	v7 =	vsub.f32 v41, v6;
	v6 =	vsub.f32 v42, v6  }
0x311: {  	v42 =	vld [tilespmem:s6+$0x6430];
	s17 =	sand.u32 $0x6, s17;
	v20 =	vmov s8;
	s8 =	spop (v2sf);
	v18 =	vmul.f32 v9, v9;
	v19 =	vmul.f32 v8, v8  }
0x312: {  	s17 =	sor.u32 s3, s17;
	v21 =	vmul.f32 v7, v7;
	v5 =	vsub.f32 v40, v20;
	v59 =	vsub.f32 v43, v20;
	s8 =	smul.f32 $1.562500000e-02, s8;
	v43 =	vld [tilespmem:s6+$0x6450]  }
0x313: {  	v22 =	vmul.f32 v6, v6;
	v60 =	vsub.f32 v44, v20;
	v57 =	vsub.f32 v52, v20;
	v44 =	vld [tilespmem:s6+$0x6460];
	s17 =	sshll.u32 s17, $0x6  }
0x314: {  	(xrf2) =	vadd.scan.msk.f32 $0xffff, v4;
	v52 =	vld [tilespmem:s6+$0x6470];
	s17 =	sand.u32 $0x3FFFFFC0, s17;
	v20 =	vmul.f32 v5, v5;
	v23 =	vmul.f32 v59, v59;
	v4 =	vmov s8  }
0x315: {  	v39 =	vmul.f32 v60, v60;
	v18 =	vadd.f32 v19, v18;
	v62 =	vsub.f32 v46, v4;
	v46 =	vld [tilespmem:s17+$0x6400]  }
0x316: {  	v40 =	vmul.f32 v57, v57;
	v21 =	vadd.f32 v22, v21;
	v63 =	vsub.f32 v47, v4;
	v47 =	vld [tilespmem:s17+$0x6410]  }
0x317: {  	v61 =	vsub.f32 v48, v4;
	v4 =	vsub.f32 v53, v4;
	v48 =	vld [tilespmem:s17+$0x6420]  }
0x318: {  	s13 =	sadd.s32 $0x200, s13;
	v2 =	vmul.f32 v2, v10;
	v53 =	vld [tilespmem:s17+$0x6430];
	v20 =	vadd.f32 v23, v20;
	v23 =	vadd.f32 v40, v39  }
0x319: {  	v0 =	vmul.f32 v0, v17;
	s8 =	sadd.s32 $0xFFFFFFFF, s16;
	v39 =	vmul.f32 v16, v50;
	v40 =	vld [tilespmem:s13+$0x80]  }
0x31a: {  	s6 =	sand.u32 $0x6, s8;
	v26 =	vadd.f32 v21, v18;
	v19 =	vmul.f32 v62, v62;
	v20 =	vadd.f32 v23, v20;
	v23 =	vld [tilespmem:s13+$0xA0]  }
0x31b: {  	s6 =	sor.u32 s3, s6;
	v41 =	vmul.f32 v63, v63;
	v21 =	vmul.f32 v16, v39;
	v39 =	vld [tilespmem:s13+$0xB0]  }
0x31c: {  	v22 =	vmul.f32 v61, v61;
	v45 =	vmul.f32 v4, v4;
	s6 =	sshll.u32 s6, $0x8;
	(xrf2) =	vadd.scan.msk.f32 $0xffff, v26;
	v26 =	vld [tilespmem:$0x1FEA0]  }
0x31d: {  	s6 =	sshra.s32 s6, $0x2;
	v19 =	vadd.f32 v41, v19;
	v41 =	vld [tilespmem:s13+$0x90]  }
0x31e: {  	v2 =	vsub.f32 $1.500000000e+00, v2;
	v15 =	vmul.f32 v0, v15;
	v22 =	vadd.f32 v45, v22;
	v45 =	vld [tilespmem:s6+$0x6440]  }
0x31f: {  	v18, _, _ =	vpop (xrf2);
	v56 =	vld [tilespmem:s6+$0x6450]  }
0x320: {  	v2 =	vmul.f32 v2, v10;
	v15 =	vmul.f32 v15, v0;
	(v2sf) =	vpush v18, $0xF;
	(xrf2) =	vadd.scan.msk.f32 $0xffff, v20;
	v20 =	vld [tilespmem:$0x1FC70]  }
0x321: {  	v18 =	vmul.f32 v58, v24;
	v24 =	vadd.f32 v1, v54;
	v58 =	vld [tilespmem:s6+$0x6460];
	v1 =	vmovc v51;
	v21 =	vsub.f32 $1.500000000e+00, v21  }
0x322: {  	v10 =	vsub.f32 $1.500000000e+00, v15;
	[tilespmem:$0x1FC70] =	vst v1;
	v1 =	vld [tilespmem:s13+$0xFFFFFF00];
	v19 =	vadd.f32 v22, v19;
	v22 =	vmul.f32 v3, v25  }
0x323: {  	v18 =	vadd.f32 v18, v27;
	[tilespmem:s14+$0x30] =	vst v24;
	v16 =	vmul.f32 v16, v21;
	v21 =	vld [tilespmem:s6+$0x6470]  }
0x324: {  	v0 =	vmul.f32 v10, v0;
	v10 =	vld [tilespmem:s13+$0x0]  }
0x325: {  	[tilespmem:s2+$0x80] =	vst v18;
	v18 =	vld [tilespmem:s13+$0xFFFFFF30];
	v20 =	vmul.f32 v22, v20  }
0x326: {  	v22 =	vmov v49;
	v49 =	vadd.f32 v58, v23;
	v58 =	vld [tilespmem:$0x1FE80]  }
0x327: {  	v54 =	vadd.f32 v20, v28;
	v20 =	vld [tilespmem:$0x1FC80]  }
0x328: {  	[tilespmem:$0x1FC80] =	vst v22;
	v22 =	vld [tilespmem:s13+$0xFFFFFF20]  }
0x329: {  	v29 =	vmul.f32 v16, v50;
	v50 =	vadd.f32 v21, v39;
	v39 =	vadd.f32 v12, v1;
	v1 =	vld [tilespmem:s13+$0xFFFFFF90]  }
0x32a: {  	v3 =	vmul.f32 v3, v26;
	v12 =	vld [tilespmem:s13+$0xFFFFFFA0]  }
0x32b: {  	(xrf2) =	vadd.scan.msk.f32 $0xffff, v19;
	[tilespmem:s2+$0x90] =	vst v54;
	v54 =	vadd.f32 v45, v40;
	v40 =	vld [tilespmem:s13+$0xFFFFFF80]  }
0x32c: {  	v51 =	vadd.f32 v56, v41;
	v3 =	vmul.f32 v3, v20;
	v20 =	vld [tilespmem:s13+$0xFFFFFF10]  }
0x32d: {  	v19 =	vmul.f32 v29, v16;
	v29 =	vld [tilespmem:$0x1FEE0];
	v46 =	vadd.f32 v46, v10;
	v42 =	vadd.f32 v42, v18  }
0x32e: {  	v17 =	vadd.f32 v50, v49;
	v43 =	vadd.f32 v43, v1;
	v1 =	vld [tilespmem:s13+$0x20]  }
0x32f: {  	v23 =	vadd.f32 v51, v54;
	v44 =	vadd.f32 v44, v12;
	v12 =	vld [tilespmem:s13+$0x30]  }
0x330: {  	v41 =	vadd.f32 v13, v22;
	v40 =	vadd.f32 v14, v40;
	v14 =	vld [tilespmem:s13+$0x10]  }
0x331: {  	v13 =	vadd.f32 v17, v23;
	v45 =	vadd.f32 v11, v20;
	v11 =	vld [tilespmem:s13+$0xFFFFFFB0]  }
0x332: {  	v10 =	vmul.f32 v0, v26;
	v24 =	vadd.f32 v3, v29;
	v22 =	vadd.f32 v42, v41;
	v3, _, _ =	vpop (xrf2)  }
0x333: {  	v21 =	vmul.f32 v2, v58;
	s16 =	spop (v2sf);
	v15, _, _ =	vpop (xrf2);
	(v2sf) =	vpush v3, $0xF;
	v48 =	vadd.f32 v48, v1  }
0x334: {  	s6 =	smul.f32 $1.562500000e-02, s16;
	[tilespmem:s2+$0xA0] =	vst v24;
	v24 =	vld [tilespmem:$0x1FEB0];
	(xrf2) =	vadd.scan.msk.f32 $0xffff, v13;
	v53 =	vadd.f32 v53, v12;
	(v2sf) =	vpush v15, $0xF  }
0x335: {  	v17 =	vmul.f32 v2, v25;
	v3, _, _ =	vpop (xrf2);
	v56 =	vadd.f32 v45, v39;
	v47 =	vadd.f32 v47, v14  }
0x336: {  	v14 =	vmov s6;
	(v2sf) =	vpush v3, $0xF;
	v3 =	vld [tilespmem:$0x1FCA0];
	v52 =	vadd.f32 v52, v11  }
0x337: {  	v23 =	vmul.f32 v0, v25;
	v15 =	vmovc v8;
	v1 =	vadd.f32 $9.999999970e-07, v14;
	v14 =	vld [tilespmem:$0x1FC90];
	v18 =	vadd.f32 v22, v56  }
0x338: {  	v20 =	vmul.f32 v2, v26;
	[tilespmem:$0x1FCA0] =	vst v15;
	v15 =	vld [tilespmem:$0x1FCB0];
	v11 =	vadd.f32 v43, v40;
	v22 =	vadd.f32 v52, v44  }
0x339: {  	v13 =	vmul.f32 v0, v58;
	v0 =	vmul.f32 v0, v24;
	v12 =	vadd.f32 v47, v46  }
0x33a: {  	v2 =	vmul.f32 v2, v24;
	v56 =	vmovc v9;
	v9 =	vadd.f32 v22, v11;
	v11 =	vadd.f32 v53, v48  }
0x33b: {  	v1 =	vbroadcast v1, $0x0;
	v0 =	vmul.f32 v0, v33  }
0x33c: {  	(xrf2) =	vadd.scan.msk.f32 $0xffff, v18;
	v3 =	vmul.f32 v17, v3;
	v14 =	vmul.f32 v21, v14;
	v11 =	vadd.f32 v11, v12  }
0x33d: {  	v8 =	vshrl.u32 v1, $0x1;
	v1 =	vmul.f32 $5.000000000e-01, v1;
	v15 =	vmul.f32 v20, v15;
	(xrf2) =	vadd.scan.msk.f32 $0xffff, v9  }
0x33e: {  	v8 =	vsub.s32 $0x5F3759DF, v8;
	v3 =	vadd.f32 v3, v28;
	v9 =	vsub.f32 $1.500000000e+00, v19;
	v12, _, _ =	vpop (xrf2);
	(xrf2) =	vadd.scan.msk.f32 $0xffff, v11;
	v11 =	vld [tilespmem:$0x1FCC0]  }
0x33f: {  	[tilespmem:$0x1FC90] =	vst v56;
	v56 =	vmovc v7;
	v7 =	vadd.f32 v14, v27;
	(v2sf) =	vpush v12, $0xF;
	v12 =	vmul.f32 v8, v1  }
0x340: {  	v22 =	vld [tilespmem:$0x1FEF0];
	[tilespmem:s2+$0xFFFFFF10] =	vst v3;
	v14 =	vmov v6;
	v6 =	vadd.f32 v15, v29;
	v9 =	vmul.f32 v9, v16  }
0x341: {  	v3 =	vmul.f32 v23, v32;
	[tilespmem:s2+$0xFFFFFF00] =	vst v7;
	v12 =	vmul.f32 v8, v12  }
0x342: {  	[tilespmem:s2+$0xFFFFFF20] =	vst v6;
	v6 =	vmul.f32 v10, v36;
	v7 =	vmul.f32 v9, v25  }
0x343: {  	[tilespmem:$0x1FCC0] =	vst v14;
	v14 =	vmul.f32 v9, v26;
	v12 =	vsub.f32 $1.500000000e+00, v12;
	v2 =	vmul.f32 v2, v11  }
0x344: {  	v3 =	vadd.f32 v3, v28;
	s17 =	spop (v2sf);
	v11 =	vmul.f32 v13, v38;
	v13 =	vmul.f32 v9, v58  }
0x345: {  	v0 =	vadd.f32 v0, v22;
	s6 =	smul.f32 $1.562500000e-02, s17;
	v9 =	vmul.f32 v9, v24;
	v38 =	vmovc v5;
	v5 =	vmul.f32 v8, v12  }
0x346: {  	v2 =	vadd.f32 v2, v22;
	v8 =	vmul.f32 v13, v35;
	v10 =	vadd.f32 v11, v27  }
0x347: {  	v11 =	vmul.f32 v14, v37;
	v13 =	vmov s6;
	v14 =	vmul.f32 v5, v1  }
0x348: {  	v15, _, _ =	vpop (xrf2);
	v6 =	vadd.f32 v6, v29;
	v7 =	vmul.f32 v7, v31;
	[tilespmem:s2+$0xFFFFFF30] =	vst v2;
	v2 =	vadd.f32 $9.999999970e-07, v13  }
0x349: {  	s8 =	spop (v2sf);
	(v2sf) =	vpush v15, $0xF;
	v1 =	vmul.f32 v9, v34;
	v12, _, _ =	vpop (xrf2);
	v9 =	vmul.f32 v14, v5  }
0x34a: {  	s6 =	smul.f32 $1.562500000e-02, s8;
	v34 =	vmovc v4;
	v4 =	vadd.f32 v7, v28;
	(v2sf) =	vpush v12, $0xF;
	v2 =	vbroadcast v2, $0x0  }
0x34b: {  	[tilespmem:s2+$0xFFFFFF90] =	vst v3;
	s16 =	spop (v2sf);
	v8 =	vadd.f32 v8, v27;
	v9 =	vsub.f32 $1.500000000e+00, v9  }
0x34c: {  	p1 =	slt.u32 s0, $0x7C;
	[tilespmem:s2+$0xFFFFFFA0] =	vst v6;
	s8 =	smul.f32 $1.562500000e-02, s16;
	v6 =	vmov s6;
	v3 =	vshrl.u32 v2, $0x1;
	v2 =	vmul.f32 $5.000000000e-01, v2  }
.Ltmp3:
0x34d: {  	v33 =	vmovc v57;
	[tilespmem:$0x1FCB0] =	vst v56;
	v57 =	vadd.f32 v11, v29;
	v56 =	vsub.s32 $0x5F3759DF, v3;
	v3 =	vmul.f32 v9, v5;
	(pc) =	sbr.rel @p1 .LBB2_5-.Ltmp3, $4  }
0x34e: {  	v32 =	vmovc v59;
	v36 =	vmovc v60;
	[tilespmem:s2+$0xFFFFFFB0] =	vst v0;
	s17 =	spop (v2sf);
	v5 =	vadd.f32 $9.999999970e-07, v6;
	v6 =	vmov s8;
	v0 =	vmul.f32 v56, v2  }
0x34f: {  	[tilespmem:s2+$0xFFFFFF80] =	vst v10;
	v10, _, _ =	vpop (xrf2);
	s6 =	smul.f32 $1.562500000e-02, s17;
	v6 =	vadd.f32 $9.999999970e-07, v6;
	v58 =	vmul.f32 v3, v58;
	v7 =	vmul.f32 v3, v24  }
0x350: {  	v31 =	vmovc v63;
	v35 =	vmovc v62;
	[tilespmem:s2+$0x10] =	vst v4;
	(v2sf) =	vpush v10, $0xF;
	v14 =	vbroadcast v5, $0x0;
	v10 =	vmul.f32 v56, v0  }
0x351: {  	s14 =	smov.u32 s2;
	v37 =	vmovc v61;
	[tilespmem:s2+$0x0] =	vst v8;
	v24 =	vmovc v30;
	v4 =	vmov s6;
	v13 =	vbroadcast v6, $0x0;
	v12 =	vmul.f32 v7, v55  }
0x352: {  	v9 =	vsub.f32 v54, v4;
	v7 =	vsub.f32 v51, v4  }
0x353: {  	v8 =	vsub.f32 v49, v4;
	v11 =	vsub.f32 v50, v4  }
0x354: {  	v0 =	vmul.f32 v9, v9;
	v27 =	vmul.f32 v7, v7  }
0x355: {  	v5 =	vmul.f32 v8, v8;
	v6 =	vmul.f32 v11, v11;
	_ =	sdelay $0x1  }
0x356: {  	v0 =	vadd.f32 v27, v0;
	v28 =	vadd.f32 v6, v5;
	_ =	sdelay $0x1  }
0x357: {  	s0 =	spop (v2sf);
	v0 =	vadd.f32 v28, v0  }
0x358: {  	s0 =	smul.f32 $1.562500000e-02, s0  }
0x359: {  	s16 =	spop (v2sf);
	(xrf2) =	vadd.scan.msk.f32 $0xffff, v0  }
0x35a: {  	v29 =	vmov s0;
	s0 =	smul.f32 $1.562500000e-02, s16  }
0x35b: {  	v51 =	vsub.f32 v39, v29  }
0x35c: {  	v49 =	vsub.f32 v45, v29;
	v45 =	vsub.f32 v41, v29;
	v39 =	vmov s0  }
0x35d: {  	v30 =	vmul.f32 v51, v51;
	v50 =	vsub.f32 v40, v39;
	v43 =	vsub.f32 v43, v39  }
0x35e: {  	v6 =	vsub.f32 v42, v29;
	v15 =	vmul.f32 v49, v49;
	v16 =	vmul.f32 v45, v45;
	s3 =	spop (v2sf)  }
0x35f: {  	s17 =	smul.f32 $1.562500000e-02, s3;
	v18 =	vmul.f32 v50, v50;
	v19 =	vmul.f32 v43, v43  }
0x360: {  	v17 =	vmul.f32 v6, v6;
	v42 =	vsub.f32 v44, v39;
	v5 =	vsub.f32 v52, v39  }
0x361: {  	v0 =	vadd.f32 v15, v30;
	v44 =	vmov s17;
	v18 =	vadd.f32 v19, v18  }
0x362: {  	v20 =	vmul.f32 v42, v42;
	v40 =	vsub.f32 v46, v44;
	v46 =	vadd.f32 v17, v16  }
0x363: {  	v41 =	vsub.f32 v47, v44;
	v47 =	vmul.f32 v5, v5;
	v39 =	vsub.f32 v48, v44;
	v54, _, _ =	vpop (xrf2)  }
0x364: {  	v4 =	vsub.f32 v53, v44;
	(v2sf) =	vpush v54, $0xF  }
0x365: {  	v52 =	vmul.f32 v40, v40;
	v53 =	vmul.f32 v41, v41;
	v16 =	vadd.f32 v47, v20  }
0x366: {  	v0 =	vadd.f32 v46, v0;
	v20 =	vmul.f32 v39, v39;
	v21 =	vmul.f32 v4, v4  }
0x367: {  	v10 =	vsub.f32 $1.500000000e+00, v10;
	v16 =	vadd.f32 v16, v18  }
0x368: {  	(xrf2) =	vadd.scan.msk.f32 $0xffff, v0;
	v15 =	vadd.f32 v53, v52;
	v60 =	vadd.f32 v21, v20;
	_ =	sdelay $0x1  }
0x369: {  	v10 =	vmul.f32 v56, v10;
	(xrf2) =	vadd.scan.msk.f32 $0xffff, v16;
	v15 =	vadd.f32 v60, v15  }
0x36a: {  	v55 =	vshrl.u32 v14, $0x1;
	v59 =	vmul.f32 $5.000000000e-01, v14  }
0x36b: {  	v2 =	vmul.f32 v10, v2;
	v0 =	vsub.s32 $0x5F3759DF, v55;
	(xrf2) =	vadd.scan.msk.f32 $0xffff, v15  }
0x36c: {  	v61 =	vmul.f32 v0, v59  }
0x36d: {  	v62 =	vshrl.u32 v13, $0x1;
	v63 =	vmul.f32 $5.000000000e-01, v13;
	v2 =	vmul.f32 v2, v10  }
0x36e: {  	v17 =	vsub.s32 $0x5F3759DF, v62;
	v48 =	vld [tilespmem:$0x1FEA0];
	v16 =	vmul.f32 v0, v61  }
0x36f: {  	v2 =	vsub.f32 $1.500000000e+00, v2;
	v25 =	vmul.f32 v17, v63;
	v47 =	vld [tilespmem:$0x1FE90]  }
0x370: {  	v56 =	vld [tilespmem:$0x1FC80];
	v16 =	vsub.f32 $1.500000000e+00, v16  }
0x371: {  	v2 =	vmul.f32 v2, v10;
	v15 =	vmul.f32 v17, v25;
	v26, _, _ =	vpop (xrf2)  }
0x372: {  	v30 =	vmul.f32 v58, v24;
	v46 =	vld [tilespmem:$0x1FE80];
	v0 =	vmul.f32 v0, v16;
	(v2sf) =	vpush v26, $0xF;
	s3 =	spop (v2sf)  }
0x373: {  	v23 =	vld [tilespmem:$0x1FC90];
	v28 =	vmul.f32 v3, v48;
	v62 =	vmul.f32 v2, v48;
	v15 =	vsub.f32 $1.500000000e+00, v15;
	v29, _, _ =	vpop (xrf2);
	s0 =	smul.f32 $1.562500000e-02, s3  }
0x374: {  	v52 =	vld [tilespmem:$0x1FEC0];
	v27 =	vmul.f32 v3, v47;
	v14 =	vmul.f32 v0, v59;
	(v2sf) =	vpush v29, $0xF  }
0x375: {  	v44 =	vld [tilespmem:$0x1FEB0];
	v3 =	vmul.f32 v28, v56;
	v15 =	vmul.f32 v17, v15;
	v58, _, _ =	vpop (xrf2);
	v61 =	vmov s0  }
0x376: {  	v55 =	vld [tilespmem:$0x1FC70];
	v14 =	vmul.f32 v14, v0;
	(v2sf) =	vpush v58, $0xF;
	v16 =	vadd.f32 $9.999999970e-07, v61  }
0x377: {  	v54 =	vld [tilespmem:$0x1FEE0];
	v59 =	vmul.f32 v2, v46;
	v13 =	vmul.f32 v15, v63  }
0x378: {  	v53 =	vld [tilespmem:$0x1FED0];
	v60 =	vmul.f32 v2, v47;
	v14 =	vsub.f32 $1.500000000e+00, v14;
	v16 =	vbroadcast v16, $0x0  }
0x379: {  	v28 =	vld [tilespmem:$0x1FCB0];
	v18 =	vadd.f32 v30, v52;
	v17 =	vmul.f32 v59, v23;
	v13 =	vmul.f32 v13, v15  }
0x37a: {  	v30 =	vld [tilespmem:$0x1FCC0];
	v0 =	vmul.f32 v14, v0;
	v23 =	vshrl.u32 v16, $0x1;
	v16 =	vmul.f32 $5.000000000e-01, v16  }
0x37b: {  	v10 =	vmul.f32 v27, v55;
	v63 =	vld [tilespmem:$0x1FCA0];
	v13 =	vsub.f32 $1.500000000e+00, v13;
	v23 =	vsub.s32 $0x5F3759DF, v23  }
0x37c: {  	v1 =	vadd.f32 v1, v22;
	v20 =	vmul.f32 v0, v46;
	v29 =	vmul.f32 v23, v16  }
0x37d: {  	v12 =	vadd.f32 v12, v22;
	v2 =	vmul.f32 v2, v44;
	v13 =	vmul.f32 v13, v15  }
0x37e: {  	v3 =	vadd.f32 v3, v54;
	v15 =	vmul.f32 v20, v38;
	v20 =	vmul.f32 v23, v29  }
0x37f: {  	v10 =	vadd.f32 v10, v53;
	v19 =	vmul.f32 v62, v28;
	v2 =	vmul.f32 v2, v30  }
0x380: {  	v14 =	vmul.f32 v60, v63;
	v21 =	vmul.f32 v0, v47;
	v20 =	vsub.f32 $1.500000000e+00, v20  }
0x381: {  	v19 =	vadd.f32 v19, v54;
	v22 =	vmul.f32 v0, v48;
	v0 =	vmul.f32 v0, v44;
	s6 =	spop (v2sf)  }
0x382: {  	v17 =	vadd.f32 v17, v52;
	v25 =	vmul.f32 v13, v47;
	s0 =	smul.f32 $1.562500000e-02, s6;
	v20 =	vmul.f32 v23, v20;
	v23 =	vld [tilespmem:$0x1FEF0]  }
0x383: {  	v14 =	vadd.f32 v14, v53;
	v26 =	vmul.f32 v13, v48;
	v38 =	vmul.f32 v13, v46;
	s8 =	spop (v2sf)  }
0x384: {  	v21 =	vmul.f32 v21, v32;
	v13 =	vmul.f32 v13, v44;
	v27 =	vmov s0;
	s0 =	smul.f32 $1.562500000e-02, s8  }
0x385: {  	v22 =	vmul.f32 v22, v36;
	v0 =	vmul.f32 v0, v33;
	v27 =	vadd.f32 $9.999999970e-07, v27;
	s13 =	spop (v2sf)  }
0x386: {  	s16 =	sadd.s32 $0x200, s2;
	v25 =	vmul.f32 v25, v31;
	v26 =	vmul.f32 v26, v37;
	[tilespmem:s2+$0x20] =	vst v57;
	v55 =	vmov s0;
	s0 =	smul.f32 $1.562500000e-02, s13  }
0x387: {  	[tilespmem:s16+$0xB0] =	vst v12;
	v2 =	vadd.f32 v2, v23;
	v23 =	vbroadcast v27, $0x0;
	v27 =	vadd.f32 $9.999999970e-07, v55  }
0x388: {  	v24 =	vmul.f32 v38, v35;
	[tilespmem:s16+$0x80] =	vst v18;
	v16 =	vmul.f32 v20, v16;
	v29 =	vmov s0  }
0x389: {  	[tilespmem:s16+$0x90] =	vst v10;
	v28 =	vshrl.u32 v23, $0x1;
	v23 =	vmul.f32 $5.000000000e-01, v23;
	v27 =	vbroadcast v27, $0x0  }
0x38a: {  	[tilespmem:s16+$0xA0] =	vst v3;
	v16 =	vmul.f32 v16, v20;
	v29 =	vadd.f32 $9.999999970e-07, v29;
	v28 =	vsub.s32 $0x5F3759DF, v28  }
0x38b: {  	[tilespmem:s16+$0xFFFFFF00] =	vst v17;
	v56 =	vmul.f32 v28, v23;
	v58 =	vshrl.u32 v27, $0x1;
	v27 =	vmul.f32 $5.000000000e-01, v27  }
0x38c: {  	[tilespmem:s16+$0xFFFFFF10] =	vst v14;
	v61 =	vsub.f32 $1.500000000e+00, v16;
	v29 =	vbroadcast v29, $0x0;
	v60 =	vsub.s32 $0x5F3759DF, v58  }
0x38d: {  	v37 =	vadd.f32 v22, v54;
	[tilespmem:s14+$0x30] =	vst v1;
	v59 =	vmul.f32 v28, v56;
	v62 =	vmul.f32 v60, v27  }
0x38e: {  	v22 =	vld [tilespmem:$0x1FEF0];
	v30 =	vmul.f32 v61, v20;
	v63 =	vshrl.u32 v29, $0x1;
	v29 =	vmul.f32 $5.000000000e-01, v29  }
0x38f: {  	v32 =	vsub.s32 $0x5F3759DF, v63;
	v12 =	vsub.f32 $1.500000000e+00, v59;
	v16 =	vmul.f32 v60, v62  }
0x390: {  	v33 =	vadd.f32 v15, v52;
	v1 =	vmul.f32 v13, v34;
	v34 =	vmul.f32 v32, v29  }
0x391: {  	v36 =	vmul.f32 v30, v44;
	v12 =	vmul.f32 v28, v12;
	v16 =	vsub.f32 $1.500000000e+00, v16  }
0x392: {  	v35 =	vadd.f32 v21, v53;
	v38 =	vmul.f32 v30, v46;
	v15 =	vmul.f32 v32, v34  }
0x393: {  	[tilespmem:s16+$0xFFFFFF20] =	vst v19;
	v0 =	vadd.f32 v0, v22;
	v20 =	vmul.f32 v12, v23;
	v16 =	vmul.f32 v60, v16  }
0x394: {  	[tilespmem:s16+$0xFFFFFF80] =	vst v33;
	v10 =	vmul.f32 v30, v48;
	v55 =	vmul.f32 v36, v11;
	v56 =	vsub.f32 $1.500000000e+00, v15  }
0x395: {  	[tilespmem:s16+$0xFFFFFF90] =	vst v35;
	v61 =	vadd.f32 v25, v53;
	v57 =	vmul.f32 v20, v12;
	v20 =	vmul.f32 v16, v27  }
0x396: {  	[tilespmem:s16+$0xFFFFFFA0] =	vst v37;
	v63 =	vadd.f32 v26, v54;
	v9 =	vmul.f32 v38, v9;
	v11 =	vmul.f32 v32, v56  }
0x397: {  	[tilespmem:s16+$0xFFFFFF30] =	vst v2;
	v26 =	vmul.f32 v10, v8;
	v60 =	vsub.f32 $1.500000000e+00, v57;
	v62 =	vmul.f32 v20, v16  }
0x398: {  	[tilespmem:s16+$0xFFFFFFB0] =	vst v0;
	v58 =	vadd.f32 v24, v52;
	v59 =	vmul.f32 v30, v47;
	v24 =	vmul.f32 v11, v29  }
0x399: {  	[tilespmem:s16+$0x10] =	vst v61;
	v2 =	vadd.f32 v55, v22;
	v12 =	vmul.f32 v60, v12;
	v27 =	vsub.f32 $1.500000000e+00, v62  }
0x39a: {  	[tilespmem:s16+$0x0] =	vst v58;
	v36 =	vadd.f32 v26, v54;
	v25 =	vmul.f32 v59, v7;
	v28 =	vmul.f32 v24, v11  }
0x39b: {  	s2 =	sadd.s32 $0x200, s16;
	[tilespmem:s16+$0x20] =	vst v63;
	v32 =	vadd.f32 v9, v52;
	v13 =	vmul.f32 v12, v46;
	v30 =	vmul.f32 v27, v16  }
0x39c: {  	[tilespmem:s2+$0xB0] =	vst v2;
	v38 =	vsub.f32 $1.500000000e+00, v28;
	v31 =	vmul.f32 v12, v47;
	v33 =	vmul.f32 v12, v48  }
0x39d: {  	[tilespmem:s2+$0xA0] =	vst v36;
	v34 =	vadd.f32 v25, v53;
	v12 =	vmul.f32 v12, v44;
	v13 =	vmul.f32 v13, v51  }
0x39e: {  	v29 =	vadd.f32 v1, v22;
	[tilespmem:s2+$0x80] =	vst v32;
	v0 =	vmul.f32 v38, v11;
	v8 =	vmul.f32 v31, v49  }
0x39f: {  	[tilespmem:s2+$0x90] =	vst v34;
	v35 =	vmul.f32 v30, v46;
	v9 =	vmul.f32 v33, v45;
	v45 =	vadd.f32 v13, v52  }
0x3a0: {  	[tilespmem:s16+$0x30] =	vst v29;
	v37 =	vmul.f32 v30, v47;
	v6 =	vmul.f32 v12, v6;
	v8 =	vadd.f32 v8, v53  }
0x3a1: {  	v49 =	vmul.f32 v30, v48;
	v3 =	vmul.f32 v35, v50;
	v9 =	vadd.f32 v9, v54;
	[tilespmem:s2+$0xFFFFFF00] =	vst v45  }
0x3a2: {  	v1 =	vmul.f32 v30, v44;
	v7 =	vmul.f32 v37, v43;
	v6 =	vadd.f32 v6, v22;
	[tilespmem:s2+$0xFFFFFF10] =	vst v8  }
0x3a3: {  	v51 =	vmul.f32 v0, v46;
	v2 =	vmul.f32 v49, v42;
	[tilespmem:s2+$0xFFFFFF20] =	vst v9;
	v3 =	vadd.f32 v3, v52  }
0x3a4: {  	v55 =	vmul.f32 v0, v47;
	v1 =	vmul.f32 v1, v5;
	[tilespmem:s2+$0xFFFFFF30] =	vst v6;
	v56 =	vadd.f32 v7, v53  }
0x3a5: {  	v57 =	vmul.f32 v0, v48;
	v58 =	vmul.f32 v51, v40;
	v2 =	vadd.f32 v2, v54;
	[tilespmem:s2+$0xFFFFFF80] =	vst v3  }
0x3a6: {  	s17 =	sshll.u32 s1, $0x4;
	v0 =	vmul.f32 v0, v44;
	v59 =	vmul.f32 v55, v41;
	v1 =	vadd.f32 v1, v22;
	[tilespmem:s2+$0xFFFFFF90] =	vst v56  }
0x3a7: {  	s0 =	sadd.s32 s9, s17;
	v60 =	vmul.f32 v57, v39;
	v61 =	vadd.f32 v58, v52;
	[tilespmem:s2+$0xFFFFFFA0] =	vst v2  }
0x3a8: {  	s0 =	smul.u32 $0x6400, s0;
	v0 =	vmul.f32 v0, v4;
	v62 =	vadd.f32 v59, v53;
	[tilespmem:s2+$0xFFFFFFB0] =	vst v1  }
.Ltmp4:
0x3a9: {  	s31 =	sshll.u32 s31, $0xA;
	v63 =	vadd.f32 v60, v54;
	[tilespmem:s2+$0x0] =	vst v61;
	(pc) =	sbr.rel @p0 .LBB2_8-.Ltmp4, $4  }
0x3aa: {  	s0 =	sadd.s32 s31, s0;
	v0 =	vadd.f32 v0, v22;
	[tilespmem:s2+$0x10] =	vst v62  }
0x3ab: {  	s0 =	sshrl.u32 s0, $0x3;
	[tilespmem:s2+$0x20] =	vst v63  }
0x3ac: {  	s0 =	sadd.s32 s7, s0;
	[tilespmem:s2+$0x30] =	vst v0  }
0x3ad: {  	[hbm4b:s0+s21] =	stream.strided.scatter [tilespmem:s24], [sflag:$0x4], $0x4000, s12, s21, $0x38;
	[tilespmem:$0x19A00] =	vst v63  }
0x3ae: {  	s0 =	sadd.s32 $0x3, s30  }
0x3af: {  	s1 =	smulhi.u32 $0x51EB851F, s0;
	_ =	sdelay $0x1  }
0x3b0: {  	s1 =	sshrl.u32 s1, $0x3  }
0x3b1: {  	v2 =	vld [tilespmem:$0x1FF00];
	s2 =	smul.u32 $0x19, s1;
	_ =	sdelay $0x1  }
0x3b2: {  	s1 =	smul.u32 $0xC80, s1;
	s0 =	ssub.s32 s0, s2  }
0x3b3: {  	s0 =	sshll.u32 s0, $0x3  }
0x3b4: {  	s0 =	sadd.s32 s0, s1  }
0x3b5: {  	v0 =	vadd.s32 s0, v2;
	_ =	sdelay $0x4  }
0x3b6: {  	s1 =	sadd.s32 $0x190, s0;
	v0 =	vld.idx.msk [tilespmem:v0+s4+$0x0], $0xffff  }
0x3b7: {  	v1 =	vadd.s32 s1, v2;
	_ =	sdelay $0x3  }
0x3b8: {  	[tilespmem:$0x9980] =	vst v0  }
0x3b9: {  	s14 =	sadd.s32 $0x320, s0;
	v0 =	vld.idx.msk [tilespmem:v1+s4+$0x0], $0xffff  }
0x3ba: {  	v58 =	vadd.s32 s14, v2;
	_ =	sdelay $0x3  }
0x3bb: {  	[tilespmem:$0x9990] =	vst v0  }
0x3bc: {  	s16 =	sadd.s32 $0x4B0, s0;
	v0 =	vld.idx.msk [tilespmem:v58+s4+$0x0], $0xffff  }
0x3bd: {  	v59 =	vadd.s32 s16, v2;
	_ =	sdelay $0x3  }
0x3be: {  	[tilespmem:$0x99A0] =	vst v0  }
0x3bf: {  	s17 =	sadd.s32 $0x640, s0;
	v0 =	vld.idx.msk [tilespmem:v59+s4+$0x0], $0xffff  }
0x3c0: {  	v60 =	vadd.s32 s17, v2;
	_ =	sdelay $0x3  }
0x3c1: {  	[tilespmem:$0x99B0] =	vst v0  }
0x3c2: {  	s30 =	sadd.s32 $0x7D0, s0;
	v0 =	vld.idx.msk [tilespmem:v60+s4+$0x0], $0xffff  }
0x3c3: {  	v61 =	vadd.s32 s30, v2;
	_ =	sdelay $0x3  }
0x3c4: {  	[tilespmem:$0x99C0] =	vst v0  }
0x3c5: {  	s31 =	sadd.s32 $0x960, s0;
	v0 =	vld.idx.msk [tilespmem:v61+s4+$0x0], $0xffff  }
0x3c6: {  	v62 =	vadd.s32 s31, v2;
	_ =	sdelay $0x3  }
0x3c7: {  	[tilespmem:$0x99D0] =	vst v0  }
0x3c8: {  	s0 =	sadd.s32 $0xAF0, s0;
	v0 =	vld.idx.msk [tilespmem:v62+s4+$0x0], $0xffff  }
0x3c9: {  	v63 =	vadd.s32 s0, v2;
	_ =	sdelay $0x3  }
0x3ca: {  	[tilespmem:$0x99E0] =	vst v0  }
0x3cb: {  	v0 =	vld.idx.msk [tilespmem:v63+s4+$0x0], $0xffff;
	_ =	sdelay $0x1  }
.Ltmp5:
0x3cc: {  	_ = 	snop;
	(pc) =	sbr.rel .LBB2_2-.Ltmp5, $3  }
0x3cd: {  	_ =	sdelay $0x1  }
0x3ce: {  	s29 =	sadd.s32 $0x1, s29;
	[tilespmem:$0x99F0] =	vst v0  }
0x3cf: {  	[tilespmem:s19], [sflag:$0x2] =	stream.indirect.gather [hbm4b:s5+s15], $0x80, s18, s15, $0xb8;
	[tilespmem:$0x19A00] =	vst v63  }
.LBB2_9:
0x3d0: {  	_ =	sfence.sel $0x180000  }
0x3d1: {  	[bflag:$0x0] =	sbarrier.arrive $0xFFFF  }
0x3d2: {  	_ =	strace $0x90000047  }
0x3d3: {  	s0 =	stileid.u32;
	[bflag:$0x2] =	sbarrier.arrive $0xFFFF  }
0x3d4: {  	p0 =	sne.s32 s0, $0x0;
	s0 =	rddreg [dreg:$0x4]  }
0x3d5: {  	s0 =	sadd.s32 @!p0 $0x100000, s0  }
0x3d6: {  	[sflag:s0] =	ssyncadd.tile.s32 @!p0 $0x1;
	_ =	shalt  }
.Lfunc_end2:
_tile_overlayer_lowered:
.L_overlay_start_2:
0x3d7: {  	(tag) =	ssettag $0x2  }
0x3d8: {  	s0 =	rddreg [dreg:$0x0];
	s2 =	stileid.u32  }
0x3d9: {  	s1 =	rddreg [dreg:$0x1];
	p0 =	sne.s32 s2, $0x0  }
0x3da: {  	s3 =	rddreg [dreg:$0x2];
	[bflag:$0x3] =	sbarrier.arrive $0xFFFF;
	s2 =	simm.s32 @!p0 $0x1C05  }
0x3db: {  	[timem:s3], [sflag:s2] =	dma.local @!p0 [hbm:s0], s1  }
0x3dc: {  	s0 =	simm.s32 @!p0 $0x5  }
0x3dd: {  	_ =	swait.ge @!p0 [sflag:s0], s1  }
0x3de: {  	s1 =	ssub.s32 @!p0 $0x0, s1;
	[sflag:s0] =	ssyncset.done @!p0 $0x0  }
0x3df: {  	[sflag:s0] =	ssyncadd.s32 @!p0 s1  }
0x3e0: {  	[bflag:$0x3] =	sbarrier.arrive $0xFFFF  }
0x3e1: {  	_ =	shalt  }

</sc_bundles>
